<compile_context>
chip_gen: v7x
topology: tpu7x:2x2x1
jax: 0.10.2.dev20260603
libtpu: 0.0.44.dev20260713+nightly
codegen_flags: <defaults>
</compile_context>

<pallas_src>
import jax
import jax.numpy as jnp
from jax import lax
from jax.experimental import pallas as pl
from jax.experimental.pallas import tpu as pltpu
from jax.experimental.pallas import tpu_sc as plsc

N = 10000
E = 320000
IN_DIM = 128
OUT_DIM = 32
NUM_HEADS = 4
FEAT = 4

N2 = 10240
NW = 32
ESUB = 10240
EPAD = NW * ESUB
C = 1024
K = C // 128
NB = 1024
EB = EPAD // 10


def _prep_node_body(h_ref, w_ref, a_ref, z_ref, es_ref, ed_ref):
    hb = h_ref[...]
    for i in range(NUM_HEADS):
        z = jnp.dot(hb, w_ref[i], preferred_element_type=jnp.float32)
        z_ref[i] = z
        a1 = a_ref[i, 0:OUT_DIM]
        a2 = a_ref[i, OUT_DIM:2 * OUT_DIM]
        es_ref[i] = jnp.sum(z * a1[None, :], axis=1)
        ed_ref[i] = jnp.sum(z * a2[None, :], axis=1)


def _prep_node(h_p, W, a):
    return pl.pallas_call(
        _prep_node_body,
        grid=(N2 // NB,),
        in_specs=[
            pl.BlockSpec((NB, IN_DIM), lambda r: (r, 0)),
            pl.BlockSpec((NUM_HEADS, IN_DIM, OUT_DIM), lambda r: (0, 0, 0)),
            pl.BlockSpec((NUM_HEADS, 3 * OUT_DIM), lambda r: (0, 0)),
        ],
        out_specs=(
            pl.BlockSpec((NUM_HEADS, NB, OUT_DIM), lambda r: (0, r, 0)),
            pl.BlockSpec((NUM_HEADS, NB), lambda r: (0, r)),
            pl.BlockSpec((NUM_HEADS, NB), lambda r: (0, r)),
        ),
        out_shape=(
            jax.ShapeDtypeStruct((NUM_HEADS, N2, OUT_DIM), jnp.float32),
            jax.ShapeDtypeStruct((NUM_HEADS, N2), jnp.float32),
            jax.ShapeDtypeStruct((NUM_HEADS, N2), jnp.float32),
        ),
    )(h_p, W, a)


def _prep_edge_body(eat_ref, wf_ref, bf_ref, a_ref, ef_ref):
    for i in range(NUM_HEADS):
        a3 = a_ref[i, 2 * OUT_DIM:3 * OUT_DIM]
        ef = jnp.full((EB,), jnp.sum(bf_ref[i] * a3), jnp.float32)
        for k in range(FEAT):
            ef = ef + eat_ref[k] * jnp.sum(wf_ref[i, k] * a3)
        ef_ref[i] = ef


def _prep_edge(ea_t, Wf, bf, a):
    return pl.pallas_call(
        _prep_edge_body,
        grid=(EPAD // EB,),
        in_specs=[
            pl.BlockSpec((FEAT, EB), lambda b: (0, b)),
            pl.BlockSpec((NUM_HEADS, FEAT, OUT_DIM), lambda b: (0, 0, 0)),
            pl.BlockSpec((NUM_HEADS, OUT_DIM), lambda b: (0, 0)),
            pl.BlockSpec((NUM_HEADS, 3 * OUT_DIM), lambda b: (0, 0)),
        ],
        out_specs=pl.BlockSpec((NUM_HEADS, EB), lambda b: (0, b)),
        out_shape=jax.ShapeDtypeStruct((NUM_HEADS, EPAD), jnp.float32),
    )(ea_t, Wf, bf, a)


def _sc_body(sd_hbm, ef_hbm, es_hbm, ed_hbm, z_hbm,
             zacc_hbm, zs_hbm, acc_out, s_out,
             es_v, ed_v, sdb, efb,
             exA, exB, rowsA, rowsB, rsA, rsB, giA, giB, diA, diB,
             acc_sh, s_sh,
             semgA, semgB, semaccA, semaccB, semsA, semsB):
    cid = lax.axis_index("c")
    sid = lax.axis_index("s")
    wid = sid * 2 + cid

    @pl.when(sid == 0)
    def _():
        pltpu.sync_copy(zacc_hbm, acc_sh)
        pltpu.sync_copy(zs_hbm, s_sh)
    plsc.subcore_barrier()

    slotA = (exA, rowsA, rsA, giA, diA, semgA, semaccA, semsA)
    slotB = (exB, rowsB, rsB, giB, diB, semgB, semaccB, semsB)

    def wait_scatter(slot):
        ex, _rows, rs, _gi, di, _sg, sacc, ss = slot
        pltpu.make_async_copy(rs, acc_sh.at[di], sacc).wait()
        pltpu.make_async_copy(ex, s_sh.at[di], ss).wait()

    def fill_and_gather(slot, hh, ob):
        ex_r, rows, _rs, gi, di, sg, _sacc, _ss = slot
        off_h = hh * N2
        for g0 in range(0, 8, 4):
            gs = [g0, g0 + 1, g0 + 2, g0 + 3]
            s16s = [sdb[pl.ds(ob + g * 16, 16)] for g in gs]
            d16s = [sdb[pl.ds(C + ob + g * 16, 16)] for g in gs]
            ess = [plsc.load_gather(es_v, [s16]) for s16 in s16s]
            eds = [plsc.load_gather(ed_v, [d16]) for d16 in d16s]
            efs = [efb[pl.ds(ob + g * 16, 16)] for g in gs]
            es_ = [a + b + c for a, b, c in zip(ess, eds, efs)]
            exs = [jnp.exp(jnp.where(e < 0.0, e * 0.2, e)) for e in es_]
            for k, g in enumerate(gs):
                ex_r[pl.ds(g * 16, 16)] = exs[k]
                gi[pl.ds(g * 16, 16)] = s16s[k] + off_h
                di[pl.ds(g * 16, 16)] = d16s[k] + off_h
        return pltpu.async_copy(z_hbm.at[gi], rows, sg)

    def scale_and_scatter(slot, gdesc):
        ex_r, rows, rs, _gi, di, _sg, sacc, ss = slot
        gdesc.wait()

        def scale_g(g, carry):
            exg = ex_r[pl.ds(g * 16, 16)]
            for l in range(16):
                b = jnp.take_along_axis(
                    exg, jnp.full((16,), l, jnp.int32), axis=0)
                e = g * 16 + l
                rs[e, 0:16] = rows[e, 0:16] * b
                rs[e, 16:32] = rows[e, 16:32] * b
            return carry

        lax.fori_loop(0, 8, scale_g, 0)
        pltpu.async_copy(rs, acc_sh.at[di], sacc, add=True)
        pltpu.async_copy(ex_r, s_sh.at[di], ss, add=True)

    def head_body(hh, carry):
        pltpu.sync_copy(es_hbm.at[hh], es_v)
        pltpu.sync_copy(ed_hbm.at[hh], ed_v)

        def chunk_body(ch, carry2):
            base = wid * ESUB + ch * C
            pltpu.sync_copy(sd_hbm.at[pl.ds(2 * base, 2 * C)], sdb)
            pltpu.sync_copy(ef_hbm.at[pl.ds(hh * EPAD + base, C)], efb)

            def pair_body(jj, carry3):
                notfirst = jnp.logical_or(
                    jnp.logical_or(hh > 0, ch > 0), jj > 0)

                @pl.when(notfirst)
                def _():
                    wait_scatter(slotA)
                gA = fill_and_gather(slotA, hh, (2 * jj) * 128)

                @pl.when(notfirst)
                def _():
                    wait_scatter(slotB)
                gB = fill_and_gather(slotB, hh, (2 * jj + 1) * 128)

                scale_and_scatter(slotA, gA)
                scale_and_scatter(slotB, gB)
                return carry3

            return lax.fori_loop(0, K // 2, pair_body, carry2)

        return lax.fori_loop(0, ESUB // C, chunk_body, carry)

    lax.fori_loop(0, NUM_HEADS, head_body, 0)
    wait_scatter(slotA)
    wait_scatter(slotB)
    plsc.subcore_barrier()

    @pl.when(sid == 0)
    def _():
        pltpu.sync_copy(acc_sh, acc_out.at[cid])
        pltpu.sync_copy(s_sh, s_out.at[cid])


_sc_edge = pl.kernel(
    _sc_body,
    out_type=(
        jax.ShapeDtypeStruct((2, NUM_HEADS * N2, OUT_DIM), jnp.float32),
        jax.ShapeDtypeStruct((2, NUM_HEADS * N2), jnp.float32),
    ),
    mesh=plsc.VectorSubcoreMesh(core_axis_name="c", subcore_axis_name="s"),
    compiler_params=pltpu.CompilerParams(needs_layout_passes=False,
                                         use_tc_tiling_on_sc=False),
    scratch_types=[
        pltpu.VMEM((N2,), jnp.float32),
        pltpu.VMEM((N2,), jnp.float32),
        pltpu.VMEM((2 * C,), jnp.int32),
        pltpu.VMEM((C,), jnp.float32),
        pltpu.VMEM((128,), jnp.float32),
        pltpu.VMEM((128,), jnp.float32),
        pltpu.VMEM((128, OUT_DIM), jnp.float32),
        pltpu.VMEM((128, OUT_DIM), jnp.float32),
        pltpu.VMEM((128, OUT_DIM), jnp.float32),
        pltpu.VMEM((128, OUT_DIM), jnp.float32),
        pltpu.VMEM((128,), jnp.int32),
        pltpu.VMEM((128,), jnp.int32),
        pltpu.VMEM((128,), jnp.int32),
        pltpu.VMEM((128,), jnp.int32),
        pltpu.VMEM_SHARED((NUM_HEADS * N2, OUT_DIM), jnp.float32),
        pltpu.VMEM_SHARED((NUM_HEADS * N2,), jnp.float32),
        pltpu.SemaphoreType.DMA,
        pltpu.SemaphoreType.DMA,
        pltpu.SemaphoreType.DMA,
        pltpu.SemaphoreType.DMA,
        pltpu.SemaphoreType.DMA,
        pltpu.SemaphoreType.DMA,
    ],
)


def _finish_body(acc_ref, s_ref, out_ref):
    for i in range(NUM_HEADS):
        num = acc_ref[0, i] + acc_ref[1, i]
        den = s_ref[0, i] + s_ref[1, i]
        out_ref[:, i * OUT_DIM:(i + 1) * OUT_DIM] = (
            num / (den + 1e-9)[:, None])


def _finish(acc, s):
    return pl.pallas_call(
        _finish_body,
        grid=(N2 // NB,),
        in_specs=[
            pl.BlockSpec((2, NUM_HEADS, NB, OUT_DIM), lambda r: (0, 0, r, 0)),
            pl.BlockSpec((2, NUM_HEADS, NB), lambda r: (0, 0, r)),
        ],
        out_specs=pl.BlockSpec((NB, NUM_HEADS * OUT_DIM), lambda r: (r, 0)),
        out_shape=jax.ShapeDtypeStruct((N2, NUM_HEADS * OUT_DIM),
                                       jnp.float32),
    )(acc, s)


def kernel(h, edge_index, edge_attr, W, Wf, bf, a):
    src = edge_index[0]
    dst = edge_index[1]
    npad_e = EPAD - E
    pad_ids = jnp.arange(npad_e, dtype=jnp.int32)
    src_p = jnp.concatenate([src, (pad_ids * 131) % N])
    dst_p = jnp.concatenate([dst, N + (pad_ids % (N2 - N))])
    sd = jnp.stack([src_p.reshape(-1, C), dst_p.reshape(-1, C)],
                   axis=1).reshape(-1)
    ea_t = jnp.transpose(edge_attr)
    ea_t = jnp.pad(ea_t, ((0, 0), (0, npad_e)))
    h_p = jnp.pad(h, ((0, N2 - N), (0, 0)))

    z, es, ed = _prep_node(h_p, W, a)
    ef = _prep_edge(ea_t, Wf, bf, a)
    z_flat = z.reshape(NUM_HEADS * N2, OUT_DIM)
    ef_flat = ef.reshape(NUM_HEADS * EPAD)

    zacc = jnp.zeros((NUM_HEADS * N2, OUT_DIM), jnp.float32)
    zs = jnp.zeros((NUM_HEADS * N2,), jnp.float32)
    acc, s = _sc_edge(sd, ef_flat, es, ed, z_flat, zacc, zs)

    out = _finish(acc.reshape(2, NUM_HEADS, N2, OUT_DIM),
                  s.reshape(2, NUM_HEADS, N2))
    return out[:N]

# --- scband reference (transcript-rebuilt; emitter-appended) ---
"""Pipeline reference for scband-multi-head-layer-3186865734214 (READ-ONLY COPY).

The authoritative reference and input builder live on the scoring server;
editing this copy changes nothing except your own understanding.
"""

import jax, jax.numpy as jnp
import numpy as np

N = 10000
E = 320000
IN_DIM = 128
OUT_DIM = 32
NUM_HEADS = 4
FEAT = 4


def setup_inputs(seed: int = 0) -> dict:
    key = jax.random.key(seed)
    ks = jax.random.split(key, 7)
    h = jax.random.normal(ks[0], (N, IN_DIM), dtype=jnp.float32)
    edge_index = jax.random.randint(ks[1], (2, E), 0, N, dtype=jnp.int32)
    edge_attr = jax.random.uniform(ks[2], (E, FEAT), dtype=jnp.float32)
    # learned params per head: GAT-with-edge-features (WSGATLayer-style)
    W = jax.random.normal(ks[3], (NUM_HEADS, IN_DIM, OUT_DIM), dtype=jnp.float32) * 0.05
    Wf = jax.random.normal(ks[4], (NUM_HEADS, FEAT, OUT_DIM), dtype=jnp.float32) * 0.05
    bf = jnp.zeros((NUM_HEADS, OUT_DIM), dtype=jnp.float32)
    a = jax.random.normal(ks[5], (NUM_HEADS, 3 * OUT_DIM), dtype=jnp.float32) * 0.05
    return {"h": h, "edge_index": edge_index, "edge_attr": edge_attr,
            "W": W, "Wf": Wf, "bf": bf, "a": a}


def reference(h, edge_index, edge_attr, W, Wf, bf, a):
    # MultiHeadLayer.forward with merge='cat'. Dropout is identity at inference.
    src = edge_index[0]
    dst = edge_index[1]
    head_outs = []
    for i in range(NUM_HEADS):
        # WSGATLayer per-head forward
        z = h @ W[i]                                  # [N, OUT]
        dfeat = edge_attr @ Wf[i] + bf[i]             # [E, OUT]
        z_src = jnp.take(z, src, axis=0)              # gather [E, OUT]
        z_dst = jnp.take(z, dst, axis=0)              # gather [E, OUT]
        z2 = jnp.concatenate([z_src, z_dst, dfeat], axis=1)  # [E, 3*OUT]
        e = jax.nn.leaky_relu(z2 @ a[i], negative_slope=0.2)  # [E]
        # segment softmax over incoming edges of each dst node
        m = jax.ops.segment_max(e, dst, num_segments=N)
        m = jnp.where(jnp.isfinite(m), m, 0.0)
        ex = jnp.exp(e - jnp.take(m, dst, axis=0))
        s = jax.ops.segment_sum(ex, dst, num_segments=N)
        alpha = ex / (jnp.take(s, dst, axis=0) + 1e-9)
        out = jax.ops.segment_sum(alpha[:, None] * z_src, dst, num_segments=N)  # scatter-add [N, OUT]
        head_outs.append(out)
    return jnp.concatenate(head_outs, axis=1)  # [N, OUT*NUM_HEADS]

if __name__ == "__main__":
    import jax
    _d = setup_inputs()
    print(jax.jit(kernel)(*tuple(_d.values())))

</pallas_src>

<mosaic_0001>
#map = affine_map<(d0, d1) -> (0)>
#map1 = affine_map<(d0, d1) -> (0, 0)>
#map2 = affine_map<(d0, d1) -> (0, 0, 0)>
module attributes {stable_mosaic.version = 14 : i64} {
  func.func @_sc_body(%arg0: i32, %arg1: i32, %arg2: memref<655360xi32, #tpu.memory_space<hbm>>, %arg3: memref<1310720xf32, #tpu.memory_space<hbm>>, %arg4: memref<4x10240xf32, #tpu.memory_space<hbm>>, %arg5: memref<4x10240xf32, #tpu.memory_space<hbm>>, %arg6: memref<40960x32xf32, #tpu.memory_space<hbm>>, %arg7: memref<40960x32xf32, #tpu.memory_space<hbm>>, %arg8: memref<40960xf32, #tpu.memory_space<hbm>>, %arg9: memref<2x40960x32xf32, #tpu.memory_space<hbm>>, %arg10: memref<2x40960xf32, #tpu.memory_space<hbm>>, %arg11: memref<10240xf32, #tpu.memory_space<vmem>>, %arg12: memref<10240xf32, #tpu.memory_space<vmem>>, %arg13: memref<2048xi32, #tpu.memory_space<vmem>>, %arg14: memref<1024xf32, #tpu.memory_space<vmem>>, %arg15: memref<128xf32, #tpu.memory_space<vmem>>, %arg16: memref<128xf32, #tpu.memory_space<vmem>>, %arg17: memref<128x32xf32, #tpu.memory_space<vmem>>, %arg18: memref<128x32xf32, #tpu.memory_space<vmem>>, %arg19: memref<128x32xf32, #tpu.memory_space<vmem>>, %arg20: memref<128x32xf32, #tpu.memory_space<vmem>>, %arg21: memref<128xi32, #tpu.memory_space<vmem>>, %arg22: memref<128xi32, #tpu.memory_space<vmem>>, %arg23: memref<128xi32, #tpu.memory_space<vmem>>, %arg24: memref<128xi32, #tpu.memory_space<vmem>>, %arg25: memref<40960x32xf32, #tpu.memory_space<vmem_shared>>, %arg26: memref<40960xf32, #tpu.memory_space<vmem_shared>>, %arg27: memref<!tpu.dma_semaphore, #tpu.memory_space<semaphore_mem>>, %arg28: memref<!tpu.dma_semaphore, #tpu.memory_space<semaphore_mem>>, %arg29: memref<!tpu.dma_semaphore, #tpu.memory_space<semaphore_mem>>, %arg30: memref<!tpu.dma_semaphore, #tpu.memory_space<semaphore_mem>>, %arg31: memref<!tpu.dma_semaphore, #tpu.memory_space<semaphore_mem>>, %arg32: memref<!tpu.dma_semaphore, #tpu.memory_space<semaphore_mem>>) attributes {dimension_semantics = [#tpu.dimension_semantics<core_parallel>, #tpu.dimension_semantics<subcore_parallel>], iteration_bounds = array<i64: 2, 16>, scalar_prefetch = 0 : i64, scratch_operands = 22 : i64, tpu.core_type = #tpu.core_type<sc_vector_subcore>, window_params = [{transform_indices = #map}, {transform_indices = #map}, {transform_indices = #map1}, {transform_indices = #map1}, {transform_indices = #map1}, {transform_indices = #map1}, {transform_indices = #map}, {transform_indices = #map2}, {transform_indices = #map1}]} {
    %mul3A = arith.constant 2 : i32
    %mul3A_0 = arith.muli %arg1, %mul3A : i32
    %add3A = arith.addi %mul3A_0, %arg0 : i32
    %eq3A = arith.constant 0 : i32
    %eq3A_1 = arith.cmpi eq, %arg1, %eq3A : i32
    %convert_element_type3A = arith.extui %eq3A_1 : i1 to i32
    %cond3A = arith.constant 0 : i32
    %cond3A_2 = arith.cmpi ne, %convert_element_type3A, %cond3A : i32
    scf.if %cond3A_2 {
      "tpu.region"() ({
        %run_scoped3A = tpu.sem_alloc : memref<!tpu.dma_semaphore, #tpu.memory_space<semaphore_mem>>
        tpu.enqueue_dma source(%arg7 : memref<40960x32xf32, #tpu.memory_space<hbm>>) target(%arg25 : memref<40960x32xf32, #tpu.memory_space<vmem_shared>>) target_semaphore(%run_scoped3A : memref<!tpu.dma_semaphore, #tpu.memory_space<semaphore_mem>>)
        tpu.wait_dma2 semaphore(%run_scoped3A : memref<!tpu.dma_semaphore, #tpu.memory_space<semaphore_mem>>) src(%arg7 : memref<40960x32xf32, #tpu.memory_space<hbm>>) dst(%arg25 : memref<40960x32xf32, #tpu.memory_space<vmem_shared>>)
        tpu.yield
      }) : () -> ()
      "tpu.region"() ({
        %run_scoped3A = tpu.sem_alloc : memref<!tpu.dma_semaphore, #tpu.memory_space<semaphore_mem>>
        tpu.enqueue_dma source(%arg8 : memref<40960xf32, #tpu.memory_space<hbm>>) target(%arg26 : memref<40960xf32, #tpu.memory_space<vmem_shared>>) target_semaphore(%run_scoped3A : memref<!tpu.dma_semaphore, #tpu.memory_space<semaphore_mem>>)
        tpu.wait_dma2 semaphore(%run_scoped3A : memref<!tpu.dma_semaphore, #tpu.memory_space<semaphore_mem>>) src(%arg8 : memref<40960xf32, #tpu.memory_space<hbm>>) dst(%arg26 : memref<40960xf32, #tpu.memory_space<vmem_shared>>)
        tpu.yield
      }) : () -> ()
    } else {
    }
    %barrier3A = arith.constant 0 : index
    tpu.barrier barrier_id(%barrier3A)
    %scan3A = arith.constant 0 : i32
    %scan3A_3 = arith.constant 0 : i32
    %scan3A_4 = arith.constant 4 : i32
    %scan3A_5 = arith.addi %scan3A_3, %scan3A_4 : i32
    %scan3A_6 = arith.constant 1 : i32
    scf.for %scan3A_23 = %scan3A_3 to %scan3A_5 step %scan3A_6  : i32 {
      "tpu.region"() ({
        %run_scoped3A = tpu.sem_alloc : memref<!tpu.dma_semaphore, #tpu.memory_space<semaphore_mem>>
        %dma_start3A = arith.constant 0 : i32
        %dma_start3A_29 = tpu.memref_slice %arg4[%scan3A_23, %dma_start3A] : memref<4x10240xf32, #tpu.memory_space<hbm>> -> memref<1x10240xf32, #tpu.memory_space<hbm>>
        %dma_start3A_30 = tpu.memref_squeeze %dma_start3A_29 : memref<1x10240xf32, #tpu.memory_space<hbm>> -> memref<10240xf32, #tpu.memory_space<hbm>>
        %dma_start3A_31 = arith.constant 0 : i32
        %dma_start3A_32 = tpu.memref_slice %arg4[%scan3A_23, %dma_start3A_31] : memref<4x10240xf32, #tpu.memory_space<hbm>> -> memref<1x10240xf32, #tpu.memory_space<hbm>>
        %dma_start3A_33 = tpu.memref_squeeze %dma_start3A_32 : memref<1x10240xf32, #tpu.memory_space<hbm>> -> memref<10240xf32, #tpu.memory_space<hbm>>
        tpu.enqueue_dma source(%dma_start3A_33 : memref<10240xf32, #tpu.memory_space<hbm>>) target(%arg11 : memref<10240xf32, #tpu.memory_space<vmem>>) target_semaphore(%run_scoped3A : memref<!tpu.dma_semaphore, #tpu.memory_space<semaphore_mem>>)
        %dma_wait3A_34 = arith.constant 0 : i32
        %dma_wait3A_35 = tpu.memref_slice %arg4[%scan3A_23, %dma_wait3A_34] : memref<4x10240xf32, #tpu.memory_space<hbm>> -> memref<1x10240xf32, #tpu.memory_space<hbm>>
        %dma_wait3A_36 = tpu.memref_squeeze %dma_wait3A_35 : memref<1x10240xf32, #tpu.memory_space<hbm>> -> memref<10240xf32, #tpu.memory_space<hbm>>
        %dma_wait3A_37 = arith.constant 0 : i32
        %dma_wait3A_38 = tpu.memref_slice %arg4[%scan3A_23, %dma_wait3A_37] : memref<4x10240xf32, #tpu.memory_space<hbm>> -> memref<1x10240xf32, #tpu.memory_space<hbm>>
        %dma_wait3A_39 = tpu.memref_squeeze %dma_wait3A_38 : memref<1x10240xf32, #tpu.memory_space<hbm>> -> memref<10240xf32, #tpu.memory_space<hbm>>
        tpu.wait_dma2 semaphore(%run_scoped3A : memref<!tpu.dma_semaphore, #tpu.memory_space<semaphore_mem>>) src(%dma_wait3A_39 : memref<10240xf32, #tpu.memory_space<hbm>>) dst(%arg11 : memref<10240xf32, #tpu.memory_space<vmem>>)
        tpu.yield
      }) : () -> ()
      "tpu.region"() ({
        %run_scoped3A = tpu.sem_alloc : memref<!tpu.dma_semaphore, #tpu.memory_space<semaphore_mem>>
        %dma_start3A = arith.constant 0 : i32
        %dma_start3A_29 = tpu.memref_slice %arg5[%scan3A_23, %dma_start3A] : memref<4x10240xf32, #tpu.memory_space<hbm>> -> memref<1x10240xf32, #tpu.memory_space<hbm>>
        %dma_start3A_30 = tpu.memref_squeeze %dma_start3A_29 : memref<1x10240xf32, #tpu.memory_space<hbm>> -> memref<10240xf32, #tpu.memory_space<hbm>>
        %dma_start3A_31 = arith.constant 0 : i32
        %dma_start3A_32 = tpu.memref_slice %arg5[%scan3A_23, %dma_start3A_31] : memref<4x10240xf32, #tpu.memory_space<hbm>> -> memref<1x10240xf32, #tpu.memory_space<hbm>>
        %dma_start3A_33 = tpu.memref_squeeze %dma_start3A_32 : memref<1x10240xf32, #tpu.memory_space<hbm>> -> memref<10240xf32, #tpu.memory_space<hbm>>
        tpu.enqueue_dma source(%dma_start3A_33 : memref<10240xf32, #tpu.memory_space<hbm>>) target(%arg12 : memref<10240xf32, #tpu.memory_space<vmem>>) target_semaphore(%run_scoped3A : memref<!tpu.dma_semaphore, #tpu.memory_space<semaphore_mem>>)
        %dma_wait3A_34 = arith.constant 0 : i32
        %dma_wait3A_35 = tpu.memref_slice %arg5[%scan3A_23, %dma_wait3A_34] : memref<4x10240xf32, #tpu.memory_space<hbm>> -> memref<1x10240xf32, #tpu.memory_space<hbm>>
        %dma_wait3A_36 = tpu.memref_squeeze %dma_wait3A_35 : memref<1x10240xf32, #tpu.memory_space<hbm>> -> memref<10240xf32, #tpu.memory_space<hbm>>
        %dma_wait3A_37 = arith.constant 0 : i32
        %dma_wait3A_38 = tpu.memref_slice %arg5[%scan3A_23, %dma_wait3A_37] : memref<4x10240xf32, #tpu.memory_space<hbm>> -> memref<1x10240xf32, #tpu.memory_space<hbm>>
        %dma_wait3A_39 = tpu.memref_squeeze %dma_wait3A_38 : memref<1x10240xf32, #tpu.memory_space<hbm>> -> memref<10240xf32, #tpu.memory_space<hbm>>
        tpu.wait_dma2 semaphore(%run_scoped3A : memref<!tpu.dma_semaphore, #tpu.memory_space<semaphore_mem>>) src(%dma_wait3A_39 : memref<10240xf32, #tpu.memory_space<hbm>>) dst(%arg12 : memref<10240xf32, #tpu.memory_space<vmem>>)
        tpu.yield
      }) : () -> ()
      %scan3A_24 = arith.constant 0 : i32
      %scan3A_25 = arith.constant 10 : i32
      %scan3A_26 = arith.addi %scan3A_24, %scan3A_25 : i32
      %scan3A_27 = arith.constant 1 : i32
      scf.for %scan3A_29 = %scan3A_24 to %scan3A_26 step %scan3A_27  : i32 {
        %mul3A_30 = arith.constant 10240 : i32
        %mul3A_31 = arith.muli %add3A, %mul3A_30 : i32
        %mul3A_32 = arith.constant 1024 : i32
        %mul3A_33 = arith.muli %scan3A_29, %mul3A_32 : i32
        %add3A_34 = arith.addi %mul3A_31, %mul3A_33 : i32
        %mul3A_35 = arith.constant 2 : i32
        %mul3A_36 = arith.muli %mul3A_35, %add3A_34 : i32
        "tpu.region"() ({
          %run_scoped3A = tpu.sem_alloc : memref<!tpu.dma_semaphore, #tpu.memory_space<semaphore_mem>>
          %dma_start3A = tpu.memref_slice %arg2[%mul3A_36] : memref<655360xi32, #tpu.memory_space<hbm>> -> memref<2048xi32, #tpu.memory_space<hbm>>
          %dma_start3A_45 = tpu.memref_slice %arg2[%mul3A_36] : memref<655360xi32, #tpu.memory_space<hbm>> -> memref<2048xi32, #tpu.memory_space<hbm>>
          tpu.enqueue_dma source(%dma_start3A_45 : memref<2048xi32, #tpu.memory_space<hbm>>) target(%arg13 : memref<2048xi32, #tpu.memory_space<vmem>>) target_semaphore(%run_scoped3A : memref<!tpu.dma_semaphore, #tpu.memory_space<semaphore_mem>>)
          %dma_wait3A_46 = tpu.memref_slice %arg2[%mul3A_36] : memref<655360xi32, #tpu.memory_space<hbm>> -> memref<2048xi32, #tpu.memory_space<hbm>>
          %dma_wait3A_47 = tpu.memref_slice %arg2[%mul3A_36] : memref<655360xi32, #tpu.memory_space<hbm>> -> memref<2048xi32, #tpu.memory_space<hbm>>
          tpu.wait_dma2 semaphore(%run_scoped3A : memref<!tpu.dma_semaphore, #tpu.memory_space<semaphore_mem>>) src(%dma_wait3A_47 : memref<2048xi32, #tpu.memory_space<hbm>>) dst(%arg13 : memref<2048xi32, #tpu.memory_space<vmem>>)
          tpu.yield
        }) : () -> ()
        %mul3A_37 = arith.constant 327680 : i32
        %mul3A_38 = arith.muli %scan3A_23, %mul3A_37 : i32
        %add3A_39 = arith.addi %mul3A_38, %add3A_34 : i32
        "tpu.region"() ({
          %run_scoped3A = tpu.sem_alloc : memref<!tpu.dma_semaphore, #tpu.memory_space<semaphore_mem>>
          %dma_start3A = tpu.memref_slice %arg3[%add3A_39] : memref<1310720xf32, #tpu.memory_space<hbm>> -> memref<1024xf32, #tpu.memory_space<hbm>>
          %dma_start3A_45 = tpu.memref_slice %arg3[%add3A_39] : memref<1310720xf32, #tpu.memory_space<hbm>> -> memref<1024xf32, #tpu.memory_space<hbm>>
          tpu.enqueue_dma source(%dma_start3A_45 : memref<1024xf32, #tpu.memory_space<hbm>>) target(%arg14 : memref<1024xf32, #tpu.memory_space<vmem>>) target_semaphore(%run_scoped3A : memref<!tpu.dma_semaphore, #tpu.memory_space<semaphore_mem>>)
          %dma_wait3A_46 = tpu.memref_slice %arg3[%add3A_39] : memref<1310720xf32, #tpu.memory_space<hbm>> -> memref<1024xf32, #tpu.memory_space<hbm>>
          %dma_wait3A_47 = tpu.memref_slice %arg3[%add3A_39] : memref<1310720xf32, #tpu.memory_space<hbm>> -> memref<1024xf32, #tpu.memory_space<hbm>>
          tpu.wait_dma2 semaphore(%run_scoped3A : memref<!tpu.dma_semaphore, #tpu.memory_space<semaphore_mem>>) src(%dma_wait3A_47 : memref<1024xf32, #tpu.memory_space<hbm>>) dst(%arg14 : memref<1024xf32, #tpu.memory_space<vmem>>)
          tpu.yield
        }) : () -> ()
        %scan3A_40 = arith.constant 0 : i32
        %scan3A_41 = arith.constant 4 : i32
        %scan3A_42 = arith.addi %scan3A_40, %scan3A_41 : i32
        %scan3A_43 = arith.constant 1 : i32
        scf.for %scan3A_45 = %scan3A_40 to %scan3A_42 step %scan3A_43  : i32 {
          %gt3A = arith.constant 0 : i32
          %gt3A_46 = arith.cmpi sgt, %scan3A_23, %gt3A : i32
          %gt3A_47 = arith.constant 0 : i32
          %gt3A_48 = arith.cmpi sgt, %scan3A_29, %gt3A_47 : i32
          %or3A = arith.ori %gt3A_46, %gt3A_48 : i1
          %gt3A_49 = arith.constant 0 : i32
          %gt3A_50 = arith.cmpi sgt, %scan3A_45, %gt3A_49 : i32
          %or3A_51 = arith.ori %or3A, %gt3A_50 : i1
          %convert_element_type3A_52 = arith.extui %or3A_51 : i1 to i32
          %cond3A_53 = arith.constant 0 : i32
          %cond3A_54 = arith.cmpi ne, %convert_element_type3A_52, %cond3A_53 : i32
          scf.if %cond3A_54 {
            %dma_wait3A_675 = arith.constant 0 : i32
            %dma_wait3A_676 = arith.constant 0 : i32
            %dma_wait3A_677 = tpu.memref_slice %arg25[%dma_wait3A_675, %dma_wait3A_676] : memref<40960x32xf32, #tpu.memory_space<vmem_shared>> -> memref<40960x32xf32, #tpu.memory_space<vmem_shared>>
            tpu.wait_indirect_dma semaphore(%arg29 : memref<!tpu.dma_semaphore, #tpu.memory_space<semaphore_mem>>) src(%arg19 : memref<128x32xf32, #tpu.memory_space<vmem>>) dst(%dma_wait3A_677 : memref<40960x32xf32, #tpu.memory_space<vmem_shared>>)
            %dma_wait3A_678 = arith.constant 0 : i32
            %dma_wait3A_679 = tpu.memref_slice %arg26[%dma_wait3A_678] : memref<40960xf32, #tpu.memory_space<vmem_shared>> -> memref<40960xf32, #tpu.memory_space<vmem_shared>>
            tpu.wait_indirect_dma semaphore(%arg31 : memref<!tpu.dma_semaphore, #tpu.memory_space<semaphore_mem>>) src(%arg15 : memref<128xf32, #tpu.memory_space<vmem>>) dst(%dma_wait3A_679 : memref<40960xf32, #tpu.memory_space<vmem_shared>>)
          } else {
          }
          %mul3A_55 = arith.constant 2 : i32
          %mul3A_56 = arith.muli %mul3A_55, %scan3A_45 : i32
          %mul3A_57 = arith.constant 128 : i32
          %mul3A_58 = arith.muli %mul3A_56, %mul3A_57 : i32
          %mul3A_59 = arith.constant 10240 : i32
          %mul3A_60 = arith.muli %scan3A_23, %mul3A_59 : i32
          %add3A_61 = arith.constant 0 : i32
          %add3A_62 = arith.addi %mul3A_58, %add3A_61 : i32
          %get3A = arith.index_cast %add3A_62 : i32 to index
          %get3A_63 = tpu.vector_load %arg13[%get3A] {strides = array<i32>} : memref<2048xi32, #tpu.memory_space<vmem>>, vector<16xi32>,
          %add3A_64 = arith.constant 16 : i32
          %add3A_65 = arith.addi %mul3A_58, %add3A_64 : i32
          %get3A_66 = arith.index_cast %add3A_65 : i32 to index
          %get3A_67 = tpu.vector_load %arg13[%get3A_66] {strides = array<i32>} : memref<2048xi32, #tpu.memory_space<vmem>>, vector<16xi32>,
          %add3A_68 = arith.constant 32 : i32
          %add3A_69 = arith.addi %mul3A_58, %add3A_68 : i32
          %get3A_70 = arith.index_cast %add3A_69 : i32 to index
          %get3A_71 = tpu.vector_load %arg13[%get3A_70] {strides = array<i32>} : memref<2048xi32, #tpu.memory_space<vmem>>, vector<16xi32>,
          %add3A_72 = arith.constant 48 : i32
          %add3A_73 = arith.addi %mul3A_58, %add3A_72 : i32
          %get3A_74 = arith.index_cast %add3A_73 : i32 to index
          %get3A_75 = tpu.vector_load %arg13[%get3A_74] {strides = array<i32>} : memref<2048xi32, #tpu.memory_space<vmem>>, vector<16xi32>,
          %add3A_76 = arith.constant 1024 : i32
          %add3A_77 = arith.addi %add3A_76, %mul3A_58 : i32
          %add3A_78 = arith.constant 0 : i32
          %add3A_79 = arith.addi %add3A_77, %add3A_78 : i32
          %get3A_80 = arith.index_cast %add3A_79 : i32 to index
          %get3A_81 = tpu.vector_load %arg13[%get3A_80] {strides = array<i32>} : memref<2048xi32, #tpu.memory_space<vmem>>, vector<16xi32>,
          %add3A_82 = arith.constant 1024 : i32
          %add3A_83 = arith.addi %add3A_82, %mul3A_58 : i32
          %add3A_84 = arith.constant 16 : i32
          %add3A_85 = arith.addi %add3A_83, %add3A_84 : i32
          %get3A_86 = arith.index_cast %add3A_85 : i32 to index
          %get3A_87 = tpu.vector_load %arg13[%get3A_86] {strides = array<i32>} : memref<2048xi32, #tpu.memory_space<vmem>>, vector<16xi32>,
          %add3A_88 = arith.constant 1024 : i32
          %add3A_89 = arith.addi %add3A_88, %mul3A_58 : i32
          %add3A_90 = arith.constant 32 : i32
          %add3A_91 = arith.addi %add3A_89, %add3A_90 : i32
          %get3A_92 = arith.index_cast %add3A_91 : i32 to index
          %get3A_93 = tpu.vector_load %arg13[%get3A_92] {strides = array<i32>} : memref<2048xi32, #tpu.memory_space<vmem>>, vector<16xi32>,
          %add3A_94 = arith.constant 1024 : i32
          %add3A_95 = arith.addi %add3A_94, %mul3A_58 : i32
          %add3A_96 = arith.constant 48 : i32
          %add3A_97 = arith.addi %add3A_95, %add3A_96 : i32
          %get3A_98 = arith.index_cast %add3A_97 : i32 to index
          %get3A_99 = tpu.vector_load %arg13[%get3A_98] {strides = array<i32>} : memref<2048xi32, #tpu.memory_space<vmem>>, vector<16xi32>,
          %gather3A = tpu.vector_load_idx %arg11[%get3A_63] : memref<10240xf32, #tpu.memory_space<vmem>>[vector<16xi32>], vector<16xf32>,
          %gather3A_100 = tpu.vector_load_idx %arg11[%get3A_67] : memref<10240xf32, #tpu.memory_space<vmem>>[vector<16xi32>], vector<16xf32>,
          %gather3A_101 = tpu.vector_load_idx %arg11[%get3A_71] : memref<10240xf32, #tpu.memory_space<vmem>>[vector<16xi32>], vector<16xf32>,
          %gather3A_102 = tpu.vector_load_idx %arg11[%get3A_75] : memref<10240xf32, #tpu.memory_space<vmem>>[vector<16xi32>], vector<16xf32>,
          %gather3A_103 = tpu.vector_load_idx %arg12[%get3A_81] : memref<10240xf32, #tpu.memory_space<vmem>>[vector<16xi32>], vector<16xf32>,
          %gather3A_104 = tpu.vector_load_idx %arg12[%get3A_87] : memref<10240xf32, #tpu.memory_space<vmem>>[vector<16xi32>], vector<16xf32>,
          %gather3A_105 = tpu.vector_load_idx %arg12[%get3A_93] : memref<10240xf32, #tpu.memory_space<vmem>>[vector<16xi32>], vector<16xf32>,
          %gather3A_106 = tpu.vector_load_idx %arg12[%get3A_99] : memref<10240xf32, #tpu.memory_space<vmem>>[vector<16xi32>], vector<16xf32>,
          %add3A_107 = arith.constant 0 : i32
          %add3A_108 = arith.addi %mul3A_58, %add3A_107 : i32
          %get3A_109 = arith.index_cast %add3A_108 : i32 to index
          %get3A_110 = tpu.vector_load %arg14[%get3A_109] {strides = array<i32>} : memref<1024xf32, #tpu.memory_space<vmem>>, vector<16xf32>,
          %add3A_111 = arith.constant 16 : i32
          %add3A_112 = arith.addi %mul3A_58, %add3A_111 : i32
          %get3A_113 = arith.index_cast %add3A_112 : i32 to index
          %get3A_114 = tpu.vector_load %arg14[%get3A_113] {strides = array<i32>} : memref<1024xf32, #tpu.memory_space<vmem>>, vector<16xf32>,
          %add3A_115 = arith.constant 32 : i32
          %add3A_116 = arith.addi %mul3A_58, %add3A_115 : i32
          %get3A_117 = arith.index_cast %add3A_116 : i32 to index
          %get3A_118 = tpu.vector_load %arg14[%get3A_117] {strides = array<i32>} : memref<1024xf32, #tpu.memory_space<vmem>>, vector<16xf32>,
          %add3A_119 = arith.constant 48 : i32
          %add3A_120 = arith.addi %mul3A_58, %add3A_119 : i32
          %get3A_121 = arith.index_cast %add3A_120 : i32 to index
          %get3A_122 = tpu.vector_load %arg14[%get3A_121] {strides = array<i32>} : memref<1024xf32, #tpu.memory_space<vmem>>, vector<16xf32>,
          %add3A_123 = arith.addf %gather3A, %gather3A_103 : vector<16xf32>
          %add3A_124 = arith.addf %add3A_123, %get3A_110 : vector<16xf32>
          %add3A_125 = arith.addf %gather3A_100, %gather3A_104 : vector<16xf32>
          %add3A_126 = arith.addf %add3A_125, %get3A_114 : vector<16xf32>
          %add3A_127 = arith.addf %gather3A_101, %gather3A_105 : vector<16xf32>
          %add3A_128 = arith.addf %add3A_127, %get3A_118 : vector<16xf32>
          %add3A_129 = arith.addf %gather3A_102, %gather3A_106 : vector<16xf32>
          %add3A_130 = arith.addf %add3A_129, %get3A_122 : vector<16xf32>
          %lt3A = arith.constant 0.000000e+00 : f32
          %lt3A_131 = vector.broadcast %lt3A : f32 to vector<16xf32>
          %lt3A_132 = arith.cmpf olt, %add3A_124, %lt3A_131 : vector<16xf32>
          %mul3A_133 = arith.constant 2.000000e-01 : f32
          %mul3A_134 = vector.broadcast %mul3A_133 : f32 to vector<16xf32>
          %mul3A_135 = arith.mulf %add3A_124, %mul3A_134 : vector<16xf32>
          %select_n3A = arith.select %lt3A_132, %mul3A_135, %add3A_124 : vector<16xi1>, vector<16xf32>
          %exp3A = math.exp %select_n3A : vector<16xf32>
          %lt3A_136 = arith.constant 0.000000e+00 : f32
          %lt3A_137 = vector.broadcast %lt3A_136 : f32 to vector<16xf32>
          %lt3A_138 = arith.cmpf olt, %add3A_126, %lt3A_137 : vector<16xf32>
          %mul3A_139 = arith.constant 2.000000e-01 : f32
          %mul3A_140 = vector.broadcast %mul3A_139 : f32 to vector<16xf32>
          %mul3A_141 = arith.mulf %add3A_126, %mul3A_140 : vector<16xf32>
          %select_n3A_142 = arith.select %lt3A_138, %mul3A_141, %add3A_126 : vector<16xi1>, vector<16xf32>
          %exp3A_143 = math.exp %select_n3A_142 : vector<16xf32>
          %lt3A_144 = arith.constant 0.000000e+00 : f32
          %lt3A_145 = vector.broadcast %lt3A_144 : f32 to vector<16xf32>
          %lt3A_146 = arith.cmpf olt, %add3A_128, %lt3A_145 : vector<16xf32>
          %mul3A_147 = arith.constant 2.000000e-01 : f32
          %mul3A_148 = vector.broadcast %mul3A_147 : f32 to vector<16xf32>
          %mul3A_149 = arith.mulf %add3A_128, %mul3A_148 : vector<16xf32>
          %select_n3A_150 = arith.select %lt3A_146, %mul3A_149, %add3A_128 : vector<16xi1>, vector<16xf32>
          %exp3A_151 = math.exp %select_n3A_150 : vector<16xf32>
          %lt3A_152 = arith.constant 0.000000e+00 : f32
          %lt3A_153 = vector.broadcast %lt3A_152 : f32 to vector<16xf32>
          %lt3A_154 = arith.cmpf olt, %add3A_130, %lt3A_153 : vector<16xf32>
          %mul3A_155 = arith.constant 2.000000e-01 : f32
          %mul3A_156 = vector.broadcast %mul3A_155 : f32 to vector<16xf32>
          %mul3A_157 = arith.mulf %add3A_130, %mul3A_156 : vector<16xf32>
          %select_n3A_158 = arith.select %lt3A_154, %mul3A_157, %add3A_130 : vector<16xi1>, vector<16xf32>
          %exp3A_159 = math.exp %select_n3A_158 : vector<16xf32>
          %swap3A = arith.constant 0 : index
          %swap3A_160 = tpu.vector_load %arg15[%swap3A] {strides = array<i32>} : memref<128xf32, #tpu.memory_space<vmem>>, vector<16xf32>,
          tpu.vector_store %arg15[%swap3A], %exp3A {strides = array<i32>} : memref<128xf32, #tpu.memory_space<vmem>>, vector<16xf32>,
          %add3A_161 = vector.broadcast %mul3A_60 : i32 to vector<16xi32>
          %add3A_162 = arith.addi %get3A_63, %add3A_161 : vector<16xi32>
          %swap3A_163 = arith.constant 0 : index
          %swap3A_164 = tpu.vector_load %arg21[%swap3A_163] {strides = array<i32>} : memref<128xi32, #tpu.memory_space<vmem>>, vector<16xi32>,
          tpu.vector_store %arg21[%swap3A_163], %add3A_162 {strides = array<i32>} : memref<128xi32, #tpu.memory_space<vmem>>, vector<16xi32>,
          %add3A_165 = vector.broadcast %mul3A_60 : i32 to vector<16xi32>
          %add3A_166 = arith.addi %get3A_81, %add3A_165 : vector<16xi32>
          %swap3A_167 = arith.constant 0 : index
          %swap3A_168 = tpu.vector_load %arg23[%swap3A_167] {strides = array<i32>} : memref<128xi32, #tpu.memory_space<vmem>>, vector<16xi32>,
          tpu.vector_store %arg23[%swap3A_167], %add3A_166 {strides = array<i32>} : memref<128xi32, #tpu.memory_space<vmem>>, vector<16xi32>,
          %swap3A_169 = arith.constant 16 : index
          %swap3A_170 = tpu.vector_load %arg15[%swap3A_169] {strides = array<i32>} : memref<128xf32, #tpu.memory_space<vmem>>, vector<16xf32>,
          tpu.vector_store %arg15[%swap3A_169], %exp3A_143 {strides = array<i32>} : memref<128xf32, #tpu.memory_space<vmem>>, vector<16xf32>,
          %add3A_171 = vector.broadcast %mul3A_60 : i32 to vector<16xi32>
          %add3A_172 = arith.addi %get3A_67, %add3A_171 : vector<16xi32>
          %swap3A_173 = arith.constant 16 : index
          %swap3A_174 = tpu.vector_load %arg21[%swap3A_173] {strides = array<i32>} : memref<128xi32, #tpu.memory_space<vmem>>, vector<16xi32>,
          tpu.vector_store %arg21[%swap3A_173], %add3A_172 {strides = array<i32>} : memref<128xi32, #tpu.memory_space<vmem>>, vector<16xi32>,
          %add3A_175 = vector.broadcast %mul3A_60 : i32 to vector<16xi32>
          %add3A_176 = arith.addi %get3A_87, %add3A_175 : vector<16xi32>
          %swap3A_177 = arith.constant 16 : index
          %swap3A_178 = tpu.vector_load %arg23[%swap3A_177] {strides = array<i32>} : memref<128xi32, #tpu.memory_space<vmem>>, vector<16xi32>,
          tpu.vector_store %arg23[%swap3A_177], %add3A_176 {strides = array<i32>} : memref<128xi32, #tpu.memory_space<vmem>>, vector<16xi32>,
          %swap3A_179 = arith.constant 32 : index
          %swap3A_180 = tpu.vector_load %arg15[%swap3A_179] {strides = array<i32>} : memref<128xf32, #tpu.memory_space<vmem>>, vector<16xf32>,
          tpu.vector_store %arg15[%swap3A_179], %exp3A_151 {strides = array<i32>} : memref<128xf32, #tpu.memory_space<vmem>>, vector<16xf32>,
          %add3A_181 = vector.broadcast %mul3A_60 : i32 to vector<16xi32>
          %add3A_182 = arith.addi %get3A_71, %add3A_181 : vector<16xi32>
          %swap3A_183 = arith.constant 32 : index
          %swap3A_184 = tpu.vector_load %arg21[%swap3A_183] {strides = array<i32>} : memref<128xi32, #tpu.memory_space<vmem>>, vector<16xi32>,
          tpu.vector_store %arg21[%swap3A_183], %add3A_182 {strides = array<i32>} : memref<128xi32, #tpu.memory_space<vmem>>, vector<16xi32>,
          %add3A_185 = vector.broadcast %mul3A_60 : i32 to vector<16xi32>
          %add3A_186 = arith.addi %get3A_93, %add3A_185 : vector<16xi32>
          %swap3A_187 = arith.constant 32 : index
          %swap3A_188 = tpu.vector_load %arg23[%swap3A_187] {strides = array<i32>} : memref<128xi32, #tpu.memory_space<vmem>>, vector<16xi32>,
          tpu.vector_store %arg23[%swap3A_187], %add3A_186 {strides = array<i32>} : memref<128xi32, #tpu.memory_space<vmem>>, vector<16xi32>,
          %swap3A_189 = arith.constant 48 : index
          %swap3A_190 = tpu.vector_load %arg15[%swap3A_189] {strides = array<i32>} : memref<128xf32, #tpu.memory_space<vmem>>, vector<16xf32>,
          tpu.vector_store %arg15[%swap3A_189], %exp3A_159 {strides = array<i32>} : memref<128xf32, #tpu.memory_space<vmem>>, vector<16xf32>,
          %add3A_191 = vector.broadcast %mul3A_60 : i32 to vector<16xi32>
          %add3A_192 = arith.addi %get3A_75, %add3A_191 : vector<16xi32>
          %swap3A_193 = arith.constant 48 : index
          %swap3A_194 = tpu.vector_load %arg21[%swap3A_193] {strides = array<i32>} : memref<128xi32, #tpu.memory_space<vmem>>, vector<16xi32>,
          tpu.vector_store %arg21[%swap3A_193], %add3A_192 {strides = array<i32>} : memref<128xi32, #tpu.memory_space<vmem>>, vector<16xi32>,
          %add3A_195 = vector.broadcast %mul3A_60 : i32 to vector<16xi32>
          %add3A_196 = arith.addi %get3A_99, %add3A_195 : vector<16xi32>
          %swap3A_197 = arith.constant 48 : index
          %swap3A_198 = tpu.vector_load %arg23[%swap3A_197] {strides = array<i32>} : memref<128xi32, #tpu.memory_space<vmem>>, vector<16xi32>,
          tpu.vector_store %arg23[%swap3A_197], %add3A_196 {strides = array<i32>} : memref<128xi32, #tpu.memory_space<vmem>>, vector<16xi32>,
          %add3A_199 = arith.constant 64 : i32
          %add3A_200 = arith.addi %mul3A_58, %add3A_199 : i32
          %get3A_201 = arith.index_cast %add3A_200 : i32 to index
          %get3A_202 = tpu.vector_load %arg13[%get3A_201] {strides = array<i32>} : memref<2048xi32, #tpu.memory_space<vmem>>, vector<16xi32>,
          %add3A_203 = arith.constant 80 : i32
          %add3A_204 = arith.addi %mul3A_58, %add3A_203 : i32
          %get3A_205 = arith.index_cast %add3A_204 : i32 to index
          %get3A_206 = tpu.vector_load %arg13[%get3A_205] {strides = array<i32>} : memref<2048xi32, #tpu.memory_space<vmem>>, vector<16xi32>,
          %add3A_207 = arith.constant 96 : i32
          %add3A_208 = arith.addi %mul3A_58, %add3A_207 : i32
          %get3A_209 = arith.index_cast %add3A_208 : i32 to index
          %get3A_210 = tpu.vector_load %arg13[%get3A_209] {strides = array<i32>} : memref<2048xi32, #tpu.memory_space<vmem>>, vector<16xi32>,
          %add3A_211 = arith.constant 112 : i32
          %add3A_212 = arith.addi %mul3A_58, %add3A_211 : i32
          %get3A_213 = arith.index_cast %add3A_212 : i32 to index
          %get3A_214 = tpu.vector_load %arg13[%get3A_213] {strides = array<i32>} : memref<2048xi32, #tpu.memory_space<vmem>>, vector<16xi32>,
          %add3A_215 = arith.constant 1024 : i32
          %add3A_216 = arith.addi %add3A_215, %mul3A_58 : i32
          %add3A_217 = arith.constant 64 : i32
          %add3A_218 = arith.addi %add3A_216, %add3A_217 : i32
          %get3A_219 = arith.index_cast %add3A_218 : i32 to index
          %get3A_220 = tpu.vector_load %arg13[%get3A_219] {strides = array<i32>} : memref<2048xi32, #tpu.memory_space<vmem>>, vector<16xi32>,
          %add3A_221 = arith.constant 1024 : i32
          %add3A_222 = arith.addi %add3A_221, %mul3A_58 : i32
          %add3A_223 = arith.constant 80 : i32
          %add3A_224 = arith.addi %add3A_222, %add3A_223 : i32
          %get3A_225 = arith.index_cast %add3A_224 : i32 to index
          %get3A_226 = tpu.vector_load %arg13[%get3A_225] {strides = array<i32>} : memref<2048xi32, #tpu.memory_space<vmem>>, vector<16xi32>,
          %add3A_227 = arith.constant 1024 : i32
          %add3A_228 = arith.addi %add3A_227, %mul3A_58 : i32
          %add3A_229 = arith.constant 96 : i32
          %add3A_230 = arith.addi %add3A_228, %add3A_229 : i32
          %get3A_231 = arith.index_cast %add3A_230 : i32 to index
          %get3A_232 = tpu.vector_load %arg13[%get3A_231] {strides = array<i32>} : memref<2048xi32, #tpu.memory_space<vmem>>, vector<16xi32>,
          %add3A_233 = arith.constant 1024 : i32
          %add3A_234 = arith.addi %add3A_233, %mul3A_58 : i32
          %add3A_235 = arith.constant 112 : i32
          %add3A_236 = arith.addi %add3A_234, %add3A_235 : i32
          %get3A_237 = arith.index_cast %add3A_236 : i32 to index
          %get3A_238 = tpu.vector_load %arg13[%get3A_237] {strides = array<i32>} : memref<2048xi32, #tpu.memory_space<vmem>>, vector<16xi32>,
          %gather3A_239 = tpu.vector_load_idx %arg11[%get3A_202] : memref<10240xf32, #tpu.memory_space<vmem>>[vector<16xi32>], vector<16xf32>,
          %gather3A_240 = tpu.vector_load_idx %arg11[%get3A_206] : memref<10240xf32, #tpu.memory_space<vmem>>[vector<16xi32>], vector<16xf32>,
          %gather3A_241 = tpu.vector_load_idx %arg11[%get3A_210] : memref<10240xf32, #tpu.memory_space<vmem>>[vector<16xi32>], vector<16xf32>,
          %gather3A_242 = tpu.vector_load_idx %arg11[%get3A_214] : memref<10240xf32, #tpu.memory_space<vmem>>[vector<16xi32>], vector<16xf32>,
          %gather3A_243 = tpu.vector_load_idx %arg12[%get3A_220] : memref<10240xf32, #tpu.memory_space<vmem>>[vector<16xi32>], vector<16xf32>,
          %gather3A_244 = tpu.vector_load_idx %arg12[%get3A_226] : memref<10240xf32, #tpu.memory_space<vmem>>[vector<16xi32>], vector<16xf32>,
          %gather3A_245 = tpu.vector_load_idx %arg12[%get3A_232] : memref<10240xf32, #tpu.memory_space<vmem>>[vector<16xi32>], vector<16xf32>,
          %gather3A_246 = tpu.vector_load_idx %arg12[%get3A_238] : memref<10240xf32, #tpu.memory_space<vmem>>[vector<16xi32>], vector<16xf32>,
          %add3A_247 = arith.constant 64 : i32
          %add3A_248 = arith.addi %mul3A_58, %add3A_247 : i32
          %get3A_249 = arith.index_cast %add3A_248 : i32 to index
          %get3A_250 = tpu.vector_load %arg14[%get3A_249] {strides = array<i32>} : memref<1024xf32, #tpu.memory_space<vmem>>, vector<16xf32>,
          %add3A_251 = arith.constant 80 : i32
          %add3A_252 = arith.addi %mul3A_58, %add3A_251 : i32
          %get3A_253 = arith.index_cast %add3A_252 : i32 to index
          %get3A_254 = tpu.vector_load %arg14[%get3A_253] {strides = array<i32>} : memref<1024xf32, #tpu.memory_space<vmem>>, vector<16xf32>,
          %add3A_255 = arith.constant 96 : i32
          %add3A_256 = arith.addi %mul3A_58, %add3A_255 : i32
          %get3A_257 = arith.index_cast %add3A_256 : i32 to index
          %get3A_258 = tpu.vector_load %arg14[%get3A_257] {strides = array<i32>} : memref<1024xf32, #tpu.memory_space<vmem>>, vector<16xf32>,
          %add3A_259 = arith.constant 112 : i32
          %add3A_260 = arith.addi %mul3A_58, %add3A_259 : i32
          %get3A_261 = arith.index_cast %add3A_260 : i32 to index
          %get3A_262 = tpu.vector_load %arg14[%get3A_261] {strides = array<i32>} : memref<1024xf32, #tpu.memory_space<vmem>>, vector<16xf32>,
          %add3A_263 = arith.addf %gather3A_239, %gather3A_243 : vector<16xf32>
          %add3A_264 = arith.addf %add3A_263, %get3A_250 : vector<16xf32>
          %add3A_265 = arith.addf %gather3A_240, %gather3A_244 : vector<16xf32>
          %add3A_266 = arith.addf %add3A_265, %get3A_254 : vector<16xf32>
          %add3A_267 = arith.addf %gather3A_241, %gather3A_245 : vector<16xf32>
          %add3A_268 = arith.addf %add3A_267, %get3A_258 : vector<16xf32>
          %add3A_269 = arith.addf %gather3A_242, %gather3A_246 : vector<16xf32>
          %add3A_270 = arith.addf %add3A_269, %get3A_262 : vector<16xf32>
          %lt3A_271 = arith.constant 0.000000e+00 : f32
          %lt3A_272 = vector.broadcast %lt3A_271 : f32 to vector<16xf32>
          %lt3A_273 = arith.cmpf olt, %add3A_264, %lt3A_272 : vector<16xf32>
          %mul3A_274 = arith.constant 2.000000e-01 : f32
          %mul3A_275 = vector.broadcast %mul3A_274 : f32 to vector<16xf32>
          %mul3A_276 = arith.mulf %add3A_264, %mul3A_275 : vector<16xf32>
          %select_n3A_277 = arith.select %lt3A_273, %mul3A_276, %add3A_264 : vector<16xi1>, vector<16xf32>
          %exp3A_278 = math.exp %select_n3A_277 : vector<16xf32>
          %lt3A_279 = arith.constant 0.000000e+00 : f32
          %lt3A_280 = vector.broadcast %lt3A_279 : f32 to vector<16xf32>
          %lt3A_281 = arith.cmpf olt, %add3A_266, %lt3A_280 : vector<16xf32>
          %mul3A_282 = arith.constant 2.000000e-01 : f32
          %mul3A_283 = vector.broadcast %mul3A_282 : f32 to vector<16xf32>
          %mul3A_284 = arith.mulf %add3A_266, %mul3A_283 : vector<16xf32>
          %select_n3A_285 = arith.select %lt3A_281, %mul3A_284, %add3A_266 : vector<16xi1>, vector<16xf32>
          %exp3A_286 = math.exp %select_n3A_285 : vector<16xf32>
          %lt3A_287 = arith.constant 0.000000e+00 : f32
          %lt3A_288 = vector.broadcast %lt3A_287 : f32 to vector<16xf32>
          %lt3A_289 = arith.cmpf olt, %add3A_268, %lt3A_288 : vector<16xf32>
          %mul3A_290 = arith.constant 2.000000e-01 : f32
          %mul3A_291 = vector.broadcast %mul3A_290 : f32 to vector<16xf32>
          %mul3A_292 = arith.mulf %add3A_268, %mul3A_291 : vector<16xf32>
          %select_n3A_293 = arith.select %lt3A_289, %mul3A_292, %add3A_268 : vector<16xi1>, vector<16xf32>
          %exp3A_294 = math.exp %select_n3A_293 : vector<16xf32>
          %lt3A_295 = arith.constant 0.000000e+00 : f32
          %lt3A_296 = vector.broadcast %lt3A_295 : f32 to vector<16xf32>
          %lt3A_297 = arith.cmpf olt, %add3A_270, %lt3A_296 : vector<16xf32>
          %mul3A_298 = arith.constant 2.000000e-01 : f32
          %mul3A_299 = vector.broadcast %mul3A_298 : f32 to vector<16xf32>
          %mul3A_300 = arith.mulf %add3A_270, %mul3A_299 : vector<16xf32>
          %select_n3A_301 = arith.select %lt3A_297, %mul3A_300, %add3A_270 : vector<16xi1>, vector<16xf32>
          %exp3A_302 = math.exp %select_n3A_301 : vector<16xf32>
          %swap3A_303 = arith.constant 64 : index
          %swap3A_304 = tpu.vector_load %arg15[%swap3A_303] {strides = array<i32>} : memref<128xf32, #tpu.memory_space<vmem>>, vector<16xf32>,
          tpu.vector_store %arg15[%swap3A_303], %exp3A_278 {strides = array<i32>} : memref<128xf32, #tpu.memory_space<vmem>>, vector<16xf32>,
          %add3A_305 = vector.broadcast %mul3A_60 : i32 to vector<16xi32>
          %add3A_306 = arith.addi %get3A_202, %add3A_305 : vector<16xi32>
          %swap3A_307 = arith.constant 64 : index
          %swap3A_308 = tpu.vector_load %arg21[%swap3A_307] {strides = array<i32>} : memref<128xi32, #tpu.memory_space<vmem>>, vector<16xi32>,
          tpu.vector_store %arg21[%swap3A_307], %add3A_306 {strides = array<i32>} : memref<128xi32, #tpu.memory_space<vmem>>, vector<16xi32>,
          %add3A_309 = vector.broadcast %mul3A_60 : i32 to vector<16xi32>
          %add3A_310 = arith.addi %get3A_220, %add3A_309 : vector<16xi32>
          %swap3A_311 = arith.constant 64 : index
          %swap3A_312 = tpu.vector_load %arg23[%swap3A_311] {strides = array<i32>} : memref<128xi32, #tpu.memory_space<vmem>>, vector<16xi32>,
          tpu.vector_store %arg23[%swap3A_311], %add3A_310 {strides = array<i32>} : memref<128xi32, #tpu.memory_space<vmem>>, vector<16xi32>,
          %swap3A_313 = arith.constant 80 : index
          %swap3A_314 = tpu.vector_load %arg15[%swap3A_313] {strides = array<i32>} : memref<128xf32, #tpu.memory_space<vmem>>, vector<16xf32>,
          tpu.vector_store %arg15[%swap3A_313], %exp3A_286 {strides = array<i32>} : memref<128xf32, #tpu.memory_space<vmem>>, vector<16xf32>,
          %add3A_315 = vector.broadcast %mul3A_60 : i32 to vector<16xi32>
          %add3A_316 = arith.addi %get3A_206, %add3A_315 : vector<16xi32>
          %swap3A_317 = arith.constant 80 : index
          %swap3A_318 = tpu.vector_load %arg21[%swap3A_317] {strides = array<i32>} : memref<128xi32, #tpu.memory_space<vmem>>, vector<16xi32>,
          tpu.vector_store %arg21[%swap3A_317], %add3A_316 {strides = array<i32>} : memref<128xi32, #tpu.memory_space<vmem>>, vector<16xi32>,
          %add3A_319 = vector.broadcast %mul3A_60 : i32 to vector<16xi32>
          %add3A_320 = arith.addi %get3A_226, %add3A_319 : vector<16xi32>
          %swap3A_321 = arith.constant 80 : index
          %swap3A_322 = tpu.vector_load %arg23[%swap3A_321] {strides = array<i32>} : memref<128xi32, #tpu.memory_space<vmem>>, vector<16xi32>,
          tpu.vector_store %arg23[%swap3A_321], %add3A_320 {strides = array<i32>} : memref<128xi32, #tpu.memory_space<vmem>>, vector<16xi32>,
          %swap3A_323 = arith.constant 96 : index
          %swap3A_324 = tpu.vector_load %arg15[%swap3A_323] {strides = array<i32>} : memref<128xf32, #tpu.memory_space<vmem>>, vector<16xf32>,
          tpu.vector_store %arg15[%swap3A_323], %exp3A_294 {strides = array<i32>} : memref<128xf32, #tpu.memory_space<vmem>>, vector<16xf32>,
          %add3A_325 = vector.broadcast %mul3A_60 : i32 to vector<16xi32>
          %add3A_326 = arith.addi %get3A_210, %add3A_325 : vector<16xi32>
          %swap3A_327 = arith.constant 96 : index
          %swap3A_328 = tpu.vector_load %arg21[%swap3A_327] {strides = array<i32>} : memref<128xi32, #tpu.memory_space<vmem>>, vector<16xi32>,
          tpu.vector_store %arg21[%swap3A_327], %add3A_326 {strides = array<i32>} : memref<128xi32, #tpu.memory_space<vmem>>, vector<16xi32>,
          %add3A_329 = vector.broadcast %mul3A_60 : i32 to vector<16xi32>
          %add3A_330 = arith.addi %get3A_232, %add3A_329 : vector<16xi32>
          %swap3A_331 = arith.constant 96 : index
          %swap3A_332 = tpu.vector_load %arg23[%swap3A_331] {strides = array<i32>} : memref<128xi32, #tpu.memory_space<vmem>>, vector<16xi32>,
          tpu.vector_store %arg23[%swap3A_331], %add3A_330 {strides = array<i32>} : memref<128xi32, #tpu.memory_space<vmem>>, vector<16xi32>,
          %swap3A_333 = arith.constant 112 : index
          %swap3A_334 = tpu.vector_load %arg15[%swap3A_333] {strides = array<i32>} : memref<128xf32, #tpu.memory_space<vmem>>, vector<16xf32>,
          tpu.vector_store %arg15[%swap3A_333], %exp3A_302 {strides = array<i32>} : memref<128xf32, #tpu.memory_space<vmem>>, vector<16xf32>,
          %add3A_335 = vector.broadcast %mul3A_60 : i32 to vector<16xi32>
          %add3A_336 = arith.addi %get3A_214, %add3A_335 : vector<16xi32>
          %swap3A_337 = arith.constant 112 : index
          %swap3A_338 = tpu.vector_load %arg21[%swap3A_337] {strides = array<i32>} : memref<128xi32, #tpu.memory_space<vmem>>, vector<16xi32>,
          tpu.vector_store %arg21[%swap3A_337], %add3A_336 {strides = array<i32>} : memref<128xi32, #tpu.memory_space<vmem>>, vector<16xi32>,
          %add3A_339 = vector.broadcast %mul3A_60 : i32 to vector<16xi32>
          %add3A_340 = arith.addi %get3A_238, %add3A_339 : vector<16xi32>
          %swap3A_341 = arith.constant 112 : index
          %swap3A_342 = tpu.vector_load %arg23[%swap3A_341] {strides = array<i32>} : memref<128xi32, #tpu.memory_space<vmem>>, vector<16xi32>,
          tpu.vector_store %arg23[%swap3A_341], %add3A_340 {strides = array<i32>} : memref<128xi32, #tpu.memory_space<vmem>>, vector<16xi32>,
          %dma_start3A = arith.constant 0 : i32
          %dma_start3A_343 = arith.constant 0 : i32
          %dma_start3A_344 = tpu.memref_slice %arg6[%dma_start3A, %dma_start3A_343] : memref<40960x32xf32, #tpu.memory_space<hbm>> -> memref<40960x32xf32, #tpu.memory_space<hbm>>
          tpu.enqueue_indirect_dma source(%dma_start3A_344 : memref<40960x32xf32, #tpu.memory_space<hbm>>) target(%arg17 : memref<128x32xf32, #tpu.memory_space<vmem>>) offsets(%arg21 : memref<128xi32, #tpu.memory_space<vmem>>) semaphore(%arg27 : memref<!tpu.dma_semaphore, #tpu.memory_space<semaphore_mem>>)
          %convert_element_type3A_345 = arith.extui %or3A_51 : i1 to i32
          %cond3A_346 = arith.constant 0 : i32
          %cond3A_347 = arith.cmpi ne, %convert_element_type3A_345, %cond3A_346 : i32
          scf.if %cond3A_347 {
            %dma_wait3A_675 = arith.constant 0 : i32
            %dma_wait3A_676 = arith.constant 0 : i32
            %dma_wait3A_677 = tpu.memref_slice %arg25[%dma_wait3A_675, %dma_wait3A_676] : memref<40960x32xf32, #tpu.memory_space<vmem_shared>> -> memref<40960x32xf32, #tpu.memory_space<vmem_shared>>
            tpu.wait_indirect_dma semaphore(%arg30 : memref<!tpu.dma_semaphore, #tpu.memory_space<semaphore_mem>>) src(%arg20 : memref<128x32xf32, #tpu.memory_space<vmem>>) dst(%dma_wait3A_677 : memref<40960x32xf32, #tpu.memory_space<vmem_shared>>)
            %dma_wait3A_678 = arith.constant 0 : i32
            %dma_wait3A_679 = tpu.memref_slice %arg26[%dma_wait3A_678] : memref<40960xf32, #tpu.memory_space<vmem_shared>> -> memref<40960xf32, #tpu.memory_space<vmem_shared>>
            tpu.wait_indirect_dma semaphore(%arg32 : memref<!tpu.dma_semaphore, #tpu.memory_space<semaphore_mem>>) src(%arg16 : memref<128xf32, #tpu.memory_space<vmem>>) dst(%dma_wait3A_679 : memref<40960xf32, #tpu.memory_space<vmem_shared>>)
          } else {
          }
          %mul3A_348 = arith.constant 2 : i32
          %mul3A_349 = arith.muli %mul3A_348, %scan3A_45 : i32
          %add3A_350 = arith.constant 1 : i32
          %add3A_351 = arith.addi %mul3A_349, %add3A_350 : i32
          %mul3A_352 = arith.constant 128 : i32
          %mul3A_353 = arith.muli %add3A_351, %mul3A_352 : i32
          %mul3A_354 = arith.constant 10240 : i32
          %mul3A_355 = arith.muli %scan3A_23, %mul3A_354 : i32
          %add3A_356 = arith.constant 0 : i32
          %add3A_357 = arith.addi %mul3A_353, %add3A_356 : i32
          %get3A_358 = arith.index_cast %add3A_357 : i32 to index
          %get3A_359 = tpu.vector_load %arg13[%get3A_358] {strides = array<i32>} : memref<2048xi32, #tpu.memory_space<vmem>>, vector<16xi32>,
          %add3A_360 = arith.constant 16 : i32
          %add3A_361 = arith.addi %mul3A_353, %add3A_360 : i32
          %get3A_362 = arith.index_cast %add3A_361 : i32 to index
          %get3A_363 = tpu.vector_load %arg13[%get3A_362] {strides = array<i32>} : memref<2048xi32, #tpu.memory_space<vmem>>, vector<16xi32>,
          %add3A_364 = arith.constant 32 : i32
          %add3A_365 = arith.addi %mul3A_353, %add3A_364 : i32
          %get3A_366 = arith.index_cast %add3A_365 : i32 to index
          %get3A_367 = tpu.vector_load %arg13[%get3A_366] {strides = array<i32>} : memref<2048xi32, #tpu.memory_space<vmem>>, vector<16xi32>,
          %add3A_368 = arith.constant 48 : i32
          %add3A_369 = arith.addi %mul3A_353, %add3A_368 : i32
          %get3A_370 = arith.index_cast %add3A_369 : i32 to index
          %get3A_371 = tpu.vector_load %arg13[%get3A_370] {strides = array<i32>} : memref<2048xi32, #tpu.memory_space<vmem>>, vector<16xi32>,
          %add3A_372 = arith.constant 1024 : i32
          %add3A_373 = arith.addi %add3A_372, %mul3A_353 : i32
          %add3A_374 = arith.constant 0 : i32
          %add3A_375 = arith.addi %add3A_373, %add3A_374 : i32
          %get3A_376 = arith.index_cast %add3A_375 : i32 to index
          %get3A_377 = tpu.vector_load %arg13[%get3A_376] {strides = array<i32>} : memref<2048xi32, #tpu.memory_space<vmem>>, vector<16xi32>,
          %add3A_378 = arith.constant 1024 : i32
          %add3A_379 = arith.addi %add3A_378, %mul3A_353 : i32
          %add3A_380 = arith.constant 16 : i32
          %add3A_381 = arith.addi %add3A_379, %add3A_380 : i32
          %get3A_382 = arith.index_cast %add3A_381 : i32 to index
          %get3A_383 = tpu.vector_load %arg13[%get3A_382] {strides = array<i32>} : memref<2048xi32, #tpu.memory_space<vmem>>, vector<16xi32>,
          %add3A_384 = arith.constant 1024 : i32
          %add3A_385 = arith.addi %add3A_384, %mul3A_353 : i32
          %add3A_386 = arith.constant 32 : i32
          %add3A_387 = arith.addi %add3A_385, %add3A_386 : i32
          %get3A_388 = arith.index_cast %add3A_387 : i32 to index
          %get3A_389 = tpu.vector_load %arg13[%get3A_388] {strides = array<i32>} : memref<2048xi32, #tpu.memory_space<vmem>>, vector<16xi32>,
          %add3A_390 = arith.constant 1024 : i32
          %add3A_391 = arith.addi %add3A_390, %mul3A_353 : i32
          %add3A_392 = arith.constant 48 : i32
          %add3A_393 = arith.addi %add3A_391, %add3A_392 : i32
          %get3A_394 = arith.index_cast %add3A_393 : i32 to index
          %get3A_395 = tpu.vector_load %arg13[%get3A_394] {strides = array<i32>} : memref<2048xi32, #tpu.memory_space<vmem>>, vector<16xi32>,
          %gather3A_396 = tpu.vector_load_idx %arg11[%get3A_359] : memref<10240xf32, #tpu.memory_space<vmem>>[vector<16xi32>], vector<16xf32>,
          %gather3A_397 = tpu.vector_load_idx %arg11[%get3A_363] : memref<10240xf32, #tpu.memory_space<vmem>>[vector<16xi32>], vector<16xf32>,
          %gather3A_398 = tpu.vector_load_idx %arg11[%get3A_367] : memref<10240xf32, #tpu.memory_space<vmem>>[vector<16xi32>], vector<16xf32>,
          %gather3A_399 = tpu.vector_load_idx %arg11[%get3A_371] : memref<10240xf32, #tpu.memory_space<vmem>>[vector<16xi32>], vector<16xf32>,
          %gather3A_400 = tpu.vector_load_idx %arg12[%get3A_377] : memref<10240xf32, #tpu.memory_space<vmem>>[vector<16xi32>], vector<16xf32>,
          %gather3A_401 = tpu.vector_load_idx %arg12[%get3A_383] : memref<10240xf32, #tpu.memory_space<vmem>>[vector<16xi32>], vector<16xf32>,
          %gather3A_402 = tpu.vector_load_idx %arg12[%get3A_389] : memref<10240xf32, #tpu.memory_space<vmem>>[vector<16xi32>], vector<16xf32>,
          %gather3A_403 = tpu.vector_load_idx %arg12[%get3A_395] : memref<10240xf32, #tpu.memory_space<vmem>>[vector<16xi32>], vector<16xf32>,
          %add3A_404 = arith.constant 0 : i32
          %add3A_405 = arith.addi %mul3A_353, %add3A_404 : i32
          %get3A_406 = arith.index_cast %add3A_405 : i32 to index
          %get3A_407 = tpu.vector_load %arg14[%get3A_406] {strides = array<i32>} : memref<1024xf32, #tpu.memory_space<vmem>>, vector<16xf32>,
          %add3A_408 = arith.constant 16 : i32
          %add3A_409 = arith.addi %mul3A_353, %add3A_408 : i32
          %get3A_410 = arith.index_cast %add3A_409 : i32 to index
          %get3A_411 = tpu.vector_load %arg14[%get3A_410] {strides = array<i32>} : memref<1024xf32, #tpu.memory_space<vmem>>, vector<16xf32>,
          %add3A_412 = arith.constant 32 : i32
          %add3A_413 = arith.addi %mul3A_353, %add3A_412 : i32
          %get3A_414 = arith.index_cast %add3A_413 : i32 to index
          %get3A_415 = tpu.vector_load %arg14[%get3A_414] {strides = array<i32>} : memref<1024xf32, #tpu.memory_space<vmem>>, vector<16xf32>,
          %add3A_416 = arith.constant 48 : i32
          %add3A_417 = arith.addi %mul3A_353, %add3A_416 : i32
          %get3A_418 = arith.index_cast %add3A_417 : i32 to index
          %get3A_419 = tpu.vector_load %arg14[%get3A_418] {strides = array<i32>} : memref<1024xf32, #tpu.memory_space<vmem>>, vector<16xf32>,
          %add3A_420 = arith.addf %gather3A_396, %gather3A_400 : vector<16xf32>
          %add3A_421 = arith.addf %add3A_420, %get3A_407 : vector<16xf32>
          %add3A_422 = arith.addf %gather3A_397, %gather3A_401 : vector<16xf32>
          %add3A_423 = arith.addf %add3A_422, %get3A_411 : vector<16xf32>
          %add3A_424 = arith.addf %gather3A_398, %gather3A_402 : vector<16xf32>
          %add3A_425 = arith.addf %add3A_424, %get3A_415 : vector<16xf32>
          %add3A_426 = arith.addf %gather3A_399, %gather3A_403 : vector<16xf32>
          %add3A_427 = arith.addf %add3A_426, %get3A_419 : vector<16xf32>
          %lt3A_428 = arith.constant 0.000000e+00 : f32
          %lt3A_429 = vector.broadcast %lt3A_428 : f32 to vector<16xf32>
          %lt3A_430 = arith.cmpf olt, %add3A_421, %lt3A_429 : vector<16xf32>
          %mul3A_431 = arith.constant 2.000000e-01 : f32
          %mul3A_432 = vector.broadcast %mul3A_431 : f32 to vector<16xf32>
          %mul3A_433 = arith.mulf %add3A_421, %mul3A_432 : vector<16xf32>
          %select_n3A_434 = arith.select %lt3A_430, %mul3A_433, %add3A_421 : vector<16xi1>, vector<16xf32>
          %exp3A_435 = math.exp %select_n3A_434 : vector<16xf32>
          %lt3A_436 = arith.constant 0.000000e+00 : f32
          %lt3A_437 = vector.broadcast %lt3A_436 : f32 to vector<16xf32>
          %lt3A_438 = arith.cmpf olt, %add3A_423, %lt3A_437 : vector<16xf32>
          %mul3A_439 = arith.constant 2.000000e-01 : f32
          %mul3A_440 = vector.broadcast %mul3A_439 : f32 to vector<16xf32>
          %mul3A_441 = arith.mulf %add3A_423, %mul3A_440 : vector<16xf32>
          %select_n3A_442 = arith.select %lt3A_438, %mul3A_441, %add3A_423 : vector<16xi1>, vector<16xf32>
          %exp3A_443 = math.exp %select_n3A_442 : vector<16xf32>
          %lt3A_444 = arith.constant 0.000000e+00 : f32
          %lt3A_445 = vector.broadcast %lt3A_444 : f32 to vector<16xf32>
          %lt3A_446 = arith.cmpf olt, %add3A_425, %lt3A_445 : vector<16xf32>
          %mul3A_447 = arith.constant 2.000000e-01 : f32
          %mul3A_448 = vector.broadcast %mul3A_447 : f32 to vector<16xf32>
          %mul3A_449 = arith.mulf %add3A_425, %mul3A_448 : vector<16xf32>
          %select_n3A_450 = arith.select %lt3A_446, %mul3A_449, %add3A_425 : vector<16xi1>, vector<16xf32>
          %exp3A_451 = math.exp %select_n3A_450 : vector<16xf32>
          %lt3A_452 = arith.constant 0.000000e+00 : f32
          %lt3A_453 = vector.broadcast %lt3A_452 : f32 to vector<16xf32>
          %lt3A_454 = arith.cmpf olt, %add3A_427, %lt3A_453 : vector<16xf32>
          %mul3A_455 = arith.constant 2.000000e-01 : f32
          %mul3A_456 = vector.broadcast %mul3A_455 : f32 to vector<16xf32>
          %mul3A_457 = arith.mulf %add3A_427, %mul3A_456 : vector<16xf32>
          %select_n3A_458 = arith.select %lt3A_454, %mul3A_457, %add3A_427 : vector<16xi1>, vector<16xf32>
          %exp3A_459 = math.exp %select_n3A_458 : vector<16xf32>
          %swap3A_460 = arith.constant 0 : index
          %swap3A_461 = tpu.vector_load %arg16[%swap3A_460] {strides = array<i32>} : memref<128xf32, #tpu.memory_space<vmem>>, vector<16xf32>,
          tpu.vector_store %arg16[%swap3A_460], %exp3A_435 {strides = array<i32>} : memref<128xf32, #tpu.memory_space<vmem>>, vector<16xf32>,
          %add3A_462 = vector.broadcast %mul3A_355 : i32 to vector<16xi32>
          %add3A_463 = arith.addi %get3A_359, %add3A_462 : vector<16xi32>
          %swap3A_464 = arith.constant 0 : index
          %swap3A_465 = tpu.vector_load %arg22[%swap3A_464] {strides = array<i32>} : memref<128xi32, #tpu.memory_space<vmem>>, vector<16xi32>,
          tpu.vector_store %arg22[%swap3A_464], %add3A_463 {strides = array<i32>} : memref<128xi32, #tpu.memory_space<vmem>>, vector<16xi32>,
          %add3A_466 = vector.broadcast %mul3A_355 : i32 to vector<16xi32>
          %add3A_467 = arith.addi %get3A_377, %add3A_466 : vector<16xi32>
          %swap3A_468 = arith.constant 0 : index
          %swap3A_469 = tpu.vector_load %arg24[%swap3A_468] {strides = array<i32>} : memref<128xi32, #tpu.memory_space<vmem>>, vector<16xi32>,
          tpu.vector_store %arg24[%swap3A_468], %add3A_467 {strides = array<i32>} : memref<128xi32, #tpu.memory_space<vmem>>, vector<16xi32>,
          %swap3A_470 = arith.constant 16 : index
          %swap3A_471 = tpu.vector_load %arg16[%swap3A_470] {strides = array<i32>} : memref<128xf32, #tpu.memory_space<vmem>>, vector<16xf32>,
          tpu.vector_store %arg16[%swap3A_470], %exp3A_443 {strides = array<i32>} : memref<128xf32, #tpu.memory_space<vmem>>, vector<16xf32>,
          %add3A_472 = vector.broadcast %mul3A_355 : i32 to vector<16xi32>
          %add3A_473 = arith.addi %get3A_363, %add3A_472 : vector<16xi32>
          %swap3A_474 = arith.constant 16 : index
          %swap3A_475 = tpu.vector_load %arg22[%swap3A_474] {strides = array<i32>} : memref<128xi32, #tpu.memory_space<vmem>>, vector<16xi32>,
          tpu.vector_store %arg22[%swap3A_474], %add3A_473 {strides = array<i32>} : memref<128xi32, #tpu.memory_space<vmem>>, vector<16xi32>,
          %add3A_476 = vector.broadcast %mul3A_355 : i32 to vector<16xi32>
          %add3A_477 = arith.addi %get3A_383, %add3A_476 : vector<16xi32>
          %swap3A_478 = arith.constant 16 : index
          %swap3A_479 = tpu.vector_load %arg24[%swap3A_478] {strides = array<i32>} : memref<128xi32, #tpu.memory_space<vmem>>, vector<16xi32>,
          tpu.vector_store %arg24[%swap3A_478], %add3A_477 {strides = array<i32>} : memref<128xi32, #tpu.memory_space<vmem>>, vector<16xi32>,
          %swap3A_480 = arith.constant 32 : index
          %swap3A_481 = tpu.vector_load %arg16[%swap3A_480] {strides = array<i32>} : memref<128xf32, #tpu.memory_space<vmem>>, vector<16xf32>,
          tpu.vector_store %arg16[%swap3A_480], %exp3A_451 {strides = array<i32>} : memref<128xf32, #tpu.memory_space<vmem>>, vector<16xf32>,
          %add3A_482 = vector.broadcast %mul3A_355 : i32 to vector<16xi32>
          %add3A_483 = arith.addi %get3A_367, %add3A_482 : vector<16xi32>
          %swap3A_484 = arith.constant 32 : index
          %swap3A_485 = tpu.vector_load %arg22[%swap3A_484] {strides = array<i32>} : memref<128xi32, #tpu.memory_space<vmem>>, vector<16xi32>,
          tpu.vector_store %arg22[%swap3A_484], %add3A_483 {strides = array<i32>} : memref<128xi32, #tpu.memory_space<vmem>>, vector<16xi32>,
          %add3A_486 = vector.broadcast %mul3A_355 : i32 to vector<16xi32>
          %add3A_487 = arith.addi %get3A_389, %add3A_486 : vector<16xi32>
          %swap3A_488 = arith.constant 32 : index
          %swap3A_489 = tpu.vector_load %arg24[%swap3A_488] {strides = array<i32>} : memref<128xi32, #tpu.memory_space<vmem>>, vector<16xi32>,
          tpu.vector_store %arg24[%swap3A_488], %add3A_487 {strides = array<i32>} : memref<128xi32, #tpu.memory_space<vmem>>, vector<16xi32>,
          %swap3A_490 = arith.constant 48 : index
          %swap3A_491 = tpu.vector_load %arg16[%swap3A_490] {strides = array<i32>} : memref<128xf32, #tpu.memory_space<vmem>>, vector<16xf32>,
          tpu.vector_store %arg16[%swap3A_490], %exp3A_459 {strides = array<i32>} : memref<128xf32, #tpu.memory_space<vmem>>, vector<16xf32>,
          %add3A_492 = vector.broadcast %mul3A_355 : i32 to vector<16xi32>
          %add3A_493 = arith.addi %get3A_371, %add3A_492 : vector<16xi32>
          %swap3A_494 = arith.constant 48 : index
          %swap3A_495 = tpu.vector_load %arg22[%swap3A_494] {strides = array<i32>} : memref<128xi32, #tpu.memory_space<vmem>>, vector<16xi32>,
          tpu.vector_store %arg22[%swap3A_494], %add3A_493 {strides = array<i32>} : memref<128xi32, #tpu.memory_space<vmem>>, vector<16xi32>,
          %add3A_496 = vector.broadcast %mul3A_355 : i32 to vector<16xi32>
          %add3A_497 = arith.addi %get3A_395, %add3A_496 : vector<16xi32>
          %swap3A_498 = arith.constant 48 : index
          %swap3A_499 = tpu.vector_load %arg24[%swap3A_498] {strides = array<i32>} : memref<128xi32, #tpu.memory_space<vmem>>, vector<16xi32>,
          tpu.vector_store %arg24[%swap3A_498], %add3A_497 {strides = array<i32>} : memref<128xi32, #tpu.memory_space<vmem>>, vector<16xi32>,
          %add3A_500 = arith.constant 64 : i32
          %add3A_501 = arith.addi %mul3A_353, %add3A_500 : i32
          %get3A_502 = arith.index_cast %add3A_501 : i32 to index
          %get3A_503 = tpu.vector_load %arg13[%get3A_502] {strides = array<i32>} : memref<2048xi32, #tpu.memory_space<vmem>>, vector<16xi32>,
          %add3A_504 = arith.constant 80 : i32
          %add3A_505 = arith.addi %mul3A_353, %add3A_504 : i32
          %get3A_506 = arith.index_cast %add3A_505 : i32 to index
          %get3A_507 = tpu.vector_load %arg13[%get3A_506] {strides = array<i32>} : memref<2048xi32, #tpu.memory_space<vmem>>, vector<16xi32>,
          %add3A_508 = arith.constant 96 : i32
          %add3A_509 = arith.addi %mul3A_353, %add3A_508 : i32
          %get3A_510 = arith.index_cast %add3A_509 : i32 to index
          %get3A_511 = tpu.vector_load %arg13[%get3A_510] {strides = array<i32>} : memref<2048xi32, #tpu.memory_space<vmem>>, vector<16xi32>,
          %add3A_512 = arith.constant 112 : i32
          %add3A_513 = arith.addi %mul3A_353, %add3A_512 : i32
          %get3A_514 = arith.index_cast %add3A_513 : i32 to index
          %get3A_515 = tpu.vector_load %arg13[%get3A_514] {strides = array<i32>} : memref<2048xi32, #tpu.memory_space<vmem>>, vector<16xi32>,
          %add3A_516 = arith.constant 1024 : i32
          %add3A_517 = arith.addi %add3A_516, %mul3A_353 : i32
          %add3A_518 = arith.constant 64 : i32
          %add3A_519 = arith.addi %add3A_517, %add3A_518 : i32
          %get3A_520 = arith.index_cast %add3A_519 : i32 to index
          %get3A_521 = tpu.vector_load %arg13[%get3A_520] {strides = array<i32>} : memref<2048xi32, #tpu.memory_space<vmem>>, vector<16xi32>,
          %add3A_522 = arith.constant 1024 : i32
          %add3A_523 = arith.addi %add3A_522, %mul3A_353 : i32
          %add3A_524 = arith.constant 80 : i32
          %add3A_525 = arith.addi %add3A_523, %add3A_524 : i32
          %get3A_526 = arith.index_cast %add3A_525 : i32 to index
          %get3A_527 = tpu.vector_load %arg13[%get3A_526] {strides = array<i32>} : memref<2048xi32, #tpu.memory_space<vmem>>, vector<16xi32>,
          %add3A_528 = arith.constant 1024 : i32
          %add3A_529 = arith.addi %add3A_528, %mul3A_353 : i32
          %add3A_530 = arith.constant 96 : i32
          %add3A_531 = arith.addi %add3A_529, %add3A_530 : i32
          %get3A_532 = arith.index_cast %add3A_531 : i32 to index
          %get3A_533 = tpu.vector_load %arg13[%get3A_532] {strides = array<i32>} : memref<2048xi32, #tpu.memory_space<vmem>>, vector<16xi32>,
          %add3A_534 = arith.constant 1024 : i32
          %add3A_535 = arith.addi %add3A_534, %mul3A_353 : i32
          %add3A_536 = arith.constant 112 : i32
          %add3A_537 = arith.addi %add3A_535, %add3A_536 : i32
          %get3A_538 = arith.index_cast %add3A_537 : i32 to index
          %get3A_539 = tpu.vector_load %arg13[%get3A_538] {strides = array<i32>} : memref<2048xi32, #tpu.memory_space<vmem>>, vector<16xi32>,
          %gather3A_540 = tpu.vector_load_idx %arg11[%get3A_503] : memref<10240xf32, #tpu.memory_space<vmem>>[vector<16xi32>], vector<16xf32>,
          %gather3A_541 = tpu.vector_load_idx %arg11[%get3A_507] : memref<10240xf32, #tpu.memory_space<vmem>>[vector<16xi32>], vector<16xf32>,
          %gather3A_542 = tpu.vector_load_idx %arg11[%get3A_511] : memref<10240xf32, #tpu.memory_space<vmem>>[vector<16xi32>], vector<16xf32>,
          %gather3A_543 = tpu.vector_load_idx %arg11[%get3A_515] : memref<10240xf32, #tpu.memory_space<vmem>>[vector<16xi32>], vector<16xf32>,
          %gather3A_544 = tpu.vector_load_idx %arg12[%get3A_521] : memref<10240xf32, #tpu.memory_space<vmem>>[vector<16xi32>], vector<16xf32>,
          %gather3A_545 = tpu.vector_load_idx %arg12[%get3A_527] : memref<10240xf32, #tpu.memory_space<vmem>>[vector<16xi32>], vector<16xf32>,
          %gather3A_546 = tpu.vector_load_idx %arg12[%get3A_533] : memref<10240xf32, #tpu.memory_space<vmem>>[vector<16xi32>], vector<16xf32>,
          %gather3A_547 = tpu.vector_load_idx %arg12[%get3A_539] : memref<10240xf32, #tpu.memory_space<vmem>>[vector<16xi32>], vector<16xf32>,
          %add3A_548 = arith.constant 64 : i32
          %add3A_549 = arith.addi %mul3A_353, %add3A_548 : i32
          %get3A_550 = arith.index_cast %add3A_549 : i32 to index
          %get3A_551 = tpu.vector_load %arg14[%get3A_550] {strides = array<i32>} : memref<1024xf32, #tpu.memory_space<vmem>>, vector<16xf32>,
          %add3A_552 = arith.constant 80 : i32
          %add3A_553 = arith.addi %mul3A_353, %add3A_552 : i32
          %get3A_554 = arith.index_cast %add3A_553 : i32 to index
          %get3A_555 = tpu.vector_load %arg14[%get3A_554] {strides = array<i32>} : memref<1024xf32, #tpu.memory_space<vmem>>, vector<16xf32>,
          %add3A_556 = arith.constant 96 : i32
          %add3A_557 = arith.addi %mul3A_353, %add3A_556 : i32
          %get3A_558 = arith.index_cast %add3A_557 : i32 to index
          %get3A_559 = tpu.vector_load %arg14[%get3A_558] {strides = array<i32>} : memref<1024xf32, #tpu.memory_space<vmem>>, vector<16xf32>,
          %add3A_560 = arith.constant 112 : i32
          %add3A_561 = arith.addi %mul3A_353, %add3A_560 : i32
          %get3A_562 = arith.index_cast %add3A_561 : i32 to index
          %get3A_563 = tpu.vector_load %arg14[%get3A_562] {strides = array<i32>} : memref<1024xf32, #tpu.memory_space<vmem>>, vector<16xf32>,
          %add3A_564 = arith.addf %gather3A_540, %gather3A_544 : vector<16xf32>
          %add3A_565 = arith.addf %add3A_564, %get3A_551 : vector<16xf32>
          %add3A_566 = arith.addf %gather3A_541, %gather3A_545 : vector<16xf32>
          %add3A_567 = arith.addf %add3A_566, %get3A_555 : vector<16xf32>
          %add3A_568 = arith.addf %gather3A_542, %gather3A_546 : vector<16xf32>
          %add3A_569 = arith.addf %add3A_568, %get3A_559 : vector<16xf32>
          %add3A_570 = arith.addf %gather3A_543, %gather3A_547 : vector<16xf32>
          %add3A_571 = arith.addf %add3A_570, %get3A_563 : vector<16xf32>
          %lt3A_572 = arith.constant 0.000000e+00 : f32
          %lt3A_573 = vector.broadcast %lt3A_572 : f32 to vector<16xf32>
          %lt3A_574 = arith.cmpf olt, %add3A_565, %lt3A_573 : vector<16xf32>
          %mul3A_575 = arith.constant 2.000000e-01 : f32
          %mul3A_576 = vector.broadcast %mul3A_575 : f32 to vector<16xf32>
          %mul3A_577 = arith.mulf %add3A_565, %mul3A_576 : vector<16xf32>
          %select_n3A_578 = arith.select %lt3A_574, %mul3A_577, %add3A_565 : vector<16xi1>, vector<16xf32>
          %exp3A_579 = math.exp %select_n3A_578 : vector<16xf32>
          %lt3A_580 = arith.constant 0.000000e+00 : f32
          %lt3A_581 = vector.broadcast %lt3A_580 : f32 to vector<16xf32>
          %lt3A_582 = arith.cmpf olt, %add3A_567, %lt3A_581 : vector<16xf32>
          %mul3A_583 = arith.constant 2.000000e-01 : f32
          %mul3A_584 = vector.broadcast %mul3A_583 : f32 to vector<16xf32>
          %mul3A_585 = arith.mulf %add3A_567, %mul3A_584 : vector<16xf32>
          %select_n3A_586 = arith.select %lt3A_582, %mul3A_585, %add3A_567 : vector<16xi1>, vector<16xf32>
          %exp3A_587 = math.exp %select_n3A_586 : vector<16xf32>
          %lt3A_588 = arith.constant 0.000000e+00 : f32
          %lt3A_589 = vector.broadcast %lt3A_588 : f32 to vector<16xf32>
          %lt3A_590 = arith.cmpf olt, %add3A_569, %lt3A_589 : vector<16xf32>
          %mul3A_591 = arith.constant 2.000000e-01 : f32
          %mul3A_592 = vector.broadcast %mul3A_591 : f32 to vector<16xf32>
          %mul3A_593 = arith.mulf %add3A_569, %mul3A_592 : vector<16xf32>
          %select_n3A_594 = arith.select %lt3A_590, %mul3A_593, %add3A_569 : vector<16xi1>, vector<16xf32>
          %exp3A_595 = math.exp %select_n3A_594 : vector<16xf32>
          %lt3A_596 = arith.constant 0.000000e+00 : f32
          %lt3A_597 = vector.broadcast %lt3A_596 : f32 to vector<16xf32>
          %lt3A_598 = arith.cmpf olt, %add3A_571, %lt3A_597 : vector<16xf32>
          %mul3A_599 = arith.constant 2.000000e-01 : f32
          %mul3A_600 = vector.broadcast %mul3A_599 : f32 to vector<16xf32>
          %mul3A_601 = arith.mulf %add3A_571, %mul3A_600 : vector<16xf32>
          %select_n3A_602 = arith.select %lt3A_598, %mul3A_601, %add3A_571 : vector<16xi1>, vector<16xf32>
          %exp3A_603 = math.exp %select_n3A_602 : vector<16xf32>
          %swap3A_604 = arith.constant 64 : index
          %swap3A_605 = tpu.vector_load %arg16[%swap3A_604] {strides = array<i32>} : memref<128xf32, #tpu.memory_space<vmem>>, vector<16xf32>,
          tpu.vector_store %arg16[%swap3A_604], %exp3A_579 {strides = array<i32>} : memref<128xf32, #tpu.memory_space<vmem>>, vector<16xf32>,
          %add3A_606 = vector.broadcast %mul3A_355 : i32 to vector<16xi32>
          %add3A_607 = arith.addi %get3A_503, %add3A_606 : vector<16xi32>
          %swap3A_608 = arith.constant 64 : index
          %swap3A_609 = tpu.vector_load %arg22[%swap3A_608] {strides = array<i32>} : memref<128xi32, #tpu.memory_space<vmem>>, vector<16xi32>,
          tpu.vector_store %arg22[%swap3A_608], %add3A_607 {strides = array<i32>} : memref<128xi32, #tpu.memory_space<vmem>>, vector<16xi32>,
          %add3A_610 = vector.broadcast %mul3A_355 : i32 to vector<16xi32>
          %add3A_611 = arith.addi %get3A_521, %add3A_610 : vector<16xi32>
          %swap3A_612 = arith.constant 64 : index
          %swap3A_613 = tpu.vector_load %arg24[%swap3A_612] {strides = array<i32>} : memref<128xi32, #tpu.memory_space<vmem>>, vector<16xi32>,
          tpu.vector_store %arg24[%swap3A_612], %add3A_611 {strides = array<i32>} : memref<128xi32, #tpu.memory_space<vmem>>, vector<16xi32>,
          %swap3A_614 = arith.constant 80 : index
          %swap3A_615 = tpu.vector_load %arg16[%swap3A_614] {strides = array<i32>} : memref<128xf32, #tpu.memory_space<vmem>>, vector<16xf32>,
          tpu.vector_store %arg16[%swap3A_614], %exp3A_587 {strides = array<i32>} : memref<128xf32, #tpu.memory_space<vmem>>, vector<16xf32>,
          %add3A_616 = vector.broadcast %mul3A_355 : i32 to vector<16xi32>
          %add3A_617 = arith.addi %get3A_507, %add3A_616 : vector<16xi32>
          %swap3A_618 = arith.constant 80 : index
          %swap3A_619 = tpu.vector_load %arg22[%swap3A_618] {strides = array<i32>} : memref<128xi32, #tpu.memory_space<vmem>>, vector<16xi32>,
          tpu.vector_store %arg22[%swap3A_618], %add3A_617 {strides = array<i32>} : memref<128xi32, #tpu.memory_space<vmem>>, vector<16xi32>,
          %add3A_620 = vector.broadcast %mul3A_355 : i32 to vector<16xi32>
          %add3A_621 = arith.addi %get3A_527, %add3A_620 : vector<16xi32>
          %swap3A_622 = arith.constant 80 : index
          %swap3A_623 = tpu.vector_load %arg24[%swap3A_622] {strides = array<i32>} : memref<128xi32, #tpu.memory_space<vmem>>, vector<16xi32>,
          tpu.vector_store %arg24[%swap3A_622], %add3A_621 {strides = array<i32>} : memref<128xi32, #tpu.memory_space<vmem>>, vector<16xi32>,
          %swap3A_624 = arith.constant 96 : index
          %swap3A_625 = tpu.vector_load %arg16[%swap3A_624] {strides = array<i32>} : memref<128xf32, #tpu.memory_space<vmem>>, vector<16xf32>,
          tpu.vector_store %arg16[%swap3A_624], %exp3A_595 {strides = array<i32>} : memref<128xf32, #tpu.memory_space<vmem>>, vector<16xf32>,
          %add3A_626 = vector.broadcast %mul3A_355 : i32 to vector<16xi32>
          %add3A_627 = arith.addi %get3A_511, %add3A_626 : vector<16xi32>
          %swap3A_628 = arith.constant 96 : index
          %swap3A_629 = tpu.vector_load %arg22[%swap3A_628] {strides = array<i32>} : memref<128xi32, #tpu.memory_space<vmem>>, vector<16xi32>,
          tpu.vector_store %arg22[%swap3A_628], %add3A_627 {strides = array<i32>} : memref<128xi32, #tpu.memory_space<vmem>>, vector<16xi32>,
          %add3A_630 = vector.broadcast %mul3A_355 : i32 to vector<16xi32>
          %add3A_631 = arith.addi %get3A_533, %add3A_630 : vector<16xi32>
          %swap3A_632 = arith.constant 96 : index
          %swap3A_633 = tpu.vector_load %arg24[%swap3A_632] {strides = array<i32>} : memref<128xi32, #tpu.memory_space<vmem>>, vector<16xi32>,
          tpu.vector_store %arg24[%swap3A_632], %add3A_631 {strides = array<i32>} : memref<128xi32, #tpu.memory_space<vmem>>, vector<16xi32>,
          %swap3A_634 = arith.constant 112 : index
          %swap3A_635 = tpu.vector_load %arg16[%swap3A_634] {strides = array<i32>} : memref<128xf32, #tpu.memory_space<vmem>>, vector<16xf32>,
          tpu.vector_store %arg16[%swap3A_634], %exp3A_603 {strides = array<i32>} : memref<128xf32, #tpu.memory_space<vmem>>, vector<16xf32>,
          %add3A_636 = vector.broadcast %mul3A_355 : i32 to vector<16xi32>
          %add3A_637 = arith.addi %get3A_515, %add3A_636 : vector<16xi32>
          %swap3A_638 = arith.constant 112 : index
          %swap3A_639 = tpu.vector_load %arg22[%swap3A_638] {strides = array<i32>} : memref<128xi32, #tpu.memory_space<vmem>>, vector<16xi32>,
          tpu.vector_store %arg22[%swap3A_638], %add3A_637 {strides = array<i32>} : memref<128xi32, #tpu.memory_space<vmem>>, vector<16xi32>,
          %add3A_640 = vector.broadcast %mul3A_355 : i32 to vector<16xi32>
          %add3A_641 = arith.addi %get3A_539, %add3A_640 : vector<16xi32>
          %swap3A_642 = arith.constant 112 : index
          %swap3A_643 = tpu.vector_load %arg24[%swap3A_642] {strides = array<i32>} : memref<128xi32, #tpu.memory_space<vmem>>, vector<16xi32>,
          tpu.vector_store %arg24[%swap3A_642], %add3A_641 {strides = array<i32>} : memref<128xi32, #tpu.memory_space<vmem>>, vector<16xi32>,
          %dma_start3A_644 = arith.constant 0 : i32
          %dma_start3A_645 = arith.constant 0 : i32
          %dma_start3A_646 = tpu.memref_slice %arg6[%dma_start3A_644, %dma_start3A_645] : memref<40960x32xf32, #tpu.memory_space<hbm>> -> memref<40960x32xf32, #tpu.memory_space<hbm>>
          tpu.enqueue_indirect_dma source(%dma_start3A_646 : memref<40960x32xf32, #tpu.memory_space<hbm>>) target(%arg18 : memref<128x32xf32, #tpu.memory_space<vmem>>) offsets(%arg22 : memref<128xi32, #tpu.memory_space<vmem>>) semaphore(%arg28 : memref<!tpu.dma_semaphore, #tpu.memory_space<semaphore_mem>>)
          %dma_wait3A_647 = arith.constant 0 : i32
          %dma_wait3A_648 = arith.constant 0 : i32
          %dma_wait3A_649 = tpu.memref_slice %arg6[%dma_wait3A_647, %dma_wait3A_648] : memref<40960x32xf32, #tpu.memory_space<hbm>> -> memref<40960x32xf32, #tpu.memory_space<hbm>>
          tpu.wait_indirect_dma semaphore(%arg27 : memref<!tpu.dma_semaphore, #tpu.memory_space<semaphore_mem>>) src(%dma_wait3A_649 : memref<40960x32xf32, #tpu.memory_space<hbm>>) dst(%arg17 : memref<128x32xf32, #tpu.memory_space<vmem>>)
          %scan3A_650 = arith.constant 0 : i32
          %scan3A_651 = arith.constant 0 : i32
          %scan3A_652 = arith.constant 8 : i32
          %scan3A_653 = arith.addi %scan3A_651, %scan3A_652 : i32
          %scan3A_654 = arith.constant 1 : i32
          scf.for %scan3A_675 = %scan3A_651 to %scan3A_653 step %scan3A_654  : i32 {
            %mul3A_676 = arith.constant 16 : i32
            %mul3A_677 = arith.muli %scan3A_675, %mul3A_676 : i32
            %get3A_678 = arith.index_cast %mul3A_677 : i32 to index
            %get3A_679 = tpu.vector_load %arg15[%get3A_678] {strides = array<i32>} : memref<128xf32, #tpu.memory_space<vmem>>, vector<16xf32>,
            %broadcast_in_dim3A = arith.constant 0 : i32
            %broadcast_in_dim3A_680 = vector.broadcast %broadcast_in_dim3A : i32 to vector<16xi32>
            %lt3A_681 = arith.constant 0 : i32
            %lt3A_682 = vector.broadcast %lt3A_681 : i32 to vector<16xi32>
            %lt3A_683 = arith.cmpi slt, %broadcast_in_dim3A_680, %lt3A_682 : vector<16xi32>
            %add3A_684 = arith.constant 16 : i32
            %add3A_685 = vector.broadcast %add3A_684 : i32 to vector<16xi32>
            %add3A_686 = arith.addi %broadcast_in_dim3A_680, %add3A_685 : vector<16xi32>
            %select_n3A_687 = arith.select %lt3A_683, %add3A_686, %broadcast_in_dim3A_680 : vector<16xi1>, vector<16xi32>
            %reshape3A = vector.shape_cast %select_n3A_687 : vector<16xi32> to vector<16x1xi32>
            %gather3A_688 = vector.shape_cast %reshape3A : vector<16x1xi32> to vector<16xi32>
            %gather3A_689 = tpu.dynamic_gather %get3A_679[%gather3A_688] in [0] : vector<16xf32>, vector<16xi32> -> vector<16xf32>
            %mul3A_690 = arith.constant 16 : i32
            %mul3A_691 = arith.muli %scan3A_675, %mul3A_690 : i32
            %add3A_692 = arith.constant 0 : i32
            %add3A_693 = arith.addi %mul3A_691, %add3A_692 : i32
            %get3A_694 = arith.index_cast %add3A_693 : i32 to index
            %get3A_695 = arith.constant 0 : index
            %get3A_696 = tpu.vector_load %arg17[%get3A_694, %get3A_695] {strides = array<i32>} : memref<128x32xf32, #tpu.memory_space<vmem>>, vector<16xf32>,
            %mul3A_697 = arith.mulf %get3A_696, %gather3A_689 : vector<16xf32>
            %swap3A_698 = arith.index_cast %add3A_693 : i32 to index
            %swap3A_699 = arith.constant 0 : index
            %swap3A_700 = tpu.vector_load %arg19[%swap3A_698, %swap3A_699] {strides = array<i32>} : memref<128x32xf32, #tpu.memory_space<vmem>>, vector<16xf32>,
            tpu.vector_store %arg19[%swap3A_698, %swap3A_699], %mul3A_697 {strides = array<i32>} : memref<128x32xf32, #tpu.memory_space<vmem>>, vector<16xf32>,
            %get3A_701 = arith.index_cast %add3A_693 : i32 to index
            %get3A_702 = arith.constant 16 : index
            %get3A_703 = tpu.vector_load %arg17[%get3A_701, %get3A_702] {strides = array<i32>} : memref<128x32xf32, #tpu.memory_space<vmem>>, vector<16xf32>,
            %mul3A_704 = arith.mulf %get3A_703, %gather3A_689 : vector<16xf32>
            %swap3A_705 = arith.index_cast %add3A_693 : i32 to index
            %swap3A_706 = arith.constant 16 : index
            %swap3A_707 = tpu.vector_load %arg19[%swap3A_705, %swap3A_706] {strides = array<i32>} : memref<128x32xf32, #tpu.memory_space<vmem>>, vector<16xf32>,
            tpu.vector_store %arg19[%swap3A_705, %swap3A_706], %mul3A_704 {strides = array<i32>} : memref<128x32xf32, #tpu.memory_space<vmem>>, vector<16xf32>,
            %broadcast_in_dim3A_708 = arith.constant 1 : i32
            %broadcast_in_dim3A_709 = vector.broadcast %broadcast_in_dim3A_708 : i32 to vector<16xi32>
            %lt3A_710 = arith.constant 0 : i32
            %lt3A_711 = vector.broadcast %lt3A_710 : i32 to vector<16xi32>
            %lt3A_712 = arith.cmpi slt, %broadcast_in_dim3A_709, %lt3A_711 : vector<16xi32>
            %add3A_713 = arith.constant 16 : i32
            %add3A_714 = vector.broadcast %add3A_713 : i32 to vector<16xi32>
            %add3A_715 = arith.addi %broadcast_in_dim3A_709, %add3A_714 : vector<16xi32>
            %select_n3A_716 = arith.select %lt3A_712, %add3A_715, %broadcast_in_dim3A_709 : vector<16xi1>, vector<16xi32>
            %reshape3A_717 = vector.shape_cast %select_n3A_716 : vector<16xi32> to vector<16x1xi32>
            %gather3A_718 = vector.shape_cast %reshape3A_717 : vector<16x1xi32> to vector<16xi32>
            %gather3A_719 = tpu.dynamic_gather %get3A_679[%gather3A_718] in [0] : vector<16xf32>, vector<16xi32> -> vector<16xf32>
            %mul3A_720 = arith.constant 16 : i32
            %mul3A_721 = arith.muli %scan3A_675, %mul3A_720 : i32
            %add3A_722 = arith.constant 1 : i32
            %add3A_723 = arith.addi %mul3A_721, %add3A_722 : i32
            %get3A_724 = arith.index_cast %add3A_723 : i32 to index
            %get3A_725 = arith.constant 0 : index
            %get3A_726 = tpu.vector_load %arg17[%get3A_724, %get3A_725] {strides = array<i32>} : memref<128x32xf32, #tpu.memory_space<vmem>>, vector<16xf32>,
            %mul3A_727 = arith.mulf %get3A_726, %gather3A_719 : vector<16xf32>
            %swap3A_728 = arith.index_cast %add3A_723 : i32 to index
            %swap3A_729 = arith.constant 0 : index
            %swap3A_730 = tpu.vector_load %arg19[%swap3A_728, %swap3A_729] {strides = array<i32>} : memref<128x32xf32, #tpu.memory_space<vmem>>, vector<16xf32>,
            tpu.vector_store %arg19[%swap3A_728, %swap3A_729], %mul3A_727 {strides = array<i32>} : memref<128x32xf32, #tpu.memory_space<vmem>>, vector<16xf32>,
            %get3A_731 = arith.index_cast %add3A_723 : i32 to index
            %get3A_732 = arith.constant 16 : index
            %get3A_733 = tpu.vector_load %arg17[%get3A_731, %get3A_732] {strides = array<i32>} : memref<128x32xf32, #tpu.memory_space<vmem>>, vector<16xf32>,
            %mul3A_734 = arith.mulf %get3A_733, %gather3A_719 : vector<16xf32>
            %swap3A_735 = arith.index_cast %add3A_723 : i32 to index
            %swap3A_736 = arith.constant 16 : index
            %swap3A_737 = tpu.vector_load %arg19[%swap3A_735, %swap3A_736] {strides = array<i32>} : memref<128x32xf32, #tpu.memory_space<vmem>>, vector<16xf32>,
            tpu.vector_store %arg19[%swap3A_735, %swap3A_736], %mul3A_734 {strides = array<i32>} : memref<128x32xf32, #tpu.memory_space<vmem>>, vector<16xf32>,
            %broadcast_in_dim3A_738 = arith.constant 2 : i32
            %broadcast_in_dim3A_739 = vector.broadcast %broadcast_in_dim3A_738 : i32 to vector<16xi32>
            %lt3A_740 = arith.constant 0 : i32
            %lt3A_741 = vector.broadcast %lt3A_740 : i32 to vector<16xi32>
            %lt3A_742 = arith.cmpi slt, %broadcast_in_dim3A_739, %lt3A_741 : vector<16xi32>
            %add3A_743 = arith.constant 16 : i32
            %add3A_744 = vector.broadcast %add3A_743 : i32 to vector<16xi32>
            %add3A_745 = arith.addi %broadcast_in_dim3A_739, %add3A_744 : vector<16xi32>
            %select_n3A_746 = arith.select %lt3A_742, %add3A_745, %broadcast_in_dim3A_739 : vector<16xi1>, vector<16xi32>
            %reshape3A_747 = vector.shape_cast %select_n3A_746 : vector<16xi32> to vector<16x1xi32>
            %gather3A_748 = vector.shape_cast %reshape3A_747 : vector<16x1xi32> to vector<16xi32>
            %gather3A_749 = tpu.dynamic_gather %get3A_679[%gather3A_748] in [0] : vector<16xf32>, vector<16xi32> -> vector<16xf32>
            %mul3A_750 = arith.constant 16 : i32
            %mul3A_751 = arith.muli %scan3A_675, %mul3A_750 : i32
            %add3A_752 = arith.constant 2 : i32
            %add3A_753 = arith.addi %mul3A_751, %add3A_752 : i32
            %get3A_754 = arith.index_cast %add3A_753 : i32 to index
            %get3A_755 = arith.constant 0 : index
            %get3A_756 = tpu.vector_load %arg17[%get3A_754, %get3A_755] {strides = array<i32>} : memref<128x32xf32, #tpu.memory_space<vmem>>, vector<16xf32>,
            %mul3A_757 = arith.mulf %get3A_756, %gather3A_749 : vector<16xf32>
            %swap3A_758 = arith.index_cast %add3A_753 : i32 to index
            %swap3A_759 = arith.constant 0 : index
            %swap3A_760 = tpu.vector_load %arg19[%swap3A_758, %swap3A_759] {strides = array<i32>} : memref<128x32xf32, #tpu.memory_space<vmem>>, vector<16xf32>,
            tpu.vector_store %arg19[%swap3A_758, %swap3A_759], %mul3A_757 {strides = array<i32>} : memref<128x32xf32, #tpu.memory_space<vmem>>, vector<16xf32>,
            %get3A_761 = arith.index_cast %add3A_753 : i32 to index
            %get3A_762 = arith.constant 16 : index
            %get3A_763 = tpu.vector_load %arg17[%get3A_761, %get3A_762] {strides = array<i32>} : memref<128x32xf32, #tpu.memory_space<vmem>>, vector<16xf32>,
            %mul3A_764 = arith.mulf %get3A_763, %gather3A_749 : vector<16xf32>
            %swap3A_765 = arith.index_cast %add3A_753 : i32 to index
            %swap3A_766 = arith.constant 16 : index
            %swap3A_767 = tpu.vector_load %arg19[%swap3A_765, %swap3A_766] {strides = array<i32>} : memref<128x32xf32, #tpu.memory_space<vmem>>, vector<16xf32>,
            tpu.vector_store %arg19[%swap3A_765, %swap3A_766], %mul3A_764 {strides = array<i32>} : memref<128x32xf32, #tpu.memory_space<vmem>>, vector<16xf32>,
            %broadcast_in_dim3A_768 = arith.constant 3 : i32
            %broadcast_in_dim3A_769 = vector.broadcast %broadcast_in_dim3A_768 : i32 to vector<16xi32>
            %lt3A_770 = arith.constant 0 : i32
            %lt3A_771 = vector.broadcast %lt3A_770 : i32 to vector<16xi32>
            %lt3A_772 = arith.cmpi slt, %broadcast_in_dim3A_769, %lt3A_771 : vector<16xi32>
            %add3A_773 = arith.constant 16 : i32
            %add3A_774 = vector.broadcast %add3A_773 : i32 to vector<16xi32>
            %add3A_775 = arith.addi %broadcast_in_dim3A_769, %add3A_774 : vector<16xi32>
            %select_n3A_776 = arith.select %lt3A_772, %add3A_775, %broadcast_in_dim3A_769 : vector<16xi1>, vector<16xi32>
            %reshape3A_777 = vector.shape_cast %select_n3A_776 : vector<16xi32> to vector<16x1xi32>
            %gather3A_778 = vector.shape_cast %reshape3A_777 : vector<16x1xi32> to vector<16xi32>
            %gather3A_779 = tpu.dynamic_gather %get3A_679[%gather3A_778] in [0] : vector<16xf32>, vector<16xi32> -> vector<16xf32>
            %mul3A_780 = arith.constant 16 : i32
            %mul3A_781 = arith.muli %scan3A_675, %mul3A_780 : i32
            %add3A_782 = arith.constant 3 : i32
            %add3A_783 = arith.addi %mul3A_781, %add3A_782 : i32
            %get3A_784 = arith.index_cast %add3A_783 : i32 to index
            %get3A_785 = arith.constant 0 : index
            %get3A_786 = tpu.vector_load %arg17[%get3A_784, %get3A_785] {strides = array<i32>} : memref<128x32xf32, #tpu.memory_space<vmem>>, vector<16xf32>,
            %mul3A_787 = arith.mulf %get3A_786, %gather3A_779 : vector<16xf32>
            %swap3A_788 = arith.index_cast %add3A_783 : i32 to index
            %swap3A_789 = arith.constant 0 : index
            %swap3A_790 = tpu.vector_load %arg19[%swap3A_788, %swap3A_789] {strides = array<i32>} : memref<128x32xf32, #tpu.memory_space<vmem>>, vector<16xf32>,
            tpu.vector_store %arg19[%swap3A_788, %swap3A_789], %mul3A_787 {strides = array<i32>} : memref<128x32xf32, #tpu.memory_space<vmem>>, vector<16xf32>,
            %get3A_791 = arith.index_cast %add3A_783 : i32 to index
            %get3A_792 = arith.constant 16 : index
            %get3A_793 = tpu.vector_load %arg17[%get3A_791, %get3A_792] {strides = array<i32>} : memref<128x32xf32, #tpu.memory_space<vmem>>, vector<16xf32>,
            %mul3A_794 = arith.mulf %get3A_793, %gather3A_779 : vector<16xf32>
            %swap3A_795 = arith.index_cast %add3A_783 : i32 to index
            %swap3A_796 = arith.constant 16 : index
            %swap3A_797 = tpu.vector_load %arg19[%swap3A_795, %swap3A_796] {strides = array<i32>} : memref<128x32xf32, #tpu.memory_space<vmem>>, vector<16xf32>,
            tpu.vector_store %arg19[%swap3A_795, %swap3A_796], %mul3A_794 {strides = array<i32>} : memref<128x32xf32, #tpu.memory_space<vmem>>, vector<16xf32>,
            %broadcast_in_dim3A_798 = arith.constant 4 : i32
            %broadcast_in_dim3A_799 = vector.broadcast %broadcast_in_dim3A_798 : i32 to vector<16xi32>
            %lt3A_800 = arith.constant 0 : i32
            %lt3A_801 = vector.broadcast %lt3A_800 : i32 to vector<16xi32>
            %lt3A_802 = arith.cmpi slt, %broadcast_in_dim3A_799, %lt3A_801 : vector<16xi32>
            %add3A_803 = arith.constant 16 : i32
            %add3A_804 = vector.broadcast %add3A_803 : i32 to vector<16xi32>
            %add3A_805 = arith.addi %broadcast_in_dim3A_799, %add3A_804 : vector<16xi32>
            %select_n3A_806 = arith.select %lt3A_802, %add3A_805, %broadcast_in_dim3A_799 : vector<16xi1>, vector<16xi32>
            %reshape3A_807 = vector.shape_cast %select_n3A_806 : vector<16xi32> to vector<16x1xi32>
            %gather3A_808 = vector.shape_cast %reshape3A_807 : vector<16x1xi32> to vector<16xi32>
            %gather3A_809 = tpu.dynamic_gather %get3A_679[%gather3A_808] in [0] : vector<16xf32>, vector<16xi32> -> vector<16xf32>
            %mul3A_810 = arith.constant 16 : i32
            %mul3A_811 = arith.muli %scan3A_675, %mul3A_810 : i32
            %add3A_812 = arith.constant 4 : i32
            %add3A_813 = arith.addi %mul3A_811, %add3A_812 : i32
            %get3A_814 = arith.index_cast %add3A_813 : i32 to index
            %get3A_815 = arith.constant 0 : index
            %get3A_816 = tpu.vector_load %arg17[%get3A_814, %get3A_815] {strides = array<i32>} : memref<128x32xf32, #tpu.memory_space<vmem>>, vector<16xf32>,
            %mul3A_817 = arith.mulf %get3A_816, %gather3A_809 : vector<16xf32>
            %swap3A_818 = arith.index_cast %add3A_813 : i32 to index
            %swap3A_819 = arith.constant 0 : index
            %swap3A_820 = tpu.vector_load %arg19[%swap3A_818, %swap3A_819] {strides = array<i32>} : memref<128x32xf32, #tpu.memory_space<vmem>>, vector<16xf32>,
            tpu.vector_store %arg19[%swap3A_818, %swap3A_819], %mul3A_817 {strides = array<i32>} : memref<128x32xf32, #tpu.memory_space<vmem>>, vector<16xf32>,
            %get3A_821 = arith.index_cast %add3A_813 : i32 to index
            %get3A_822 = arith.constant 16 : index
            %get3A_823 = tpu.vector_load %arg17[%get3A_821, %get3A_822] {strides = array<i32>} : memref<128x32xf32, #tpu.memory_space<vmem>>, vector<16xf32>,
            %mul3A_824 = arith.mulf %get3A_823, %gather3A_809 : vector<16xf32>
            %swap3A_825 = arith.index_cast %add3A_813 : i32 to index
            %swap3A_826 = arith.constant 16 : index
            %swap3A_827 = tpu.vector_load %arg19[%swap3A_825, %swap3A_826] {strides = array<i32>} : memref<128x32xf32, #tpu.memory_space<vmem>>, vector<16xf32>,
            tpu.vector_store %arg19[%swap3A_825, %swap3A_826], %mul3A_824 {strides = array<i32>} : memref<128x32xf32, #tpu.memory_space<vmem>>, vector<16xf32>,
            %broadcast_in_dim3A_828 = arith.constant 5 : i32
            %broadcast_in_dim3A_829 = vector.broadcast %broadcast_in_dim3A_828 : i32 to vector<16xi32>
            %lt3A_830 = arith.constant 0 : i32
            %lt3A_831 = vector.broadcast %lt3A_830 : i32 to vector<16xi32>
            %lt3A_832 = arith.cmpi slt, %broadcast_in_dim3A_829, %lt3A_831 : vector<16xi32>
            %add3A_833 = arith.constant 16 : i32
            %add3A_834 = vector.broadcast %add3A_833 : i32 to vector<16xi32>
            %add3A_835 = arith.addi %broadcast_in_dim3A_829, %add3A_834 : vector<16xi32>
            %select_n3A_836 = arith.select %lt3A_832, %add3A_835, %broadcast_in_dim3A_829 : vector<16xi1>, vector<16xi32>
            %reshape3A_837 = vector.shape_cast %select_n3A_836 : vector<16xi32> to vector<16x1xi32>
            %gather3A_838 = vector.shape_cast %reshape3A_837 : vector<16x1xi32> to vector<16xi32>
            %gather3A_839 = tpu.dynamic_gather %get3A_679[%gather3A_838] in [0] : vector<16xf32>, vector<16xi32> -> vector<16xf32>
            %mul3A_840 = arith.constant 16 : i32
            %mul3A_841 = arith.muli %scan3A_675, %mul3A_840 : i32
            %add3A_842 = arith.constant 5 : i32
            %add3A_843 = arith.addi %mul3A_841, %add3A_842 : i32
            %get3A_844 = arith.index_cast %add3A_843 : i32 to index
            %get3A_845 = arith.constant 0 : index
            %get3A_846 = tpu.vector_load %arg17[%get3A_844, %get3A_845] {strides = array<i32>} : memref<128x32xf32, #tpu.memory_space<vmem>>, vector<16xf32>,
            %mul3A_847 = arith.mulf %get3A_846, %gather3A_839 : vector<16xf32>
            %swap3A_848 = arith.index_cast %add3A_843 : i32 to index
            %swap3A_849 = arith.constant 0 : index
            %swap3A_850 = tpu.vector_load %arg19[%swap3A_848, %swap3A_849] {strides = array<i32>} : memref<128x32xf32, #tpu.memory_space<vmem>>, vector<16xf32>,
            tpu.vector_store %arg19[%swap3A_848, %swap3A_849], %mul3A_847 {strides = array<i32>} : memref<128x32xf32, #tpu.memory_space<vmem>>, vector<16xf32>,
            %get3A_851 = arith.index_cast %add3A_843 : i32 to index
            %get3A_852 = arith.constant 16 : index
            %get3A_853 = tpu.vector_load %arg17[%get3A_851, %get3A_852] {strides = array<i32>} : memref<128x32xf32, #tpu.memory_space<vmem>>, vector<16xf32>,
            %mul3A_854 = arith.mulf %get3A_853, %gather3A_839 : vector<16xf32>
            %swap3A_855 = arith.index_cast %add3A_843 : i32 to index
            %swap3A_856 = arith.constant 16 : index
            %swap3A_857 = tpu.vector_load %arg19[%swap3A_855, %swap3A_856] {strides = array<i32>} : memref<128x32xf32, #tpu.memory_space<vmem>>, vector<16xf32>,
            tpu.vector_store %arg19[%swap3A_855, %swap3A_856], %mul3A_854 {strides = array<i32>} : memref<128x32xf32, #tpu.memory_space<vmem>>, vector<16xf32>,
            %broadcast_in_dim3A_858 = arith.constant 6 : i32
            %broadcast_in_dim3A_859 = vector.broadcast %broadcast_in_dim3A_858 : i32 to vector<16xi32>
            %lt3A_860 = arith.constant 0 : i32
            %lt3A_861 = vector.broadcast %lt3A_860 : i32 to vector<16xi32>
            %lt3A_862 = arith.cmpi slt, %broadcast_in_dim3A_859, %lt3A_861 : vector<16xi32>
            %add3A_863 = arith.constant 16 : i32
            %add3A_864 = vector.broadcast %add3A_863 : i32 to vector<16xi32>
            %add3A_865 = arith.addi %broadcast_in_dim3A_859, %add3A_864 : vector<16xi32>
            %select_n3A_866 = arith.select %lt3A_862, %add3A_865, %broadcast_in_dim3A_859 : vector<16xi1>, vector<16xi32>
            %reshape3A_867 = vector.shape_cast %select_n3A_866 : vector<16xi32> to vector<16x1xi32>
            %gather3A_868 = vector.shape_cast %reshape3A_867 : vector<16x1xi32> to vector<16xi32>
            %gather3A_869 = tpu.dynamic_gather %get3A_679[%gather3A_868] in [0] : vector<16xf32>, vector<16xi32> -> vector<16xf32>
            %mul3A_870 = arith.constant 16 : i32
            %mul3A_871 = arith.muli %scan3A_675, %mul3A_870 : i32
            %add3A_872 = arith.constant 6 : i32
            %add3A_873 = arith.addi %mul3A_871, %add3A_872 : i32
            %get3A_874 = arith.index_cast %add3A_873 : i32 to index
            %get3A_875 = arith.constant 0 : index
            %get3A_876 = tpu.vector_load %arg17[%get3A_874, %get3A_875] {strides = array<i32>} : memref<128x32xf32, #tpu.memory_space<vmem>>, vector<16xf32>,
            %mul3A_877 = arith.mulf %get3A_876, %gather3A_869 : vector<16xf32>
            %swap3A_878 = arith.index_cast %add3A_873 : i32 to index
            %swap3A_879 = arith.constant 0 : index
            %swap3A_880 = tpu.vector_load %arg19[%swap3A_878, %swap3A_879] {strides = array<i32>} : memref<128x32xf32, #tpu.memory_space<vmem>>, vector<16xf32>,
            tpu.vector_store %arg19[%swap3A_878, %swap3A_879], %mul3A_877 {strides = array<i32>} : memref<128x32xf32, #tpu.memory_space<vmem>>, vector<16xf32>,
            %get3A_881 = arith.index_cast %add3A_873 : i32 to index
            %get3A_882 = arith.constant 16 : index
            %get3A_883 = tpu.vector_load %arg17[%get3A_881, %get3A_882] {strides = array<i32>} : memref<128x32xf32, #tpu.memory_space<vmem>>, vector<16xf32>,
            %mul3A_884 = arith.mulf %get3A_883, %gather3A_869 : vector<16xf32>
            %swap3A_885 = arith.index_cast %add3A_873 : i32 to index
            %swap3A_886 = arith.constant 16 : index
            %swap3A_887 = tpu.vector_load %arg19[%swap3A_885, %swap3A_886] {strides = array<i32>} : memref<128x32xf32, #tpu.memory_space<vmem>>, vector<16xf32>,
            tpu.vector_store %arg19[%swap3A_885, %swap3A_886], %mul3A_884 {strides = array<i32>} : memref<128x32xf32, #tpu.memory_space<vmem>>, vector<16xf32>,
            %broadcast_in_dim3A_888 = arith.constant 7 : i32
            %broadcast_in_dim3A_889 = vector.broadcast %broadcast_in_dim3A_888 : i32 to vector<16xi32>
            %lt3A_890 = arith.constant 0 : i32
            %lt3A_891 = vector.broadcast %lt3A_890 : i32 to vector<16xi32>
            %lt3A_892 = arith.cmpi slt, %broadcast_in_dim3A_889, %lt3A_891 : vector<16xi32>
            %add3A_893 = arith.constant 16 : i32
            %add3A_894 = vector.broadcast %add3A_893 : i32 to vector<16xi32>
            %add3A_895 = arith.addi %broadcast_in_dim3A_889, %add3A_894 : vector<16xi32>
            %select_n3A_896 = arith.select %lt3A_892, %add3A_895, %broadcast_in_dim3A_889 : vector<16xi1>, vector<16xi32>
            %reshape3A_897 = vector.shape_cast %select_n3A_896 : vector<16xi32> to vector<16x1xi32>
            %gather3A_898 = vector.shape_cast %reshape3A_897 : vector<16x1xi32> to vector<16xi32>
            %gather3A_899 = tpu.dynamic_gather %get3A_679[%gather3A_898] in [0] : vector<16xf32>, vector<16xi32> -> vector<16xf32>
            %mul3A_900 = arith.constant 16 : i32
            %mul3A_901 = arith.muli %scan3A_675, %mul3A_900 : i32
            %add3A_902 = arith.constant 7 : i32
            %add3A_903 = arith.addi %mul3A_901, %add3A_902 : i32
            %get3A_904 = arith.index_cast %add3A_903 : i32 to index
            %get3A_905 = arith.constant 0 : index
            %get3A_906 = tpu.vector_load %arg17[%get3A_904, %get3A_905] {strides = array<i32>} : memref<128x32xf32, #tpu.memory_space<vmem>>, vector<16xf32>,
            %mul3A_907 = arith.mulf %get3A_906, %gather3A_899 : vector<16xf32>
            %swap3A_908 = arith.index_cast %add3A_903 : i32 to index
            %swap3A_909 = arith.constant 0 : index
            %swap3A_910 = tpu.vector_load %arg19[%swap3A_908, %swap3A_909] {strides = array<i32>} : memref<128x32xf32, #tpu.memory_space<vmem>>, vector<16xf32>,
            tpu.vector_store %arg19[%swap3A_908, %swap3A_909], %mul3A_907 {strides = array<i32>} : memref<128x32xf32, #tpu.memory_space<vmem>>, vector<16xf32>,
            %get3A_911 = arith.index_cast %add3A_903 : i32 to index
            %get3A_912 = arith.constant 16 : index
            %get3A_913 = tpu.vector_load %arg17[%get3A_911, %get3A_912] {strides = array<i32>} : memref<128x32xf32, #tpu.memory_space<vmem>>, vector<16xf32>,
            %mul3A_914 = arith.mulf %get3A_913, %gather3A_899 : vector<16xf32>
            %swap3A_915 = arith.index_cast %add3A_903 : i32 to index
            %swap3A_916 = arith.constant 16 : index
            %swap3A_917 = tpu.vector_load %arg19[%swap3A_915, %swap3A_916] {strides = array<i32>} : memref<128x32xf32, #tpu.memory_space<vmem>>, vector<16xf32>,
            tpu.vector_store %arg19[%swap3A_915, %swap3A_916], %mul3A_914 {strides = array<i32>} : memref<128x32xf32, #tpu.memory_space<vmem>>, vector<16xf32>,
            %broadcast_in_dim3A_918 = arith.constant 8 : i32
            %broadcast_in_dim3A_919 = vector.broadcast %broadcast_in_dim3A_918 : i32 to vector<16xi32>
            %lt3A_920 = arith.constant 0 : i32
            %lt3A_921 = vector.broadcast %lt3A_920 : i32 to vector<16xi32>
            %lt3A_922 = arith.cmpi slt, %broadcast_in_dim3A_919, %lt3A_921 : vector<16xi32>
            %add3A_923 = arith.constant 16 : i32
            %add3A_924 = vector.broadcast %add3A_923 : i32 to vector<16xi32>
            %add3A_925 = arith.addi %broadcast_in_dim3A_919, %add3A_924 : vector<16xi32>
            %select_n3A_926 = arith.select %lt3A_922, %add3A_925, %broadcast_in_dim3A_919 : vector<16xi1>, vector<16xi32>
            %reshape3A_927 = vector.shape_cast %select_n3A_926 : vector<16xi32> to vector<16x1xi32>
            %gather3A_928 = vector.shape_cast %reshape3A_927 : vector<16x1xi32> to vector<16xi32>
            %gather3A_929 = tpu.dynamic_gather %get3A_679[%gather3A_928] in [0] : vector<16xf32>, vector<16xi32> -> vector<16xf32>
            %mul3A_930 = arith.constant 16 : i32
            %mul3A_931 = arith.muli %scan3A_675, %mul3A_930 : i32
            %add3A_932 = arith.constant 8 : i32
            %add3A_933 = arith.addi %mul3A_931, %add3A_932 : i32
            %get3A_934 = arith.index_cast %add3A_933 : i32 to index
            %get3A_935 = arith.constant 0 : index
            %get3A_936 = tpu.vector_load %arg17[%get3A_934, %get3A_935] {strides = array<i32>} : memref<128x32xf32, #tpu.memory_space<vmem>>, vector<16xf32>,
            %mul3A_937 = arith.mulf %get3A_936, %gather3A_929 : vector<16xf32>
            %swap3A_938 = arith.index_cast %add3A_933 : i32 to index
            %swap3A_939 = arith.constant 0 : index
            %swap3A_940 = tpu.vector_load %arg19[%swap3A_938, %swap3A_939] {strides = array<i32>} : memref<128x32xf32, #tpu.memory_space<vmem>>, vector<16xf32>,
            tpu.vector_store %arg19[%swap3A_938, %swap3A_939], %mul3A_937 {strides = array<i32>} : memref<128x32xf32, #tpu.memory_space<vmem>>, vector<16xf32>,
            %get3A_941 = arith.index_cast %add3A_933 : i32 to index
            %get3A_942 = arith.constant 16 : index
            %get3A_943 = tpu.vector_load %arg17[%get3A_941, %get3A_942] {strides = array<i32>} : memref<128x32xf32, #tpu.memory_space<vmem>>, vector<16xf32>,
            %mul3A_944 = arith.mulf %get3A_943, %gather3A_929 : vector<16xf32>
            %swap3A_945 = arith.index_cast %add3A_933 : i32 to index
            %swap3A_946 = arith.constant 16 : index
            %swap3A_947 = tpu.vector_load %arg19[%swap3A_945, %swap3A_946] {strides = array<i32>} : memref<128x32xf32, #tpu.memory_space<vmem>>, vector<16xf32>,
            tpu.vector_store %arg19[%swap3A_945, %swap3A_946], %mul3A_944 {strides = array<i32>} : memref<128x32xf32, #tpu.memory_space<vmem>>, vector<16xf32>,
            %broadcast_in_dim3A_948 = arith.constant 9 : i32
            %broadcast_in_dim3A_949 = vector.broadcast %broadcast_in_dim3A_948 : i32 to vector<16xi32>
            %lt3A_950 = arith.constant 0 : i32
            %lt3A_951 = vector.broadcast %lt3A_950 : i32 to vector<16xi32>
            %lt3A_952 = arith.cmpi slt, %broadcast_in_dim3A_949, %lt3A_951 : vector<16xi32>
            %add3A_953 = arith.constant 16 : i32
            %add3A_954 = vector.broadcast %add3A_953 : i32 to vector<16xi32>
            %add3A_955 = arith.addi %broadcast_in_dim3A_949, %add3A_954 : vector<16xi32>
            %select_n3A_956 = arith.select %lt3A_952, %add3A_955, %broadcast_in_dim3A_949 : vector<16xi1>, vector<16xi32>
            %reshape3A_957 = vector.shape_cast %select_n3A_956 : vector<16xi32> to vector<16x1xi32>
            %gather3A_958 = vector.shape_cast %reshape3A_957 : vector<16x1xi32> to vector<16xi32>
            %gather3A_959 = tpu.dynamic_gather %get3A_679[%gather3A_958] in [0] : vector<16xf32>, vector<16xi32> -> vector<16xf32>
            %mul3A_960 = arith.constant 16 : i32
            %mul3A_961 = arith.muli %scan3A_675, %mul3A_960 : i32
            %add3A_962 = arith.constant 9 : i32
            %add3A_963 = arith.addi %mul3A_961, %add3A_962 : i32
            %get3A_964 = arith.index_cast %add3A_963 : i32 to index
            %get3A_965 = arith.constant 0 : index
            %get3A_966 = tpu.vector_load %arg17[%get3A_964, %get3A_965] {strides = array<i32>} : memref<128x32xf32, #tpu.memory_space<vmem>>, vector<16xf32>,
            %mul3A_967 = arith.mulf %get3A_966, %gather3A_959 : vector<16xf32>
            %swap3A_968 = arith.index_cast %add3A_963 : i32 to index
            %swap3A_969 = arith.constant 0 : index
            %swap3A_970 = tpu.vector_load %arg19[%swap3A_968, %swap3A_969] {strides = array<i32>} : memref<128x32xf32, #tpu.memory_space<vmem>>, vector<16xf32>,
            tpu.vector_store %arg19[%swap3A_968, %swap3A_969], %mul3A_967 {strides = array<i32>} : memref<128x32xf32, #tpu.memory_space<vmem>>, vector<16xf32>,
            %get3A_971 = arith.index_cast %add3A_963 : i32 to index
            %get3A_972 = arith.constant 16 : index
            %get3A_973 = tpu.vector_load %arg17[%get3A_971, %get3A_972] {strides = array<i32>} : memref<128x32xf32, #tpu.memory_space<vmem>>, vector<16xf32>,
            %mul3A_974 = arith.mulf %get3A_973, %gather3A_959 : vector<16xf32>
            %swap3A_975 = arith.index_cast %add3A_963 : i32 to index
            %swap3A_976 = arith.constant 16 : index
            %swap3A_977 = tpu.vector_load %arg19[%swap3A_975, %swap3A_976] {strides = array<i32>} : memref<128x32xf32, #tpu.memory_space<vmem>>, vector<16xf32>,
            tpu.vector_store %arg19[%swap3A_975, %swap3A_976], %mul3A_974 {strides = array<i32>} : memref<128x32xf32, #tpu.memory_space<vmem>>, vector<16xf32>,
            %broadcast_in_dim3A_978 = arith.constant 10 : i32
            %broadcast_in_dim3A_979 = vector.broadcast %broadcast_in_dim3A_978 : i32 to vector<16xi32>
            %lt3A_980 = arith.constant 0 : i32
            %lt3A_981 = vector.broadcast %lt3A_980 : i32 to vector<16xi32>
            %lt3A_982 = arith.cmpi slt, %broadcast_in_dim3A_979, %lt3A_981 : vector<16xi32>
            %add3A_983 = arith.constant 16 : i32
            %add3A_984 = vector.broadcast %add3A_983 : i32 to vector<16xi32>
            %add3A_985 = arith.addi %broadcast_in_dim3A_979, %add3A_984 : vector<16xi32>
            %select_n3A_986 = arith.select %lt3A_982, %add3A_985, %broadcast_in_dim3A_979 : vector<16xi1>, vector<16xi32>
            %reshape3A_987 = vector.shape_cast %select_n3A_986 : vector<16xi32> to vector<16x1xi32>
            %gather3A_988 = vector.shape_cast %reshape3A_987 : vector<16x1xi32> to vector<16xi32>
            %gather3A_989 = tpu.dynamic_gather %get3A_679[%gather3A_988] in [0] : vector<16xf32>, vector<16xi32> -> vector<16xf32>
            %mul3A_990 = arith.constant 16 : i32
            %mul3A_991 = arith.muli %scan3A_675, %mul3A_990 : i32
            %add3A_992 = arith.constant 10 : i32
            %add3A_993 = arith.addi %mul3A_991, %add3A_992 : i32
            %get3A_994 = arith.index_cast %add3A_993 : i32 to index
            %get3A_995 = arith.constant 0 : index
            %get3A_996 = tpu.vector_load %arg17[%get3A_994, %get3A_995] {strides = array<i32>} : memref<128x32xf32, #tpu.memory_space<vmem>>, vector<16xf32>,
            %mul3A_997 = arith.mulf %get3A_996, %gather3A_989 : vector<16xf32>
            %swap3A_998 = arith.index_cast %add3A_993 : i32 to index
            %swap3A_999 = arith.constant 0 : index
            %swap3A_1000 = tpu.vector_load %arg19[%swap3A_998, %swap3A_999] {strides = array<i32>} : memref<128x32xf32, #tpu.memory_space<vmem>>, vector<16xf32>,
            tpu.vector_store %arg19[%swap3A_998, %swap3A_999], %mul3A_997 {strides = array<i32>} : memref<128x32xf32, #tpu.memory_space<vmem>>, vector<16xf32>,
            %get3A_1001 = arith.index_cast %add3A_993 : i32 to index
            %get3A_1002 = arith.constant 16 : index
            %get3A_1003 = tpu.vector_load %arg17[%get3A_1001, %get3A_1002] {strides = array<i32>} : memref<128x32xf32, #tpu.memory_space<vmem>>, vector<16xf32>,
            %mul3A_1004 = arith.mulf %get3A_1003, %gather3A_989 : vector<16xf32>
            %swap3A_1005 = arith.index_cast %add3A_993 : i32 to index
            %swap3A_1006 = arith.constant 16 : index
            %swap3A_1007 = tpu.vector_load %arg19[%swap3A_1005, %swap3A_1006] {strides = array<i32>} : memref<128x32xf32, #tpu.memory_space<vmem>>, vector<16xf32>,
            tpu.vector_store %arg19[%swap3A_1005, %swap3A_1006], %mul3A_1004 {strides = array<i32>} : memref<128x32xf32, #tpu.memory_space<vmem>>, vector<16xf32>,
            %broadcast_in_dim3A_1008 = arith.constant 11 : i32
            %broadcast_in_dim3A_1009 = vector.broadcast %broadcast_in_dim3A_1008 : i32 to vector<16xi32>
            %lt3A_1010 = arith.constant 0 : i32
            %lt3A_1011 = vector.broadcast %lt3A_1010 : i32 to vector<16xi32>
            %lt3A_1012 = arith.cmpi slt, %broadcast_in_dim3A_1009, %lt3A_1011 : vector<16xi32>
            %add3A_1013 = arith.constant 16 : i32
            %add3A_1014 = vector.broadcast %add3A_1013 : i32 to vector<16xi32>
            %add3A_1015 = arith.addi %broadcast_in_dim3A_1009, %add3A_1014 : vector<16xi32>
            %select_n3A_1016 = arith.select %lt3A_1012, %add3A_1015, %broadcast_in_dim3A_1009 : vector<16xi1>, vector<16xi32>
            %reshape3A_1017 = vector.shape_cast %select_n3A_1016 : vector<16xi32> to vector<16x1xi32>
            %gather3A_1018 = vector.shape_cast %reshape3A_1017 : vector<16x1xi32> to vector<16xi32>
            %gather3A_1019 = tpu.dynamic_gather %get3A_679[%gather3A_1018] in [0] : vector<16xf32>, vector<16xi32> -> vector<16xf32>
            %mul3A_1020 = arith.constant 16 : i32
            %mul3A_1021 = arith.muli %scan3A_675, %mul3A_1020 : i32
            %add3A_1022 = arith.constant 11 : i32
            %add3A_1023 = arith.addi %mul3A_1021, %add3A_1022 : i32
            %get3A_1024 = arith.index_cast %add3A_1023 : i32 to index
            %get3A_1025 = arith.constant 0 : index
            %get3A_1026 = tpu.vector_load %arg17[%get3A_1024, %get3A_1025] {strides = array<i32>} : memref<128x32xf32, #tpu.memory_space<vmem>>, vector<16xf32>,
            %mul3A_1027 = arith.mulf %get3A_1026, %gather3A_1019 : vector<16xf32>
            %swap3A_1028 = arith.index_cast %add3A_1023 : i32 to index
            %swap3A_1029 = arith.constant 0 : index
            %swap3A_1030 = tpu.vector_load %arg19[%swap3A_1028, %swap3A_1029] {strides = array<i32>} : memref<128x32xf32, #tpu.memory_space<vmem>>, vector<16xf32>,
            tpu.vector_store %arg19[%swap3A_1028, %swap3A_1029], %mul3A_1027 {strides = array<i32>} : memref<128x32xf32, #tpu.memory_space<vmem>>, vector<16xf32>,
            %get3A_1031 = arith.index_cast %add3A_1023 : i32 to index
            %get3A_1032 = arith.constant 16 : index
            %get3A_1033 = tpu.vector_load %arg17[%get3A_1031, %get3A_1032] {strides = array<i32>} : memref<128x32xf32, #tpu.memory_space<vmem>>, vector<16xf32>,
            %mul3A_1034 = arith.mulf %get3A_1033, %gather3A_1019 : vector<16xf32>
            %swap3A_1035 = arith.index_cast %add3A_1023 : i32 to index
            %swap3A_1036 = arith.constant 16 : index
            %swap3A_1037 = tpu.vector_load %arg19[%swap3A_1035, %swap3A_1036] {strides = array<i32>} : memref<128x32xf32, #tpu.memory_space<vmem>>, vector<16xf32>,
            tpu.vector_store %arg19[%swap3A_1035, %swap3A_1036], %mul3A_1034 {strides = array<i32>} : memref<128x32xf32, #tpu.memory_space<vmem>>, vector<16xf32>,
            %broadcast_in_dim3A_1038 = arith.constant 12 : i32
            %broadcast_in_dim3A_1039 = vector.broadcast %broadcast_in_dim3A_1038 : i32 to vector<16xi32>
            %lt3A_1040 = arith.constant 0 : i32
            %lt3A_1041 = vector.broadcast %lt3A_1040 : i32 to vector<16xi32>
            %lt3A_1042 = arith.cmpi slt, %broadcast_in_dim3A_1039, %lt3A_1041 : vector<16xi32>
            %add3A_1043 = arith.constant 16 : i32
            %add3A_1044 = vector.broadcast %add3A_1043 : i32 to vector<16xi32>
            %add3A_1045 = arith.addi %broadcast_in_dim3A_1039, %add3A_1044 : vector<16xi32>
            %select_n3A_1046 = arith.select %lt3A_1042, %add3A_1045, %broadcast_in_dim3A_1039 : vector<16xi1>, vector<16xi32>
            %reshape3A_1047 = vector.shape_cast %select_n3A_1046 : vector<16xi32> to vector<16x1xi32>
            %gather3A_1048 = vector.shape_cast %reshape3A_1047 : vector<16x1xi32> to vector<16xi32>
            %gather3A_1049 = tpu.dynamic_gather %get3A_679[%gather3A_1048] in [0] : vector<16xf32>, vector<16xi32> -> vector<16xf32>
            %mul3A_1050 = arith.constant 16 : i32
            %mul3A_1051 = arith.muli %scan3A_675, %mul3A_1050 : i32
            %add3A_1052 = arith.constant 12 : i32
            %add3A_1053 = arith.addi %mul3A_1051, %add3A_1052 : i32
            %get3A_1054 = arith.index_cast %add3A_1053 : i32 to index
            %get3A_1055 = arith.constant 0 : index
            %get3A_1056 = tpu.vector_load %arg17[%get3A_1054, %get3A_1055] {strides = array<i32>} : memref<128x32xf32, #tpu.memory_space<vmem>>, vector<16xf32>,
            %mul3A_1057 = arith.mulf %get3A_1056, %gather3A_1049 : vector<16xf32>
            %swap3A_1058 = arith.index_cast %add3A_1053 : i32 to index
            %swap3A_1059 = arith.constant 0 : index
            %swap3A_1060 = tpu.vector_load %arg19[%swap3A_1058, %swap3A_1059] {strides = array<i32>} : memref<128x32xf32, #tpu.memory_space<vmem>>, vector<16xf32>,
            tpu.vector_store %arg19[%swap3A_1058, %swap3A_1059], %mul3A_1057 {strides = array<i32>} : memref<128x32xf32, #tpu.memory_space<vmem>>, vector<16xf32>,
            %get3A_1061 = arith.index_cast %add3A_1053 : i32 to index
            %get3A_1062 = arith.constant 16 : index
            %get3A_1063 = tpu.vector_load %arg17[%get3A_1061, %get3A_1062] {strides = array<i32>} : memref<128x32xf32, #tpu.memory_space<vmem>>, vector<16xf32>,
            %mul3A_1064 = arith.mulf %get3A_1063, %gather3A_1049 : vector<16xf32>
            %swap3A_1065 = arith.index_cast %add3A_1053 : i32 to index
            %swap3A_1066 = arith.constant 16 : index
            %swap3A_1067 = tpu.vector_load %arg19[%swap3A_1065, %swap3A_1066] {strides = array<i32>} : memref<128x32xf32, #tpu.memory_space<vmem>>, vector<16xf32>,
            tpu.vector_store %arg19[%swap3A_1065, %swap3A_1066], %mul3A_1064 {strides = array<i32>} : memref<128x32xf32, #tpu.memory_space<vmem>>, vector<16xf32>,
            %broadcast_in_dim3A_1068 = arith.constant 13 : i32
            %broadcast_in_dim3A_1069 = vector.broadcast %broadcast_in_dim3A_1068 : i32 to vector<16xi32>
            %lt3A_1070 = arith.constant 0 : i32
            %lt3A_1071 = vector.broadcast %lt3A_1070 : i32 to vector<16xi32>
            %lt3A_1072 = arith.cmpi slt, %broadcast_in_dim3A_1069, %lt3A_1071 : vector<16xi32>
            %add3A_1073 = arith.constant 16 : i32
            %add3A_1074 = vector.broadcast %add3A_1073 : i32 to vector<16xi32>
            %add3A_1075 = arith.addi %broadcast_in_dim3A_1069, %add3A_1074 : vector<16xi32>
            %select_n3A_1076 = arith.select %lt3A_1072, %add3A_1075, %broadcast_in_dim3A_1069 : vector<16xi1>, vector<16xi32>
            %reshape3A_1077 = vector.shape_cast %select_n3A_1076 : vector<16xi32> to vector<16x1xi32>
            %gather3A_1078 = vector.shape_cast %reshape3A_1077 : vector<16x1xi32> to vector<16xi32>
            %gather3A_1079 = tpu.dynamic_gather %get3A_679[%gather3A_1078] in [0] : vector<16xf32>, vector<16xi32> -> vector<16xf32>
            %mul3A_1080 = arith.constant 16 : i32
            %mul3A_1081 = arith.muli %scan3A_675, %mul3A_1080 : i32
            %add3A_1082 = arith.constant 13 : i32
            %add3A_1083 = arith.addi %mul3A_1081, %add3A_1082 : i32
            %get3A_1084 = arith.index_cast %add3A_1083 : i32 to index
            %get3A_1085 = arith.constant 0 : index
            %get3A_1086 = tpu.vector_load %arg17[%get3A_1084, %get3A_1085] {strides = array<i32>} : memref<128x32xf32, #tpu.memory_space<vmem>>, vector<16xf32>,
            %mul3A_1087 = arith.mulf %get3A_1086, %gather3A_1079 : vector<16xf32>
            %swap3A_1088 = arith.index_cast %add3A_1083 : i32 to index
            %swap3A_1089 = arith.constant 0 : index
            %swap3A_1090 = tpu.vector_load %arg19[%swap3A_1088, %swap3A_1089] {strides = array<i32>} : memref<128x32xf32, #tpu.memory_space<vmem>>, vector<16xf32>,
            tpu.vector_store %arg19[%swap3A_1088, %swap3A_1089], %mul3A_1087 {strides = array<i32>} : memref<128x32xf32, #tpu.memory_space<vmem>>, vector<16xf32>,
            %get3A_1091 = arith.index_cast %add3A_1083 : i32 to index
            %get3A_1092 = arith.constant 16 : index
            %get3A_1093 = tpu.vector_load %arg17[%get3A_1091, %get3A_1092] {strides = array<i32>} : memref<128x32xf32, #tpu.memory_space<vmem>>, vector<16xf32>,
            %mul3A_1094 = arith.mulf %get3A_1093, %gather3A_1079 : vector<16xf32>
            %swap3A_1095 = arith.index_cast %add3A_1083 : i32 to index
            %swap3A_1096 = arith.constant 16 : index
            %swap3A_1097 = tpu.vector_load %arg19[%swap3A_1095, %swap3A_1096] {strides = array<i32>} : memref<128x32xf32, #tpu.memory_space<vmem>>, vector<16xf32>,
            tpu.vector_store %arg19[%swap3A_1095, %swap3A_1096], %mul3A_1094 {strides = array<i32>} : memref<128x32xf32, #tpu.memory_space<vmem>>, vector<16xf32>,
            %broadcast_in_dim3A_1098 = arith.constant 14 : i32
            %broadcast_in_dim3A_1099 = vector.broadcast %broadcast_in_dim3A_1098 : i32 to vector<16xi32>
            %lt3A_1100 = arith.constant 0 : i32
            %lt3A_1101 = vector.broadcast %lt3A_1100 : i32 to vector<16xi32>
            %lt3A_1102 = arith.cmpi slt, %broadcast_in_dim3A_1099, %lt3A_1101 : vector<16xi32>
            %add3A_1103 = arith.constant 16 : i32
            %add3A_1104 = vector.broadcast %add3A_1103 : i32 to vector<16xi32>
            %add3A_1105 = arith.addi %broadcast_in_dim3A_1099, %add3A_1104 : vector<16xi32>
            %select_n3A_1106 = arith.select %lt3A_1102, %add3A_1105, %broadcast_in_dim3A_1099 : vector<16xi1>, vector<16xi32>
            %reshape3A_1107 = vector.shape_cast %select_n3A_1106 : vector<16xi32> to vector<16x1xi32>
            %gather3A_1108 = vector.shape_cast %reshape3A_1107 : vector<16x1xi32> to vector<16xi32>
            %gather3A_1109 = tpu.dynamic_gather %get3A_679[%gather3A_1108] in [0] : vector<16xf32>, vector<16xi32> -> vector<16xf32>
            %mul3A_1110 = arith.constant 16 : i32
            %mul3A_1111 = arith.muli %scan3A_675, %mul3A_1110 : i32
            %add3A_1112 = arith.constant 14 : i32
            %add3A_1113 = arith.addi %mul3A_1111, %add3A_1112 : i32
            %get3A_1114 = arith.index_cast %add3A_1113 : i32 to index
            %get3A_1115 = arith.constant 0 : index
            %get3A_1116 = tpu.vector_load %arg17[%get3A_1114, %get3A_1115] {strides = array<i32>} : memref<128x32xf32, #tpu.memory_space<vmem>>, vector<16xf32>,
            %mul3A_1117 = arith.mulf %get3A_1116, %gather3A_1109 : vector<16xf32>
            %swap3A_1118 = arith.index_cast %add3A_1113 : i32 to index
            %swap3A_1119 = arith.constant 0 : index
            %swap3A_1120 = tpu.vector_load %arg19[%swap3A_1118, %swap3A_1119] {strides = array<i32>} : memref<128x32xf32, #tpu.memory_space<vmem>>, vector<16xf32>,
            tpu.vector_store %arg19[%swap3A_1118, %swap3A_1119], %mul3A_1117 {strides = array<i32>} : memref<128x32xf32, #tpu.memory_space<vmem>>, vector<16xf32>,
            %get3A_1121 = arith.index_cast %add3A_1113 : i32 to index
            %get3A_1122 = arith.constant 16 : index
            %get3A_1123 = tpu.vector_load %arg17[%get3A_1121, %get3A_1122] {strides = array<i32>} : memref<128x32xf32, #tpu.memory_space<vmem>>, vector<16xf32>,
            %mul3A_1124 = arith.mulf %get3A_1123, %gather3A_1109 : vector<16xf32>
            %swap3A_1125 = arith.index_cast %add3A_1113 : i32 to index
            %swap3A_1126 = arith.constant 16 : index
            %swap3A_1127 = tpu.vector_load %arg19[%swap3A_1125, %swap3A_1126] {strides = array<i32>} : memref<128x32xf32, #tpu.memory_space<vmem>>, vector<16xf32>,
            tpu.vector_store %arg19[%swap3A_1125, %swap3A_1126], %mul3A_1124 {strides = array<i32>} : memref<128x32xf32, #tpu.memory_space<vmem>>, vector<16xf32>,
            %broadcast_in_dim3A_1128 = arith.constant 15 : i32
            %broadcast_in_dim3A_1129 = vector.broadcast %broadcast_in_dim3A_1128 : i32 to vector<16xi32>
            %lt3A_1130 = arith.constant 0 : i32
            %lt3A_1131 = vector.broadcast %lt3A_1130 : i32 to vector<16xi32>
            %lt3A_1132 = arith.cmpi slt, %broadcast_in_dim3A_1129, %lt3A_1131 : vector<16xi32>
            %add3A_1133 = arith.constant 16 : i32
            %add3A_1134 = vector.broadcast %add3A_1133 : i32 to vector<16xi32>
            %add3A_1135 = arith.addi %broadcast_in_dim3A_1129, %add3A_1134 : vector<16xi32>
            %select_n3A_1136 = arith.select %lt3A_1132, %add3A_1135, %broadcast_in_dim3A_1129 : vector<16xi1>, vector<16xi32>
            %reshape3A_1137 = vector.shape_cast %select_n3A_1136 : vector<16xi32> to vector<16x1xi32>
            %gather3A_1138 = vector.shape_cast %reshape3A_1137 : vector<16x1xi32> to vector<16xi32>
            %gather3A_1139 = tpu.dynamic_gather %get3A_679[%gather3A_1138] in [0] : vector<16xf32>, vector<16xi32> -> vector<16xf32>
            %mul3A_1140 = arith.constant 16 : i32
            %mul3A_1141 = arith.muli %scan3A_675, %mul3A_1140 : i32
            %add3A_1142 = arith.constant 15 : i32
            %add3A_1143 = arith.addi %mul3A_1141, %add3A_1142 : i32
            %get3A_1144 = arith.index_cast %add3A_1143 : i32 to index
            %get3A_1145 = arith.constant 0 : index
            %get3A_1146 = tpu.vector_load %arg17[%get3A_1144, %get3A_1145] {strides = array<i32>} : memref<128x32xf32, #tpu.memory_space<vmem>>, vector<16xf32>,
            %mul3A_1147 = arith.mulf %get3A_1146, %gather3A_1139 : vector<16xf32>
            %swap3A_1148 = arith.index_cast %add3A_1143 : i32 to index
            %swap3A_1149 = arith.constant 0 : index
            %swap3A_1150 = tpu.vector_load %arg19[%swap3A_1148, %swap3A_1149] {strides = array<i32>} : memref<128x32xf32, #tpu.memory_space<vmem>>, vector<16xf32>,
            tpu.vector_store %arg19[%swap3A_1148, %swap3A_1149], %mul3A_1147 {strides = array<i32>} : memref<128x32xf32, #tpu.memory_space<vmem>>, vector<16xf32>,
            %get3A_1151 = arith.index_cast %add3A_1143 : i32 to index
            %get3A_1152 = arith.constant 16 : index
            %get3A_1153 = tpu.vector_load %arg17[%get3A_1151, %get3A_1152] {strides = array<i32>} : memref<128x32xf32, #tpu.memory_space<vmem>>, vector<16xf32>,
            %mul3A_1154 = arith.mulf %get3A_1153, %gather3A_1139 : vector<16xf32>
            %swap3A_1155 = arith.index_cast %add3A_1143 : i32 to index
            %swap3A_1156 = arith.constant 16 : index
            %swap3A_1157 = tpu.vector_load %arg19[%swap3A_1155, %swap3A_1156] {strides = array<i32>} : memref<128x32xf32, #tpu.memory_space<vmem>>, vector<16xf32>,
            tpu.vector_store %arg19[%swap3A_1155, %swap3A_1156], %mul3A_1154 {strides = array<i32>} : memref<128x32xf32, #tpu.memory_space<vmem>>, vector<16xf32>,
          }
          %scan3A_655 = arith.constant 8 : i32
          %dma_start3A_656 = arith.constant 0 : i32
          %dma_start3A_657 = arith.constant 0 : i32
          %dma_start3A_658 = tpu.memref_slice %arg25[%dma_start3A_656, %dma_start3A_657] : memref<40960x32xf32, #tpu.memory_space<vmem_shared>> -> memref<40960x32xf32, #tpu.memory_space<vmem_shared>>
          tpu.enqueue_indirect_dma source(%arg19 : memref<128x32xf32, #tpu.memory_space<vmem>>) target(%dma_start3A_658 : memref<40960x32xf32, #tpu.memory_space<vmem_shared>>) offsets(%arg23 : memref<128xi32, #tpu.memory_space<vmem>>) semaphore(%arg29 : memref<!tpu.dma_semaphore, #tpu.memory_space<semaphore_mem>>) {add = true}
          %dma_start3A_659 = arith.constant 0 : i32
          %dma_start3A_660 = tpu.memref_slice %arg26[%dma_start3A_659] : memref<40960xf32, #tpu.memory_space<vmem_shared>> -> memref<40960xf32, #tpu.memory_space<vmem_shared>>
          tpu.enqueue_indirect_dma source(%arg15 : memref<128xf32, #tpu.memory_space<vmem>>) target(%dma_start3A_660 : memref<40960xf32, #tpu.memory_space<vmem_shared>>) offsets(%arg23 : memref<128xi32, #tpu.memory_space<vmem>>) semaphore(%arg31 : memref<!tpu.dma_semaphore, #tpu.memory_space<semaphore_mem>>) {add = true}
          %dma_wait3A_661 = arith.constant 0 : i32
          %dma_wait3A_662 = arith.constant 0 : i32
          %dma_wait3A_663 = tpu.memref_slice %arg6[%dma_wait3A_661, %dma_wait3A_662] : memref<40960x32xf32, #tpu.memory_space<hbm>> -> memref<40960x32xf32, #tpu.memory_space<hbm>>
          tpu.wait_indirect_dma semaphore(%arg28 : memref<!tpu.dma_semaphore, #tpu.memory_space<semaphore_mem>>) src(%dma_wait3A_663 : memref<40960x32xf32, #tpu.memory_space<hbm>>) dst(%arg18 : memref<128x32xf32, #tpu.memory_space<vmem>>)
          %scan3A_664 = arith.constant 0 : i32
          %scan3A_665 = arith.constant 0 : i32
          %scan3A_666 = arith.constant 8 : i32
          %scan3A_667 = arith.addi %scan3A_665, %scan3A_666 : i32
          %scan3A_668 = arith.constant 1 : i32
          scf.for %scan3A_675 = %scan3A_665 to %scan3A_667 step %scan3A_668  : i32 {
            %mul3A_676 = arith.constant 16 : i32
            %mul3A_677 = arith.muli %scan3A_675, %mul3A_676 : i32
            %get3A_678 = arith.index_cast %mul3A_677 : i32 to index
            %get3A_679 = tpu.vector_load %arg16[%get3A_678] {strides = array<i32>} : memref<128xf32, #tpu.memory_space<vmem>>, vector<16xf32>,
            %broadcast_in_dim3A = arith.constant 0 : i32
            %broadcast_in_dim3A_680 = vector.broadcast %broadcast_in_dim3A : i32 to vector<16xi32>
            %lt3A_681 = arith.constant 0 : i32
            %lt3A_682 = vector.broadcast %lt3A_681 : i32 to vector<16xi32>
            %lt3A_683 = arith.cmpi slt, %broadcast_in_dim3A_680, %lt3A_682 : vector<16xi32>
            %add3A_684 = arith.constant 16 : i32
            %add3A_685 = vector.broadcast %add3A_684 : i32 to vector<16xi32>
            %add3A_686 = arith.addi %broadcast_in_dim3A_680, %add3A_685 : vector<16xi32>
            %select_n3A_687 = arith.select %lt3A_683, %add3A_686, %broadcast_in_dim3A_680 : vector<16xi1>, vector<16xi32>
            %reshape3A = vector.shape_cast %select_n3A_687 : vector<16xi32> to vector<16x1xi32>
            %gather3A_688 = vector.shape_cast %reshape3A : vector<16x1xi32> to vector<16xi32>
            %gather3A_689 = tpu.dynamic_gather %get3A_679[%gather3A_688] in [0] : vector<16xf32>, vector<16xi32> -> vector<16xf32>
            %mul3A_690 = arith.constant 16 : i32
            %mul3A_691 = arith.muli %scan3A_675, %mul3A_690 : i32
            %add3A_692 = arith.constant 0 : i32
            %add3A_693 = arith.addi %mul3A_691, %add3A_692 : i32
            %get3A_694 = arith.index_cast %add3A_693 : i32 to index
            %get3A_695 = arith.constant 0 : index
            %get3A_696 = tpu.vector_load %arg18[%get3A_694, %get3A_695] {strides = array<i32>} : memref<128x32xf32, #tpu.memory_space<vmem>>, vector<16xf32>,
            %mul3A_697 = arith.mulf %get3A_696, %gather3A_689 : vector<16xf32>
            %swap3A_698 = arith.index_cast %add3A_693 : i32 to index
            %swap3A_699 = arith.constant 0 : index
            %swap3A_700 = tpu.vector_load %arg20[%swap3A_698, %swap3A_699] {strides = array<i32>} : memref<128x32xf32, #tpu.memory_space<vmem>>, vector<16xf32>,
            tpu.vector_store %arg20[%swap3A_698, %swap3A_699], %mul3A_697 {strides = array<i32>} : memref<128x32xf32, #tpu.memory_space<vmem>>, vector<16xf32>,
            %get3A_701 = arith.index_cast %add3A_693 : i32 to index
            %get3A_702 = arith.constant 16 : index
            %get3A_703 = tpu.vector_load %arg18[%get3A_701, %get3A_702] {strides = array<i32>} : memref<128x32xf32, #tpu.memory_space<vmem>>, vector<16xf32>,
            %mul3A_704 = arith.mulf %get3A_703, %gather3A_689 : vector<16xf32>
            %swap3A_705 = arith.index_cast %add3A_693 : i32 to index
            %swap3A_706 = arith.constant 16 : index
            %swap3A_707 = tpu.vector_load %arg20[%swap3A_705, %swap3A_706] {strides = array<i32>} : memref<128x32xf32, #tpu.memory_space<vmem>>, vector<16xf32>,
            tpu.vector_store %arg20[%swap3A_705, %swap3A_706], %mul3A_704 {strides = array<i32>} : memref<128x32xf32, #tpu.memory_space<vmem>>, vector<16xf32>,
            %broadcast_in_dim3A_708 = arith.constant 1 : i32
            %broadcast_in_dim3A_709 = vector.broadcast %broadcast_in_dim3A_708 : i32 to vector<16xi32>
            %lt3A_710 = arith.constant 0 : i32
            %lt3A_711 = vector.broadcast %lt3A_710 : i32 to vector<16xi32>
            %lt3A_712 = arith.cmpi slt, %broadcast_in_dim3A_709, %lt3A_711 : vector<16xi32>
            %add3A_713 = arith.constant 16 : i32
            %add3A_714 = vector.broadcast %add3A_713 : i32 to vector<16xi32>
            %add3A_715 = arith.addi %broadcast_in_dim3A_709, %add3A_714 : vector<16xi32>
            %select_n3A_716 = arith.select %lt3A_712, %add3A_715, %broadcast_in_dim3A_709 : vector<16xi1>, vector<16xi32>
            %reshape3A_717 = vector.shape_cast %select_n3A_716 : vector<16xi32> to vector<16x1xi32>
            %gather3A_718 = vector.shape_cast %reshape3A_717 : vector<16x1xi32> to vector<16xi32>
            %gather3A_719 = tpu.dynamic_gather %get3A_679[%gather3A_718] in [0] : vector<16xf32>, vector<16xi32> -> vector<16xf32>
            %mul3A_720 = arith.constant 16 : i32
            %mul3A_721 = arith.muli %scan3A_675, %mul3A_720 : i32
            %add3A_722 = arith.constant 1 : i32
            %add3A_723 = arith.addi %mul3A_721, %add3A_722 : i32
            %get3A_724 = arith.index_cast %add3A_723 : i32 to index
            %get3A_725 = arith.constant 0 : index
            %get3A_726 = tpu.vector_load %arg18[%get3A_724, %get3A_725] {strides = array<i32>} : memref<128x32xf32, #tpu.memory_space<vmem>>, vector<16xf32>,
            %mul3A_727 = arith.mulf %get3A_726, %gather3A_719 : vector<16xf32>
            %swap3A_728 = arith.index_cast %add3A_723 : i32 to index
            %swap3A_729 = arith.constant 0 : index
            %swap3A_730 = tpu.vector_load %arg20[%swap3A_728, %swap3A_729] {strides = array<i32>} : memref<128x32xf32, #tpu.memory_space<vmem>>, vector<16xf32>,
            tpu.vector_store %arg20[%swap3A_728, %swap3A_729], %mul3A_727 {strides = array<i32>} : memref<128x32xf32, #tpu.memory_space<vmem>>, vector<16xf32>,
            %get3A_731 = arith.index_cast %add3A_723 : i32 to index
            %get3A_732 = arith.constant 16 : index
            %get3A_733 = tpu.vector_load %arg18[%get3A_731, %get3A_732] {strides = array<i32>} : memref<128x32xf32, #tpu.memory_space<vmem>>, vector<16xf32>,
            %mul3A_734 = arith.mulf %get3A_733, %gather3A_719 : vector<16xf32>
            %swap3A_735 = arith.index_cast %add3A_723 : i32 to index
            %swap3A_736 = arith.constant 16 : index
            %swap3A_737 = tpu.vector_load %arg20[%swap3A_735, %swap3A_736] {strides = array<i32>} : memref<128x32xf32, #tpu.memory_space<vmem>>, vector<16xf32>,
            tpu.vector_store %arg20[%swap3A_735, %swap3A_736], %mul3A_734 {strides = array<i32>} : memref<128x32xf32, #tpu.memory_space<vmem>>, vector<16xf32>,
            %broadcast_in_dim3A_738 = arith.constant 2 : i32
            %broadcast_in_dim3A_739 = vector.broadcast %broadcast_in_dim3A_738 : i32 to vector<16xi32>
            %lt3A_740 = arith.constant 0 : i32
            %lt3A_741 = vector.broadcast %lt3A_740 : i32 to vector<16xi32>
            %lt3A_742 = arith.cmpi slt, %broadcast_in_dim3A_739, %lt3A_741 : vector<16xi32>
            %add3A_743 = arith.constant 16 : i32
            %add3A_744 = vector.broadcast %add3A_743 : i32 to vector<16xi32>
            %add3A_745 = arith.addi %broadcast_in_dim3A_739, %add3A_744 : vector<16xi32>
            %select_n3A_746 = arith.select %lt3A_742, %add3A_745, %broadcast_in_dim3A_739 : vector<16xi1>, vector<16xi32>
            %reshape3A_747 = vector.shape_cast %select_n3A_746 : vector<16xi32> to vector<16x1xi32>
            %gather3A_748 = vector.shape_cast %reshape3A_747 : vector<16x1xi32> to vector<16xi32>
            %gather3A_749 = tpu.dynamic_gather %get3A_679[%gather3A_748] in [0] : vector<16xf32>, vector<16xi32> -> vector<16xf32>
            %mul3A_750 = arith.constant 16 : i32
            %mul3A_751 = arith.muli %scan3A_675, %mul3A_750 : i32
            %add3A_752 = arith.constant 2 : i32
            %add3A_753 = arith.addi %mul3A_751, %add3A_752 : i32
            %get3A_754 = arith.index_cast %add3A_753 : i32 to index
            %get3A_755 = arith.constant 0 : index
            %get3A_756 = tpu.vector_load %arg18[%get3A_754, %get3A_755] {strides = array<i32>} : memref<128x32xf32, #tpu.memory_space<vmem>>, vector<16xf32>,
            %mul3A_757 = arith.mulf %get3A_756, %gather3A_749 : vector<16xf32>
            %swap3A_758 = arith.index_cast %add3A_753 : i32 to index
            %swap3A_759 = arith.constant 0 : index
            %swap3A_760 = tpu.vector_load %arg20[%swap3A_758, %swap3A_759] {strides = array<i32>} : memref<128x32xf32, #tpu.memory_space<vmem>>, vector<16xf32>,
            tpu.vector_store %arg20[%swap3A_758, %swap3A_759], %mul3A_757 {strides = array<i32>} : memref<128x32xf32, #tpu.memory_space<vmem>>, vector<16xf32>,
            %get3A_761 = arith.index_cast %add3A_753 : i32 to index
            %get3A_762 = arith.constant 16 : index
            %get3A_763 = tpu.vector_load %arg18[%get3A_761, %get3A_762] {strides = array<i32>} : memref<128x32xf32, #tpu.memory_space<vmem>>, vector<16xf32>,
            %mul3A_764 = arith.mulf %get3A_763, %gather3A_749 : vector<16xf32>
            %swap3A_765 = arith.index_cast %add3A_753 : i32 to index
            %swap3A_766 = arith.constant 16 : index
            %swap3A_767 = tpu.vector_load %arg20[%swap3A_765, %swap3A_766] {strides = array<i32>} : memref<128x32xf32, #tpu.memory_space<vmem>>, vector<16xf32>,
            tpu.vector_store %arg20[%swap3A_765, %swap3A_766], %mul3A_764 {strides = array<i32>} : memref<128x32xf32, #tpu.memory_space<vmem>>, vector<16xf32>,
            %broadcast_in_dim3A_768 = arith.constant 3 : i32
            %broadcast_in_dim3A_769 = vector.broadcast %broadcast_in_dim3A_768 : i32 to vector<16xi32>
            %lt3A_770 = arith.constant 0 : i32
            %lt3A_771 = vector.broadcast %lt3A_770 : i32 to vector<16xi32>
            %lt3A_772 = arith.cmpi slt, %broadcast_in_dim3A_769, %lt3A_771 : vector<16xi32>
            %add3A_773 = arith.constant 16 : i32
            %add3A_774 = vector.broadcast %add3A_773 : i32 to vector<16xi32>
            %add3A_775 = arith.addi %broadcast_in_dim3A_769, %add3A_774 : vector<16xi32>
            %select_n3A_776 = arith.select %lt3A_772, %add3A_775, %broadcast_in_dim3A_769 : vector<16xi1>, vector<16xi32>
            %reshape3A_777 = vector.shape_cast %select_n3A_776 : vector<16xi32> to vector<16x1xi32>
            %gather3A_778 = vector.shape_cast %reshape3A_777 : vector<16x1xi32> to vector<16xi32>
            %gather3A_779 = tpu.dynamic_gather %get3A_679[%gather3A_778] in [0] : vector<16xf32>, vector<16xi32> -> vector<16xf32>
            %mul3A_780 = arith.constant 16 : i32
            %mul3A_781 = arith.muli %scan3A_675, %mul3A_780 : i32
            %add3A_782 = arith.constant 3 : i32
            %add3A_783 = arith.addi %mul3A_781, %add3A_782 : i32
            %get3A_784 = arith.index_cast %add3A_783 : i32 to index
            %get3A_785 = arith.constant 0 : index
            %get3A_786 = tpu.vector_load %arg18[%get3A_784, %get3A_785] {strides = array<i32>} : memref<128x32xf32, #tpu.memory_space<vmem>>, vector<16xf32>,
            %mul3A_787 = arith.mulf %get3A_786, %gather3A_779 : vector<16xf32>
            %swap3A_788 = arith.index_cast %add3A_783 : i32 to index
            %swap3A_789 = arith.constant 0 : index
            %swap3A_790 = tpu.vector_load %arg20[%swap3A_788, %swap3A_789] {strides = array<i32>} : memref<128x32xf32, #tpu.memory_space<vmem>>, vector<16xf32>,
            tpu.vector_store %arg20[%swap3A_788, %swap3A_789], %mul3A_787 {strides = array<i32>} : memref<128x32xf32, #tpu.memory_space<vmem>>, vector<16xf32>,
            %get3A_791 = arith.index_cast %add3A_783 : i32 to index
            %get3A_792 = arith.constant 16 : index
            %get3A_793 = tpu.vector_load %arg18[%get3A_791, %get3A_792] {strides = array<i32>} : memref<128x32xf32, #tpu.memory_space<vmem>>, vector<16xf32>,
            %mul3A_794 = arith.mulf %get3A_793, %gather3A_779 : vector<16xf32>
            %swap3A_795 = arith.index_cast %add3A_783 : i32 to index
            %swap3A_796 = arith.constant 16 : index
            %swap3A_797 = tpu.vector_load %arg20[%swap3A_795, %swap3A_796] {strides = array<i32>} : memref<128x32xf32, #tpu.memory_space<vmem>>, vector<16xf32>,
            tpu.vector_store %arg20[%swap3A_795, %swap3A_796], %mul3A_794 {strides = array<i32>} : memref<128x32xf32, #tpu.memory_space<vmem>>, vector<16xf32>,
            %broadcast_in_dim3A_798 = arith.constant 4 : i32
            %broadcast_in_dim3A_799 = vector.broadcast %broadcast_in_dim3A_798 : i32 to vector<16xi32>
            %lt3A_800 = arith.constant 0 : i32
            %lt3A_801 = vector.broadcast %lt3A_800 : i32 to vector<16xi32>
            %lt3A_802 = arith.cmpi slt, %broadcast_in_dim3A_799, %lt3A_801 : vector<16xi32>
            %add3A_803 = arith.constant 16 : i32
            %add3A_804 = vector.broadcast %add3A_803 : i32 to vector<16xi32>
            %add3A_805 = arith.addi %broadcast_in_dim3A_799, %add3A_804 : vector<16xi32>
            %select_n3A_806 = arith.select %lt3A_802, %add3A_805, %broadcast_in_dim3A_799 : vector<16xi1>, vector<16xi32>
            %reshape3A_807 = vector.shape_cast %select_n3A_806 : vector<16xi32> to vector<16x1xi32>
            %gather3A_808 = vector.shape_cast %reshape3A_807 : vector<16x1xi32> to vector<16xi32>
            %gather3A_809 = tpu.dynamic_gather %get3A_679[%gather3A_808] in [0] : vector<16xf32>, vector<16xi32> -> vector<16xf32>
            %mul3A_810 = arith.constant 16 : i32
            %mul3A_811 = arith.muli %scan3A_675, %mul3A_810 : i32
            %add3A_812 = arith.constant 4 : i32
            %add3A_813 = arith.addi %mul3A_811, %add3A_812 : i32
            %get3A_814 = arith.index_cast %add3A_813 : i32 to index
            %get3A_815 = arith.constant 0 : index
            %get3A_816 = tpu.vector_load %arg18[%get3A_814, %get3A_815] {strides = array<i32>} : memref<128x32xf32, #tpu.memory_space<vmem>>, vector<16xf32>,
            %mul3A_817 = arith.mulf %get3A_816, %gather3A_809 : vector<16xf32>
            %swap3A_818 = arith.index_cast %add3A_813 : i32 to index
            %swap3A_819 = arith.constant 0 : index
            %swap3A_820 = tpu.vector_load %arg20[%swap3A_818, %swap3A_819] {strides = array<i32>} : memref<128x32xf32, #tpu.memory_space<vmem>>, vector<16xf32>,
            tpu.vector_store %arg20[%swap3A_818, %swap3A_819], %mul3A_817 {strides = array<i32>} : memref<128x32xf32, #tpu.memory_space<vmem>>, vector<16xf32>,
            %get3A_821 = arith.index_cast %add3A_813 : i32 to index
            %get3A_822 = arith.constant 16 : index
            %get3A_823 = tpu.vector_load %arg18[%get3A_821, %get3A_822] {strides = array<i32>} : memref<128x32xf32, #tpu.memory_space<vmem>>, vector<16xf32>,
            %mul3A_824 = arith.mulf %get3A_823, %gather3A_809 : vector<16xf32>
            %swap3A_825 = arith.index_cast %add3A_813 : i32 to index
            %swap3A_826 = arith.constant 16 : index
            %swap3A_827 = tpu.vector_load %arg20[%swap3A_825, %swap3A_826] {strides = array<i32>} : memref<128x32xf32, #tpu.memory_space<vmem>>, vector<16xf32>,
            tpu.vector_store %arg20[%swap3A_825, %swap3A_826], %mul3A_824 {strides = array<i32>} : memref<128x32xf32, #tpu.memory_space<vmem>>, vector<16xf32>,
            %broadcast_in_dim3A_828 = arith.constant 5 : i32
            %broadcast_in_dim3A_829 = vector.broadcast %broadcast_in_dim3A_828 : i32 to vector<16xi32>
            %lt3A_830 = arith.constant 0 : i32
            %lt3A_831 = vector.broadcast %lt3A_830 : i32 to vector<16xi32>
            %lt3A_832 = arith.cmpi slt, %broadcast_in_dim3A_829, %lt3A_831 : vector<16xi32>
            %add3A_833 = arith.constant 16 : i32
            %add3A_834 = vector.broadcast %add3A_833 : i32 to vector<16xi32>
            %add3A_835 = arith.addi %broadcast_in_dim3A_829, %add3A_834 : vector<16xi32>
            %select_n3A_836 = arith.select %lt3A_832, %add3A_835, %broadcast_in_dim3A_829 : vector<16xi1>, vector<16xi32>
            %reshape3A_837 = vector.shape_cast %select_n3A_836 : vector<16xi32> to vector<16x1xi32>
            %gather3A_838 = vector.shape_cast %reshape3A_837 : vector<16x1xi32> to vector<16xi32>
            %gather3A_839 = tpu.dynamic_gather %get3A_679[%gather3A_838] in [0] : vector<16xf32>, vector<16xi32> -> vector<16xf32>
            %mul3A_840 = arith.constant 16 : i32
            %mul3A_841 = arith.muli %scan3A_675, %mul3A_840 : i32
            %add3A_842 = arith.constant 5 : i32
            %add3A_843 = arith.addi %mul3A_841, %add3A_842 : i32
            %get3A_844 = arith.index_cast %add3A_843 : i32 to index
            %get3A_845 = arith.constant 0 : index
            %get3A_846 = tpu.vector_load %arg18[%get3A_844, %get3A_845] {strides = array<i32>} : memref<128x32xf32, #tpu.memory_space<vmem>>, vector<16xf32>,
            %mul3A_847 = arith.mulf %get3A_846, %gather3A_839 : vector<16xf32>
            %swap3A_848 = arith.index_cast %add3A_843 : i32 to index
            %swap3A_849 = arith.constant 0 : index
            %swap3A_850 = tpu.vector_load %arg20[%swap3A_848, %swap3A_849] {strides = array<i32>} : memref<128x32xf32, #tpu.memory_space<vmem>>, vector<16xf32>,
            tpu.vector_store %arg20[%swap3A_848, %swap3A_849], %mul3A_847 {strides = array<i32>} : memref<128x32xf32, #tpu.memory_space<vmem>>, vector<16xf32>,
            %get3A_851 = arith.index_cast %add3A_843 : i32 to index
            %get3A_852 = arith.constant 16 : index
            %get3A_853 = tpu.vector_load %arg18[%get3A_851, %get3A_852] {strides = array<i32>} : memref<128x32xf32, #tpu.memory_space<vmem>>, vector<16xf32>,
            %mul3A_854 = arith.mulf %get3A_853, %gather3A_839 : vector<16xf32>
            %swap3A_855 = arith.index_cast %add3A_843 : i32 to index
            %swap3A_856 = arith.constant 16 : index
            %swap3A_857 = tpu.vector_load %arg20[%swap3A_855, %swap3A_856] {strides = array<i32>} : memref<128x32xf32, #tpu.memory_space<vmem>>, vector<16xf32>,
            tpu.vector_store %arg20[%swap3A_855, %swap3A_856], %mul3A_854 {strides = array<i32>} : memref<128x32xf32, #tpu.memory_space<vmem>>, vector<16xf32>,
            %broadcast_in_dim3A_858 = arith.constant 6 : i32
            %broadcast_in_dim3A_859 = vector.broadcast %broadcast_in_dim3A_858 : i32 to vector<16xi32>
            %lt3A_860 = arith.constant 0 : i32
            %lt3A_861 = vector.broadcast %lt3A_860 : i32 to vector<16xi32>
            %lt3A_862 = arith.cmpi slt, %broadcast_in_dim3A_859, %lt3A_861 : vector<16xi32>
            %add3A_863 = arith.constant 16 : i32
            %add3A_864 = vector.broadcast %add3A_863 : i32 to vector<16xi32>
            %add3A_865 = arith.addi %broadcast_in_dim3A_859, %add3A_864 : vector<16xi32>
            %select_n3A_866 = arith.select %lt3A_862, %add3A_865, %broadcast_in_dim3A_859 : vector<16xi1>, vector<16xi32>
            %reshape3A_867 = vector.shape_cast %select_n3A_866 : vector<16xi32> to vector<16x1xi32>
            %gather3A_868 = vector.shape_cast %reshape3A_867 : vector<16x1xi32> to vector<16xi32>
            %gather3A_869 = tpu.dynamic_gather %get3A_679[%gather3A_868] in [0] : vector<16xf32>, vector<16xi32> -> vector<16xf32>
            %mul3A_870 = arith.constant 16 : i32
            %mul3A_871 = arith.muli %scan3A_675, %mul3A_870 : i32
            %add3A_872 = arith.constant 6 : i32
            %add3A_873 = arith.addi %mul3A_871, %add3A_872 : i32
            %get3A_874 = arith.index_cast %add3A_873 : i32 to index
            %get3A_875 = arith.constant 0 : index
            %get3A_876 = tpu.vector_load %arg18[%get3A_874, %get3A_875] {strides = array<i32>} : memref<128x32xf32, #tpu.memory_space<vmem>>, vector<16xf32>,
            %mul3A_877 = arith.mulf %get3A_876, %gather3A_869 : vector<16xf32>
            %swap3A_878 = arith.index_cast %add3A_873 : i32 to index
            %swap3A_879 = arith.constant 0 : index
            %swap3A_880 = tpu.vector_load %arg20[%swap3A_878, %swap3A_879] {strides = array<i32>} : memref<128x32xf32, #tpu.memory_space<vmem>>, vector<16xf32>,
            tpu.vector_store %arg20[%swap3A_878, %swap3A_879], %mul3A_877 {strides = array<i32>} : memref<128x32xf32, #tpu.memory_space<vmem>>, vector<16xf32>,
            %get3A_881 = arith.index_cast %add3A_873 : i32 to index
            %get3A_882 = arith.constant 16 : index
            %get3A_883 = tpu.vector_load %arg18[%get3A_881, %get3A_882] {strides = array<i32>} : memref<128x32xf32, #tpu.memory_space<vmem>>, vector<16xf32>,
            %mul3A_884 = arith.mulf %get3A_883, %gather3A_869 : vector<16xf32>
            %swap3A_885 = arith.index_cast %add3A_873 : i32 to index
            %swap3A_886 = arith.constant 16 : index
            %swap3A_887 = tpu.vector_load %arg20[%swap3A_885, %swap3A_886] {strides = array<i32>} : memref<128x32xf32, #tpu.memory_space<vmem>>, vector<16xf32>,
            tpu.vector_store %arg20[%swap3A_885, %swap3A_886], %mul3A_884 {strides = array<i32>} : memref<128x32xf32, #tpu.memory_space<vmem>>, vector<16xf32>,
            %broadcast_in_dim3A_888 = arith.constant 7 : i32
            %broadcast_in_dim3A_889 = vector.broadcast %broadcast_in_dim3A_888 : i32 to vector<16xi32>
            %lt3A_890 = arith.constant 0 : i32
            %lt3A_891 = vector.broadcast %lt3A_890 : i32 to vector<16xi32>
            %lt3A_892 = arith.cmpi slt, %broadcast_in_dim3A_889, %lt3A_891 : vector<16xi32>
            %add3A_893 = arith.constant 16 : i32
            %add3A_894 = vector.broadcast %add3A_893 : i32 to vector<16xi32>
            %add3A_895 = arith.addi %broadcast_in_dim3A_889, %add3A_894 : vector<16xi32>
            %select_n3A_896 = arith.select %lt3A_892, %add3A_895, %broadcast_in_dim3A_889 : vector<16xi1>, vector<16xi32>
            %reshape3A_897 = vector.shape_cast %select_n3A_896 : vector<16xi32> to vector<16x1xi32>
            %gather3A_898 = vector.shape_cast %reshape3A_897 : vector<16x1xi32> to vector<16xi32>
            %gather3A_899 = tpu.dynamic_gather %get3A_679[%gather3A_898] in [0] : vector<16xf32>, vector<16xi32> -> vector<16xf32>
            %mul3A_900 = arith.constant 16 : i32
            %mul3A_901 = arith.muli %scan3A_675, %mul3A_900 : i32
            %add3A_902 = arith.constant 7 : i32
            %add3A_903 = arith.addi %mul3A_901, %add3A_902 : i32
            %get3A_904 = arith.index_cast %add3A_903 : i32 to index
            %get3A_905 = arith.constant 0 : index
            %get3A_906 = tpu.vector_load %arg18[%get3A_904, %get3A_905] {strides = array<i32>} : memref<128x32xf32, #tpu.memory_space<vmem>>, vector<16xf32>,
            %mul3A_907 = arith.mulf %get3A_906, %gather3A_899 : vector<16xf32>
            %swap3A_908 = arith.index_cast %add3A_903 : i32 to index
            %swap3A_909 = arith.constant 0 : index
            %swap3A_910 = tpu.vector_load %arg20[%swap3A_908, %swap3A_909] {strides = array<i32>} : memref<128x32xf32, #tpu.memory_space<vmem>>, vector<16xf32>,
            tpu.vector_store %arg20[%swap3A_908, %swap3A_909], %mul3A_907 {strides = array<i32>} : memref<128x32xf32, #tpu.memory_space<vmem>>, vector<16xf32>,
            %get3A_911 = arith.index_cast %add3A_903 : i32 to index
            %get3A_912 = arith.constant 16 : index
            %get3A_913 = tpu.vector_load %arg18[%get3A_911, %get3A_912] {strides = array<i32>} : memref<128x32xf32, #tpu.memory_space<vmem>>, vector<16xf32>,
            %mul3A_914 = arith.mulf %get3A_913, %gather3A_899 : vector<16xf32>
            %swap3A_915 = arith.index_cast %add3A_903 : i32 to index
            %swap3A_916 = arith.constant 16 : index
            %swap3A_917 = tpu.vector_load %arg20[%swap3A_915, %swap3A_916] {strides = array<i32>} : memref<128x32xf32, #tpu.memory_space<vmem>>, vector<16xf32>,
            tpu.vector_store %arg20[%swap3A_915, %swap3A_916], %mul3A_914 {strides = array<i32>} : memref<128x32xf32, #tpu.memory_space<vmem>>, vector<16xf32>,
            %broadcast_in_dim3A_918 = arith.constant 8 : i32
            %broadcast_in_dim3A_919 = vector.broadcast %broadcast_in_dim3A_918 : i32 to vector<16xi32>
            %lt3A_920 = arith.constant 0 : i32
            %lt3A_921 = vector.broadcast %lt3A_920 : i32 to vector<16xi32>
            %lt3A_922 = arith.cmpi slt, %broadcast_in_dim3A_919, %lt3A_921 : vector<16xi32>
            %add3A_923 = arith.constant 16 : i32
            %add3A_924 = vector.broadcast %add3A_923 : i32 to vector<16xi32>
            %add3A_925 = arith.addi %broadcast_in_dim3A_919, %add3A_924 : vector<16xi32>
            %select_n3A_926 = arith.select %lt3A_922, %add3A_925, %broadcast_in_dim3A_919 : vector<16xi1>, vector<16xi32>
            %reshape3A_927 = vector.shape_cast %select_n3A_926 : vector<16xi32> to vector<16x1xi32>
            %gather3A_928 = vector.shape_cast %reshape3A_927 : vector<16x1xi32> to vector<16xi32>
            %gather3A_929 = tpu.dynamic_gather %get3A_679[%gather3A_928] in [0] : vector<16xf32>, vector<16xi32> -> vector<16xf32>
            %mul3A_930 = arith.constant 16 : i32
            %mul3A_931 = arith.muli %scan3A_675, %mul3A_930 : i32
            %add3A_932 = arith.constant 8 : i32
            %add3A_933 = arith.addi %mul3A_931, %add3A_932 : i32
            %get3A_934 = arith.index_cast %add3A_933 : i32 to index
            %get3A_935 = arith.constant 0 : index
            %get3A_936 = tpu.vector_load %arg18[%get3A_934, %get3A_935] {strides = array<i32>} : memref<128x32xf32, #tpu.memory_space<vmem>>, vector<16xf32>,
            %mul3A_937 = arith.mulf %get3A_936, %gather3A_929 : vector<16xf32>
            %swap3A_938 = arith.index_cast %add3A_933 : i32 to index
            %swap3A_939 = arith.constant 0 : index
            %swap3A_940 = tpu.vector_load %arg20[%swap3A_938, %swap3A_939] {strides = array<i32>} : memref<128x32xf32, #tpu.memory_space<vmem>>, vector<16xf32>,
            tpu.vector_store %arg20[%swap3A_938, %swap3A_939], %mul3A_937 {strides = array<i32>} : memref<128x32xf32, #tpu.memory_space<vmem>>, vector<16xf32>,
            %get3A_941 = arith.index_cast %add3A_933 : i32 to index
            %get3A_942 = arith.constant 16 : index
            %get3A_943 = tpu.vector_load %arg18[%get3A_941, %get3A_942] {strides = array<i32>} : memref<128x32xf32, #tpu.memory_space<vmem>>, vector<16xf32>,
            %mul3A_944 = arith.mulf %get3A_943, %gather3A_929 : vector<16xf32>
            %swap3A_945 = arith.index_cast %add3A_933 : i32 to index
            %swap3A_946 = arith.constant 16 : index
            %swap3A_947 = tpu.vector_load %arg20[%swap3A_945, %swap3A_946] {strides = array<i32>} : memref<128x32xf32, #tpu.memory_space<vmem>>, vector<16xf32>,
            tpu.vector_store %arg20[%swap3A_945, %swap3A_946], %mul3A_944 {strides = array<i32>} : memref<128x32xf32, #tpu.memory_space<vmem>>, vector<16xf32>,
            %broadcast_in_dim3A_948 = arith.constant 9 : i32
            %broadcast_in_dim3A_949 = vector.broadcast %broadcast_in_dim3A_948 : i32 to vector<16xi32>
            %lt3A_950 = arith.constant 0 : i32
            %lt3A_951 = vector.broadcast %lt3A_950 : i32 to vector<16xi32>
            %lt3A_952 = arith.cmpi slt, %broadcast_in_dim3A_949, %lt3A_951 : vector<16xi32>
            %add3A_953 = arith.constant 16 : i32
            %add3A_954 = vector.broadcast %add3A_953 : i32 to vector<16xi32>
            %add3A_955 = arith.addi %broadcast_in_dim3A_949, %add3A_954 : vector<16xi32>
            %select_n3A_956 = arith.select %lt3A_952, %add3A_955, %broadcast_in_dim3A_949 : vector<16xi1>, vector<16xi32>
            %reshape3A_957 = vector.shape_cast %select_n3A_956 : vector<16xi32> to vector<16x1xi32>
            %gather3A_958 = vector.shape_cast %reshape3A_957 : vector<16x1xi32> to vector<16xi32>
            %gather3A_959 = tpu.dynamic_gather %get3A_679[%gather3A_958] in [0] : vector<16xf32>, vector<16xi32> -> vector<16xf32>
            %mul3A_960 = arith.constant 16 : i32
            %mul3A_961 = arith.muli %scan3A_675, %mul3A_960 : i32
            %add3A_962 = arith.constant 9 : i32
            %add3A_963 = arith.addi %mul3A_961, %add3A_962 : i32
            %get3A_964 = arith.index_cast %add3A_963 : i32 to index
            %get3A_965 = arith.constant 0 : index
            %get3A_966 = tpu.vector_load %arg18[%get3A_964, %get3A_965] {strides = array<i32>} : memref<128x32xf32, #tpu.memory_space<vmem>>, vector<16xf32>,
            %mul3A_967 = arith.mulf %get3A_966, %gather3A_959 : vector<16xf32>
            %swap3A_968 = arith.index_cast %add3A_963 : i32 to index
            %swap3A_969 = arith.constant 0 : index
            %swap3A_970 = tpu.vector_load %arg20[%swap3A_968, %swap3A_969] {strides = array<i32>} : memref<128x32xf32, #tpu.memory_space<vmem>>, vector<16xf32>,
            tpu.vector_store %arg20[%swap3A_968, %swap3A_969], %mul3A_967 {strides = array<i32>} : memref<128x32xf32, #tpu.memory_space<vmem>>, vector<16xf32>,
            %get3A_971 = arith.index_cast %add3A_963 : i32 to index
            %get3A_972 = arith.constant 16 : index
            %get3A_973 = tpu.vector_load %arg18[%get3A_971, %get3A_972] {strides = array<i32>} : memref<128x32xf32, #tpu.memory_space<vmem>>, vector<16xf32>,
            %mul3A_974 = arith.mulf %get3A_973, %gather3A_959 : vector<16xf32>
            %swap3A_975 = arith.index_cast %add3A_963 : i32 to index
            %swap3A_976 = arith.constant 16 : index
            %swap3A_977 = tpu.vector_load %arg20[%swap3A_975, %swap3A_976] {strides = array<i32>} : memref<128x32xf32, #tpu.memory_space<vmem>>, vector<16xf32>,
            tpu.vector_store %arg20[%swap3A_975, %swap3A_976], %mul3A_974 {strides = array<i32>} : memref<128x32xf32, #tpu.memory_space<vmem>>, vector<16xf32>,
            %broadcast_in_dim3A_978 = arith.constant 10 : i32
            %broadcast_in_dim3A_979 = vector.broadcast %broadcast_in_dim3A_978 : i32 to vector<16xi32>
            %lt3A_980 = arith.constant 0 : i32
            %lt3A_981 = vector.broadcast %lt3A_980 : i32 to vector<16xi32>
            %lt3A_982 = arith.cmpi slt, %broadcast_in_dim3A_979, %lt3A_981 : vector<16xi32>
            %add3A_983 = arith.constant 16 : i32
            %add3A_984 = vector.broadcast %add3A_983 : i32 to vector<16xi32>
            %add3A_985 = arith.addi %broadcast_in_dim3A_979, %add3A_984 : vector<16xi32>
            %select_n3A_986 = arith.select %lt3A_982, %add3A_985, %broadcast_in_dim3A_979 : vector<16xi1>, vector<16xi32>
            %reshape3A_987 = vector.shape_cast %select_n3A_986 : vector<16xi32> to vector<16x1xi32>
            %gather3A_988 = vector.shape_cast %reshape3A_987 : vector<16x1xi32> to vector<16xi32>
            %gather3A_989 = tpu.dynamic_gather %get3A_679[%gather3A_988] in [0] : vector<16xf32>, vector<16xi32> -> vector<16xf32>
            %mul3A_990 = arith.constant 16 : i32
            %mul3A_991 = arith.muli %scan3A_675, %mul3A_990 : i32
            %add3A_992 = arith.constant 10 : i32
            %add3A_993 = arith.addi %mul3A_991, %add3A_992 : i32
            %get3A_994 = arith.index_cast %add3A_993 : i32 to index
            %get3A_995 = arith.constant 0 : index
            %get3A_996 = tpu.vector_load %arg18[%get3A_994, %get3A_995] {strides = array<i32>} : memref<128x32xf32, #tpu.memory_space<vmem>>, vector<16xf32>,
            %mul3A_997 = arith.mulf %get3A_996, %gather3A_989 : vector<16xf32>
            %swap3A_998 = arith.index_cast %add3A_993 : i32 to index
            %swap3A_999 = arith.constant 0 : index
            %swap3A_1000 = tpu.vector_load %arg20[%swap3A_998, %swap3A_999] {strides = array<i32>} : memref<128x32xf32, #tpu.memory_space<vmem>>, vector<16xf32>,
            tpu.vector_store %arg20[%swap3A_998, %swap3A_999], %mul3A_997 {strides = array<i32>} : memref<128x32xf32, #tpu.memory_space<vmem>>, vector<16xf32>,
            %get3A_1001 = arith.index_cast %add3A_993 : i32 to index
            %get3A_1002 = arith.constant 16 : index
            %get3A_1003 = tpu.vector_load %arg18[%get3A_1001, %get3A_1002] {strides = array<i32>} : memref<128x32xf32, #tpu.memory_space<vmem>>, vector<16xf32>,
            %mul3A_1004 = arith.mulf %get3A_1003, %gather3A_989 : vector<16xf32>
            %swap3A_1005 = arith.index_cast %add3A_993 : i32 to index
            %swap3A_1006 = arith.constant 16 : index
            %swap3A_1007 = tpu.vector_load %arg20[%swap3A_1005, %swap3A_1006] {strides = array<i32>} : memref<128x32xf32, #tpu.memory_space<vmem>>, vector<16xf32>,
            tpu.vector_store %arg20[%swap3A_1005, %swap3A_1006], %mul3A_1004 {strides = array<i32>} : memref<128x32xf32, #tpu.memory_space<vmem>>, vector<16xf32>,
            %broadcast_in_dim3A_1008 = arith.constant 11 : i32
            %broadcast_in_dim3A_1009 = vector.broadcast %broadcast_in_dim3A_1008 : i32 to vector<16xi32>
            %lt3A_1010 = arith.constant 0 : i32
            %lt3A_1011 = vector.broadcast %lt3A_1010 : i32 to vector<16xi32>
            %lt3A_1012 = arith.cmpi slt, %broadcast_in_dim3A_1009, %lt3A_1011 : vector<16xi32>
            %add3A_1013 = arith.constant 16 : i32
            %add3A_1014 = vector.broadcast %add3A_1013 : i32 to vector<16xi32>
            %add3A_1015 = arith.addi %broadcast_in_dim3A_1009, %add3A_1014 : vector<16xi32>
            %select_n3A_1016 = arith.select %lt3A_1012, %add3A_1015, %broadcast_in_dim3A_1009 : vector<16xi1>, vector<16xi32>
            %reshape3A_1017 = vector.shape_cast %select_n3A_1016 : vector<16xi32> to vector<16x1xi32>
            %gather3A_1018 = vector.shape_cast %reshape3A_1017 : vector<16x1xi32> to vector<16xi32>
            %gather3A_1019 = tpu.dynamic_gather %get3A_679[%gather3A_1018] in [0] : vector<16xf32>, vector<16xi32> -> vector<16xf32>
            %mul3A_1020 = arith.constant 16 : i32
            %mul3A_1021 = arith.muli %scan3A_675, %mul3A_1020 : i32
            %add3A_1022 = arith.constant 11 : i32
            %add3A_1023 = arith.addi %mul3A_1021, %add3A_1022 : i32
            %get3A_1024 = arith.index_cast %add3A_1023 : i32 to index
            %get3A_1025 = arith.constant 0 : index
            %get3A_1026 = tpu.vector_load %arg18[%get3A_1024, %get3A_1025] {strides = array<i32>} : memref<128x32xf32, #tpu.memory_space<vmem>>, vector<16xf32>,
            %mul3A_1027 = arith.mulf %get3A_1026, %gather3A_1019 : vector<16xf32>
            %swap3A_1028 = arith.index_cast %add3A_1023 : i32 to index
            %swap3A_1029 = arith.constant 0 : index
            %swap3A_1030 = tpu.vector_load %arg20[%swap3A_1028, %swap3A_1029] {strides = array<i32>} : memref<128x32xf32, #tpu.memory_space<vmem>>, vector<16xf32>,
            tpu.vector_store %arg20[%swap3A_1028, %swap3A_1029], %mul3A_1027 {strides = array<i32>} : memref<128x32xf32, #tpu.memory_space<vmem>>, vector<16xf32>,
            %get3A_1031 = arith.index_cast %add3A_1023 : i32 to index
            %get3A_1032 = arith.constant 16 : index
            %get3A_1033 = tpu.vector_load %arg18[%get3A_1031, %get3A_1032] {strides = array<i32>} : memref<128x32xf32, #tpu.memory_space<vmem>>, vector<16xf32>,
            %mul3A_1034 = arith.mulf %get3A_1033, %gather3A_1019 : vector<16xf32>
            %swap3A_1035 = arith.index_cast %add3A_1023 : i32 to index
            %swap3A_1036 = arith.constant 16 : index
            %swap3A_1037 = tpu.vector_load %arg20[%swap3A_1035, %swap3A_1036] {strides = array<i32>} : memref<128x32xf32, #tpu.memory_space<vmem>>, vector<16xf32>,
            tpu.vector_store %arg20[%swap3A_1035, %swap3A_1036], %mul3A_1034 {strides = array<i32>} : memref<128x32xf32, #tpu.memory_space<vmem>>, vector<16xf32>,
            %broadcast_in_dim3A_1038 = arith.constant 12 : i32
            %broadcast_in_dim3A_1039 = vector.broadcast %broadcast_in_dim3A_1038 : i32 to vector<16xi32>
            %lt3A_1040 = arith.constant 0 : i32
            %lt3A_1041 = vector.broadcast %lt3A_1040 : i32 to vector<16xi32>
            %lt3A_1042 = arith.cmpi slt, %broadcast_in_dim3A_1039, %lt3A_1041 : vector<16xi32>
            %add3A_1043 = arith.constant 16 : i32
            %add3A_1044 = vector.broadcast %add3A_1043 : i32 to vector<16xi32>
            %add3A_1045 = arith.addi %broadcast_in_dim3A_1039, %add3A_1044 : vector<16xi32>
            %select_n3A_1046 = arith.select %lt3A_1042, %add3A_1045, %broadcast_in_dim3A_1039 : vector<16xi1>, vector<16xi32>
            %reshape3A_1047 = vector.shape_cast %select_n3A_1046 : vector<16xi32> to vector<16x1xi32>
            %gather3A_1048 = vector.shape_cast %reshape3A_1047 : vector<16x1xi32> to vector<16xi32>
            %gather3A_1049 = tpu.dynamic_gather %get3A_679[%gather3A_1048] in [0] : vector<16xf32>, vector<16xi32> -> vector<16xf32>
            %mul3A_1050 = arith.constant 16 : i32
            %mul3A_1051 = arith.muli %scan3A_675, %mul3A_1050 : i32
            %add3A_1052 = arith.constant 12 : i32
            %add3A_1053 = arith.addi %mul3A_1051, %add3A_1052 : i32
            %get3A_1054 = arith.index_cast %add3A_1053 : i32 to index
            %get3A_1055 = arith.constant 0 : index
            %get3A_1056 = tpu.vector_load %arg18[%get3A_1054, %get3A_1055] {strides = array<i32>} : memref<128x32xf32, #tpu.memory_space<vmem>>, vector<16xf32>,
            %mul3A_1057 = arith.mulf %get3A_1056, %gather3A_1049 : vector<16xf32>
            %swap3A_1058 = arith.index_cast %add3A_1053 : i32 to index
            %swap3A_1059 = arith.constant 0 : index
            %swap3A_1060 = tpu.vector_load %arg20[%swap3A_1058, %swap3A_1059] {strides = array<i32>} : memref<128x32xf32, #tpu.memory_space<vmem>>, vector<16xf32>,
            tpu.vector_store %arg20[%swap3A_1058, %swap3A_1059], %mul3A_1057 {strides = array<i32>} : memref<128x32xf32, #tpu.memory_space<vmem>>, vector<16xf32>,
            %get3A_1061 = arith.index_cast %add3A_1053 : i32 to index
            %get3A_1062 = arith.constant 16 : index
            %get3A_1063 = tpu.vector_load %arg18[%get3A_1061, %get3A_1062] {strides = array<i32>} : memref<128x32xf32, #tpu.memory_space<vmem>>, vector<16xf32>,
            %mul3A_1064 = arith.mulf %get3A_1063, %gather3A_1049 : vector<16xf32>
            %swap3A_1065 = arith.index_cast %add3A_1053 : i32 to index
            %swap3A_1066 = arith.constant 16 : index
            %swap3A_1067 = tpu.vector_load %arg20[%swap3A_1065, %swap3A_1066] {strides = array<i32>} : memref<128x32xf32, #tpu.memory_space<vmem>>, vector<16xf32>,
            tpu.vector_store %arg20[%swap3A_1065, %swap3A_1066], %mul3A_1064 {strides = array<i32>} : memref<128x32xf32, #tpu.memory_space<vmem>>, vector<16xf32>,
            %broadcast_in_dim3A_1068 = arith.constant 13 : i32
            %broadcast_in_dim3A_1069 = vector.broadcast %broadcast_in_dim3A_1068 : i32 to vector<16xi32>
            %lt3A_1070 = arith.constant 0 : i32
            %lt3A_1071 = vector.broadcast %lt3A_1070 : i32 to vector<16xi32>
            %lt3A_1072 = arith.cmpi slt, %broadcast_in_dim3A_1069, %lt3A_1071 : vector<16xi32>
            %add3A_1073 = arith.constant 16 : i32
            %add3A_1074 = vector.broadcast %add3A_1073 : i32 to vector<16xi32>
            %add3A_1075 = arith.addi %broadcast_in_dim3A_1069, %add3A_1074 : vector<16xi32>
            %select_n3A_1076 = arith.select %lt3A_1072, %add3A_1075, %broadcast_in_dim3A_1069 : vector<16xi1>, vector<16xi32>
            %reshape3A_1077 = vector.shape_cast %select_n3A_1076 : vector<16xi32> to vector<16x1xi32>
            %gather3A_1078 = vector.shape_cast %reshape3A_1077 : vector<16x1xi32> to vector<16xi32>
            %gather3A_1079 = tpu.dynamic_gather %get3A_679[%gather3A_1078] in [0] : vector<16xf32>, vector<16xi32> -> vector<16xf32>
            %mul3A_1080 = arith.constant 16 : i32
            %mul3A_1081 = arith.muli %scan3A_675, %mul3A_1080 : i32
            %add3A_1082 = arith.constant 13 : i32
            %add3A_1083 = arith.addi %mul3A_1081, %add3A_1082 : i32
            %get3A_1084 = arith.index_cast %add3A_1083 : i32 to index
            %get3A_1085 = arith.constant 0 : index
            %get3A_1086 = tpu.vector_load %arg18[%get3A_1084, %get3A_1085] {strides = array<i32>} : memref<128x32xf32, #tpu.memory_space<vmem>>, vector<16xf32>,
            %mul3A_1087 = arith.mulf %get3A_1086, %gather3A_1079 : vector<16xf32>
            %swap3A_1088 = arith.index_cast %add3A_1083 : i32 to index
            %swap3A_1089 = arith.constant 0 : index
            %swap3A_1090 = tpu.vector_load %arg20[%swap3A_1088, %swap3A_1089] {strides = array<i32>} : memref<128x32xf32, #tpu.memory_space<vmem>>, vector<16xf32>,
            tpu.vector_store %arg20[%swap3A_1088, %swap3A_1089], %mul3A_1087 {strides = array<i32>} : memref<128x32xf32, #tpu.memory_space<vmem>>, vector<16xf32>,
            %get3A_1091 = arith.index_cast %add3A_1083 : i32 to index
            %get3A_1092 = arith.constant 16 : index
            %get3A_1093 = tpu.vector_load %arg18[%get3A_1091, %get3A_1092] {strides = array<i32>} : memref<128x32xf32, #tpu.memory_space<vmem>>, vector<16xf32>,
            %mul3A_1094 = arith.mulf %get3A_1093, %gather3A_1079 : vector<16xf32>
            %swap3A_1095 = arith.index_cast %add3A_1083 : i32 to index
            %swap3A_1096 = arith.constant 16 : index
            %swap3A_1097 = tpu.vector_load %arg20[%swap3A_1095, %swap3A_1096] {strides = array<i32>} : memref<128x32xf32, #tpu.memory_space<vmem>>, vector<16xf32>,
            tpu.vector_store %arg20[%swap3A_1095, %swap3A_1096], %mul3A_1094 {strides = array<i32>} : memref<128x32xf32, #tpu.memory_space<vmem>>, vector<16xf32>,
            %broadcast_in_dim3A_1098 = arith.constant 14 : i32
            %broadcast_in_dim3A_1099 = vector.broadcast %broadcast_in_dim3A_1098 : i32 to vector<16xi32>
            %lt3A_1100 = arith.constant 0 : i32
            %lt3A_1101 = vector.broadcast %lt3A_1100 : i32 to vector<16xi32>
            %lt3A_1102 = arith.cmpi slt, %broadcast_in_dim3A_1099, %lt3A_1101 : vector<16xi32>
            %add3A_1103 = arith.constant 16 : i32
            %add3A_1104 = vector.broadcast %add3A_1103 : i32 to vector<16xi32>
            %add3A_1105 = arith.addi %broadcast_in_dim3A_1099, %add3A_1104 : vector<16xi32>
            %select_n3A_1106 = arith.select %lt3A_1102, %add3A_1105, %broadcast_in_dim3A_1099 : vector<16xi1>, vector<16xi32>
            %reshape3A_1107 = vector.shape_cast %select_n3A_1106 : vector<16xi32> to vector<16x1xi32>
            %gather3A_1108 = vector.shape_cast %reshape3A_1107 : vector<16x1xi32> to vector<16xi32>
            %gather3A_1109 = tpu.dynamic_gather %get3A_679[%gather3A_1108] in [0] : vector<16xf32>, vector<16xi32> -> vector<16xf32>
            %mul3A_1110 = arith.constant 16 : i32
            %mul3A_1111 = arith.muli %scan3A_675, %mul3A_1110 : i32
            %add3A_1112 = arith.constant 14 : i32
            %add3A_1113 = arith.addi %mul3A_1111, %add3A_1112 : i32
            %get3A_1114 = arith.index_cast %add3A_1113 : i32 to index
            %get3A_1115 = arith.constant 0 : index
            %get3A_1116 = tpu.vector_load %arg18[%get3A_1114, %get3A_1115] {strides = array<i32>} : memref<128x32xf32, #tpu.memory_space<vmem>>, vector<16xf32>,
            %mul3A_1117 = arith.mulf %get3A_1116, %gather3A_1109 : vector<16xf32>
            %swap3A_1118 = arith.index_cast %add3A_1113 : i32 to index
            %swap3A_1119 = arith.constant 0 : index
            %swap3A_1120 = tpu.vector_load %arg20[%swap3A_1118, %swap3A_1119] {strides = array<i32>} : memref<128x32xf32, #tpu.memory_space<vmem>>, vector<16xf32>,
            tpu.vector_store %arg20[%swap3A_1118, %swap3A_1119], %mul3A_1117 {strides = array<i32>} : memref<128x32xf32, #tpu.memory_space<vmem>>, vector<16xf32>,
            %get3A_1121 = arith.index_cast %add3A_1113 : i32 to index
            %get3A_1122 = arith.constant 16 : index
            %get3A_1123 = tpu.vector_load %arg18[%get3A_1121, %get3A_1122] {strides = array<i32>} : memref<128x32xf32, #tpu.memory_space<vmem>>, vector<16xf32>,
            %mul3A_1124 = arith.mulf %get3A_1123, %gather3A_1109 : vector<16xf32>
            %swap3A_1125 = arith.index_cast %add3A_1113 : i32 to index
            %swap3A_1126 = arith.constant 16 : index
            %swap3A_1127 = tpu.vector_load %arg20[%swap3A_1125, %swap3A_1126] {strides = array<i32>} : memref<128x32xf32, #tpu.memory_space<vmem>>, vector<16xf32>,
            tpu.vector_store %arg20[%swap3A_1125, %swap3A_1126], %mul3A_1124 {strides = array<i32>} : memref<128x32xf32, #tpu.memory_space<vmem>>, vector<16xf32>,
            %broadcast_in_dim3A_1128 = arith.constant 15 : i32
            %broadcast_in_dim3A_1129 = vector.broadcast %broadcast_in_dim3A_1128 : i32 to vector<16xi32>
            %lt3A_1130 = arith.constant 0 : i32
            %lt3A_1131 = vector.broadcast %lt3A_1130 : i32 to vector<16xi32>
            %lt3A_1132 = arith.cmpi slt, %broadcast_in_dim3A_1129, %lt3A_1131 : vector<16xi32>
            %add3A_1133 = arith.constant 16 : i32
            %add3A_1134 = vector.broadcast %add3A_1133 : i32 to vector<16xi32>
            %add3A_1135 = arith.addi %broadcast_in_dim3A_1129, %add3A_1134 : vector<16xi32>
            %select_n3A_1136 = arith.select %lt3A_1132, %add3A_1135, %broadcast_in_dim3A_1129 : vector<16xi1>, vector<16xi32>
            %reshape3A_1137 = vector.shape_cast %select_n3A_1136 : vector<16xi32> to vector<16x1xi32>
            %gather3A_1138 = vector.shape_cast %reshape3A_1137 : vector<16x1xi32> to vector<16xi32>
            %gather3A_1139 = tpu.dynamic_gather %get3A_679[%gather3A_1138] in [0] : vector<16xf32>, vector<16xi32> -> vector<16xf32>
            %mul3A_1140 = arith.constant 16 : i32
            %mul3A_1141 = arith.muli %scan3A_675, %mul3A_1140 : i32
            %add3A_1142 = arith.constant 15 : i32
            %add3A_1143 = arith.addi %mul3A_1141, %add3A_1142 : i32
            %get3A_1144 = arith.index_cast %add3A_1143 : i32 to index
            %get3A_1145 = arith.constant 0 : index
            %get3A_1146 = tpu.vector_load %arg18[%get3A_1144, %get3A_1145] {strides = array<i32>} : memref<128x32xf32, #tpu.memory_space<vmem>>, vector<16xf32>,
            %mul3A_1147 = arith.mulf %get3A_1146, %gather3A_1139 : vector<16xf32>
            %swap3A_1148 = arith.index_cast %add3A_1143 : i32 to index
            %swap3A_1149 = arith.constant 0 : index
            %swap3A_1150 = tpu.vector_load %arg20[%swap3A_1148, %swap3A_1149] {strides = array<i32>} : memref<128x32xf32, #tpu.memory_space<vmem>>, vector<16xf32>,
            tpu.vector_store %arg20[%swap3A_1148, %swap3A_1149], %mul3A_1147 {strides = array<i32>} : memref<128x32xf32, #tpu.memory_space<vmem>>, vector<16xf32>,
            %get3A_1151 = arith.index_cast %add3A_1143 : i32 to index
            %get3A_1152 = arith.constant 16 : index
            %get3A_1153 = tpu.vector_load %arg18[%get3A_1151, %get3A_1152] {strides = array<i32>} : memref<128x32xf32, #tpu.memory_space<vmem>>, vector<16xf32>,
            %mul3A_1154 = arith.mulf %get3A_1153, %gather3A_1139 : vector<16xf32>
            %swap3A_1155 = arith.index_cast %add3A_1143 : i32 to index
            %swap3A_1156 = arith.constant 16 : index
            %swap3A_1157 = tpu.vector_load %arg20[%swap3A_1155, %swap3A_1156] {strides = array<i32>} : memref<128x32xf32, #tpu.memory_space<vmem>>, vector<16xf32>,
            tpu.vector_store %arg20[%swap3A_1155, %swap3A_1156], %mul3A_1154 {strides = array<i32>} : memref<128x32xf32, #tpu.memory_space<vmem>>, vector<16xf32>,
          }
          %scan3A_669 = arith.constant 8 : i32
          %dma_start3A_670 = arith.constant 0 : i32
          %dma_start3A_671 = arith.constant 0 : i32
          %dma_start3A_672 = tpu.memref_slice %arg25[%dma_start3A_670, %dma_start3A_671] : memref<40960x32xf32, #tpu.memory_space<vmem_shared>> -> memref<40960x32xf32, #tpu.memory_space<vmem_shared>>
          tpu.enqueue_indirect_dma source(%arg20 : memref<128x32xf32, #tpu.memory_space<vmem>>) target(%dma_start3A_672 : memref<40960x32xf32, #tpu.memory_space<vmem_shared>>) offsets(%arg24 : memref<128xi32, #tpu.memory_space<vmem>>) semaphore(%arg30 : memref<!tpu.dma_semaphore, #tpu.memory_space<semaphore_mem>>) {add = true}
          %dma_start3A_673 = arith.constant 0 : i32
          %dma_start3A_674 = tpu.memref_slice %arg26[%dma_start3A_673] : memref<40960xf32, #tpu.memory_space<vmem_shared>> -> memref<40960xf32, #tpu.memory_space<vmem_shared>>
          tpu.enqueue_indirect_dma source(%arg16 : memref<128xf32, #tpu.memory_space<vmem>>) target(%dma_start3A_674 : memref<40960xf32, #tpu.memory_space<vmem_shared>>) offsets(%arg24 : memref<128xi32, #tpu.memory_space<vmem>>) semaphore(%arg32 : memref<!tpu.dma_semaphore, #tpu.memory_space<semaphore_mem>>) {add = true}
        }
        %scan3A_44 = arith.constant 4 : i32
      }
      %scan3A_28 = arith.constant 10 : i32
    }
    %scan3A_7 = arith.constant 4 : i32
    %dma_wait3A = arith.constant 0 : i32
    %dma_wait3A_8 = arith.constant 0 : i32
    %dma_wait3A_9 = tpu.memref_slice %arg25[%dma_wait3A, %dma_wait3A_8] : memref<40960x32xf32, #tpu.memory_space<vmem_shared>> -> memref<40960x32xf32, #tpu.memory_space<vmem_shared>>
    tpu.wait_indirect_dma semaphore(%arg29 : memref<!tpu.dma_semaphore, #tpu.memory_space<semaphore_mem>>) src(%arg19 : memref<128x32xf32, #tpu.memory_space<vmem>>) dst(%dma_wait3A_9 : memref<40960x32xf32, #tpu.memory_space<vmem_shared>>)
    %dma_wait3A_10 = arith.constant 0 : i32
    %dma_wait3A_11 = tpu.memref_slice %arg26[%dma_wait3A_10] : memref<40960xf32, #tpu.memory_space<vmem_shared>> -> memref<40960xf32, #tpu.memory_space<vmem_shared>>
    tpu.wait_indirect_dma semaphore(%arg31 : memref<!tpu.dma_semaphore, #tpu.memory_space<semaphore_mem>>) src(%arg15 : memref<128xf32, #tpu.memory_space<vmem>>) dst(%dma_wait3A_11 : memref<40960xf32, #tpu.memory_space<vmem_shared>>)
    %dma_wait3A_12 = arith.constant 0 : i32
    %dma_wait3A_13 = arith.constant 0 : i32
    %dma_wait3A_14 = tpu.memref_slice %arg25[%dma_wait3A_12, %dma_wait3A_13] : memref<40960x32xf32, #tpu.memory_space<vmem_shared>> -> memref<40960x32xf32, #tpu.memory_space<vmem_shared>>
    tpu.wait_indirect_dma semaphore(%arg30 : memref<!tpu.dma_semaphore, #tpu.memory_space<semaphore_mem>>) src(%arg20 : memref<128x32xf32, #tpu.memory_space<vmem>>) dst(%dma_wait3A_14 : memref<40960x32xf32, #tpu.memory_space<vmem_shared>>)
    %dma_wait3A_15 = arith.constant 0 : i32
    %dma_wait3A_16 = tpu.memref_slice %arg26[%dma_wait3A_15] : memref<40960xf32, #tpu.memory_space<vmem_shared>> -> memref<40960xf32, #tpu.memory_space<vmem_shared>>
    tpu.wait_indirect_dma semaphore(%arg32 : memref<!tpu.dma_semaphore, #tpu.memory_space<semaphore_mem>>) src(%arg16 : memref<128xf32, #tpu.memory_space<vmem>>) dst(%dma_wait3A_16 : memref<40960xf32, #tpu.memory_space<vmem_shared>>)
    %barrier3A_17 = arith.constant 0 : index
    tpu.barrier barrier_id(%barrier3A_17)
    %eq3A_18 = arith.constant 0 : i32
    %eq3A_19 = arith.cmpi eq, %arg1, %eq3A_18 : i32
    %convert_element_type3A_20 = arith.extui %eq3A_19 : i1 to i32
    %cond3A_21 = arith.constant 0 : i32
    %cond3A_22 = arith.cmpi ne, %convert_element_type3A_20, %cond3A_21 : i32
    scf.if %cond3A_22 {
      "tpu.region"() ({
        %run_scoped3A = tpu.sem_alloc : memref<!tpu.dma_semaphore, #tpu.memory_space<semaphore_mem>>
        %dma_start3A = arith.constant 0 : i32
        %dma_start3A_23 = arith.constant 0 : i32
        %dma_start3A_24 = tpu.memref_slice %arg9[%arg0, %dma_start3A, %dma_start3A_23] : memref<2x40960x32xf32, #tpu.memory_space<hbm>> -> memref<1x40960x32xf32, #tpu.memory_space<hbm>>
        %dma_start3A_25 = tpu.memref_squeeze %dma_start3A_24 : memref<1x40960x32xf32, #tpu.memory_space<hbm>> -> memref<40960x32xf32, #tpu.memory_space<hbm>>
        tpu.enqueue_dma source(%arg25 : memref<40960x32xf32, #tpu.memory_space<vmem_shared>>) target(%dma_start3A_25 : memref<40960x32xf32, #tpu.memory_space<hbm>>) target_semaphore(%run_scoped3A : memref<!tpu.dma_semaphore, #tpu.memory_space<semaphore_mem>>)
        %dma_wait3A_26 = arith.constant 0 : i32
        %dma_wait3A_27 = arith.constant 0 : i32
        %dma_wait3A_28 = tpu.memref_slice %arg9[%arg0, %dma_wait3A_26, %dma_wait3A_27] : memref<2x40960x32xf32, #tpu.memory_space<hbm>> -> memref<1x40960x32xf32, #tpu.memory_space<hbm>>
        %dma_wait3A_29 = tpu.memref_squeeze %dma_wait3A_28 : memref<1x40960x32xf32, #tpu.memory_space<hbm>> -> memref<40960x32xf32, #tpu.memory_space<hbm>>
        tpu.wait_dma2 semaphore(%run_scoped3A : memref<!tpu.dma_semaphore, #tpu.memory_space<semaphore_mem>>) src(%arg25 : memref<40960x32xf32, #tpu.memory_space<vmem_shared>>) dst(%dma_wait3A_29 : memref<40960x32xf32, #tpu.memory_space<hbm>>)
        tpu.yield
      }) : () -> ()
      "tpu.region"() ({
        %run_scoped3A = tpu.sem_alloc : memref<!tpu.dma_semaphore, #tpu.memory_space<semaphore_mem>>
        %dma_start3A = arith.constant 0 : i32
        %dma_start3A_23 = tpu.memref_slice %arg10[%arg0, %dma_start3A] : memref<2x40960xf32, #tpu.memory_space<hbm>> -> memref<1x40960xf32, #tpu.memory_space<hbm>>
        %dma_start3A_24 = tpu.memref_squeeze %dma_start3A_23 : memref<1x40960xf32, #tpu.memory_space<hbm>> -> memref<40960xf32, #tpu.memory_space<hbm>>
        tpu.enqueue_dma source(%arg26 : memref<40960xf32, #tpu.memory_space<vmem_shared>>) target(%dma_start3A_24 : memref<40960xf32, #tpu.memory_space<hbm>>) target_semaphore(%run_scoped3A : memref<!tpu.dma_semaphore, #tpu.memory_space<semaphore_mem>>)
        %dma_wait3A_25 = arith.constant 0 : i32
        %dma_wait3A_26 = tpu.memref_slice %arg10[%arg0, %dma_wait3A_25] : memref<2x40960xf32, #tpu.memory_space<hbm>> -> memref<1x40960xf32, #tpu.memory_space<hbm>>
        %dma_wait3A_27 = tpu.memref_squeeze %dma_wait3A_26 : memref<1x40960xf32, #tpu.memory_space<hbm>> -> memref<40960xf32, #tpu.memory_space<hbm>>
        tpu.wait_dma2 semaphore(%run_scoped3A : memref<!tpu.dma_semaphore, #tpu.memory_space<semaphore_mem>>) src(%arg26 : memref<40960xf32, #tpu.memory_space<vmem_shared>>) dst(%dma_wait3A_27 : memref<40960xf32, #tpu.memory_space<hbm>>)
        tpu.yield
      }) : () -> ()
    } else {
    }
    return
  }
}

module attributes {stable_mosaic.version = 14 : i64} {
  func.func @_prep_edge_body(%arg0: i32, %arg1: memref<4x32768xf32, #tpu.memory_space<vmem>>, %arg2: memref<4x4x32xf32, #tpu.memory_space<vmem>>, %arg3: memref<4x32xf32, #tpu.memory_space<vmem>>, %arg4: memref<4x96xf32, #tpu.memory_space<vmem>>, %arg5: memref<4x32768xf32, #tpu.memory_space<vmem>>) attributes {dimension_semantics = [#tpu.dimension_semantics<arbitrary>], iteration_bounds = array<i64: 10>, scalar_prefetch = 0 : i64, scratch_operands = 0 : i64, tpu.core_type = #tpu.core_type<tc>, window_params = [{transform_indices = @transform_0, window_bounds = array<i64: 4, 32768>}, {pipeline_mode = #tpu.pipeline_mode<synchronous>, transform_indices = @transform_1, window_bounds = array<i64: 4, 4, 32>}, {pipeline_mode = #tpu.pipeline_mode<synchronous>, transform_indices = @transform_2, window_bounds = array<i64: 4, 32>}, {pipeline_mode = #tpu.pipeline_mode<synchronous>, transform_indices = @transform_3, window_bounds = array<i64: 4, 96>}, {transform_indices = @transform_4, window_bounds = array<i64: 4, 32768>}]} {
    %get3A = arith.constant 0 : index
    %get3A_0 = arith.constant 64 : index
    %get3A_1 = vector.load %arg4[%get3A, %get3A_0] : memref<4x96xf32, #tpu.memory_space<vmem>>, vector<1x32xf32>
    %get3A_2 = vector.shape_cast %get3A_1 : vector<1x32xf32> to vector<32xf32>
    %get3A_3 = arith.constant 0 : index
    %get3A_4 = arith.constant 0 : index
    %get3A_5 = vector.load %arg3[%get3A_3, %get3A_4] : memref<4x32xf32, #tpu.memory_space<vmem>>, vector<1x32xf32>
    %get3A_6 = vector.shape_cast %get3A_5 : vector<1x32xf32> to vector<32xf32>
    %mul3A = arith.mulf %get3A_6, %get3A_2 : vector<32xf32>
    %reduce_sum3A = vector.shape_cast %mul3A : vector<32xf32> to vector<1x32xf32>
    %reduce_sum3A_7 = arith.constant dense<0.000000e+00> : vector<1xf32>
    %reduce_sum3A_8 = vector.multi_reduction <add>, %reduce_sum3A, %reduce_sum3A_7 [1] : vector<1x32xf32> to vector<1xf32>
    %reduce_sum3A_9 = vector.shape_cast %reduce_sum3A_8 : vector<1xf32> to vector<1x1xf32>
    %reduce_sum3A_10 = vector.extract %reduce_sum3A_9[0, 0] : f32 from vector<1x1xf32>
    %broadcast_in_dim3A = vector.broadcast %reduce_sum3A_10 : f32 to vector<32768xf32>
    %get3A_11 = arith.constant 0 : index
    %get3A_12 = arith.constant 0 : index
    %get3A_13 = vector.load %arg1[%get3A_11, %get3A_12] : memref<4x32768xf32, #tpu.memory_space<vmem>>, vector<1x32768xf32>
    %get3A_14 = vector.shape_cast %get3A_13 : vector<1x32768xf32> to vector<32768xf32>
    %get3A_15 = arith.constant 0 : index
    %get3A_16 = arith.constant 0 : index
    %get3A_17 = arith.constant 0 : index
    %get3A_18 = vector.load %arg2[%get3A_15, %get3A_16, %get3A_17] : memref<4x4x32xf32, #tpu.memory_space<vmem>>, vector<1x1x32xf32>
    %get3A_19 = vector.shape_cast %get3A_18 : vector<1x1x32xf32> to vector<32xf32>
    %mul3A_20 = arith.mulf %get3A_19, %get3A_2 : vector<32xf32>
    %reduce_sum3A_21 = vector.shape_cast %mul3A_20 : vector<32xf32> to vector<1x32xf32>
    %reduce_sum3A_22 = arith.constant dense<0.000000e+00> : vector<1xf32>
    %reduce_sum3A_23 = vector.multi_reduction <add>, %reduce_sum3A_21, %reduce_sum3A_22 [1] : vector<1x32xf32> to vector<1xf32>
    %reduce_sum3A_24 = vector.shape_cast %reduce_sum3A_23 : vector<1xf32> to vector<1x1xf32>
    %reduce_sum3A_25 = vector.extract %reduce_sum3A_24[0, 0] : f32 from vector<1x1xf32>
    %mul3A_26 = vector.broadcast %reduce_sum3A_25 : f32 to vector<32768xf32>
    %mul3A_27 = arith.mulf %get3A_14, %mul3A_26 : vector<32768xf32>
    %add3A = arith.addf %broadcast_in_dim3A, %mul3A_27 : vector<32768xf32>
    %get3A_28 = arith.constant 1 : index
    %get3A_29 = arith.constant 0 : index
    %get3A_30 = vector.load %arg1[%get3A_28, %get3A_29] : memref<4x32768xf32, #tpu.memory_space<vmem>>, vector<1x32768xf32>
    %get3A_31 = vector.shape_cast %get3A_30 : vector<1x32768xf32> to vector<32768xf32>
    %get3A_32 = arith.constant 0 : index
    %get3A_33 = arith.constant 1 : index
    %get3A_34 = arith.constant 0 : index
    %get3A_35 = vector.load %arg2[%get3A_32, %get3A_33, %get3A_34] : memref<4x4x32xf32, #tpu.memory_space<vmem>>, vector<1x1x32xf32>
    %get3A_36 = vector.shape_cast %get3A_35 : vector<1x1x32xf32> to vector<32xf32>
    %mul3A_37 = arith.mulf %get3A_36, %get3A_2 : vector<32xf32>
    %reduce_sum3A_38 = vector.shape_cast %mul3A_37 : vector<32xf32> to vector<1x32xf32>
    %reduce_sum3A_39 = arith.constant dense<0.000000e+00> : vector<1xf32>
    %reduce_sum3A_40 = vector.multi_reduction <add>, %reduce_sum3A_38, %reduce_sum3A_39 [1] : vector<1x32xf32> to vector<1xf32>
    %reduce_sum3A_41 = vector.shape_cast %reduce_sum3A_40 : vector<1xf32> to vector<1x1xf32>
    %reduce_sum3A_42 = vector.extract %reduce_sum3A_41[0, 0] : f32 from vector<1x1xf32>
    %mul3A_43 = vector.broadcast %reduce_sum3A_42 : f32 to vector<32768xf32>
    %mul3A_44 = arith.mulf %get3A_31, %mul3A_43 : vector<32768xf32>
    %add3A_45 = arith.addf %add3A, %mul3A_44 : vector<32768xf32>
    %get3A_46 = arith.constant 2 : index
    %get3A_47 = arith.constant 0 : index
    %get3A_48 = vector.load %arg1[%get3A_46, %get3A_47] : memref<4x32768xf32, #tpu.memory_space<vmem>>, vector<1x32768xf32>
    %get3A_49 = vector.shape_cast %get3A_48 : vector<1x32768xf32> to vector<32768xf32>
    %get3A_50 = arith.constant 0 : index
    %get3A_51 = arith.constant 2 : index
    %get3A_52 = arith.constant 0 : index
    %get3A_53 = vector.load %arg2[%get3A_50, %get3A_51, %get3A_52] : memref<4x4x32xf32, #tpu.memory_space<vmem>>, vector<1x1x32xf32>
    %get3A_54 = vector.shape_cast %get3A_53 : vector<1x1x32xf32> to vector<32xf32>
    %mul3A_55 = arith.mulf %get3A_54, %get3A_2 : vector<32xf32>
    %reduce_sum3A_56 = vector.shape_cast %mul3A_55 : vector<32xf32> to vector<1x32xf32>
    %reduce_sum3A_57 = arith.constant dense<0.000000e+00> : vector<1xf32>
    %reduce_sum3A_58 = vector.multi_reduction <add>, %reduce_sum3A_56, %reduce_sum3A_57 [1] : vector<1x32xf32> to vector<1xf32>
    %reduce_sum3A_59 = vector.shape_cast %reduce_sum3A_58 : vector<1xf32> to vector<1x1xf32>
    %reduce_sum3A_60 = vector.extract %reduce_sum3A_59[0, 0] : f32 from vector<1x1xf32>
    %mul3A_61 = vector.broadcast %reduce_sum3A_60 : f32 to vector<32768xf32>
    %mul3A_62 = arith.mulf %get3A_49, %mul3A_61 : vector<32768xf32>
    %add3A_63 = arith.addf %add3A_45, %mul3A_62 : vector<32768xf32>
    %get3A_64 = arith.constant 3 : index
    %get3A_65 = arith.constant 0 : index
    %get3A_66 = vector.load %arg1[%get3A_64, %get3A_65] : memref<4x32768xf32, #tpu.memory_space<vmem>>, vector<1x32768xf32>
    %get3A_67 = vector.shape_cast %get3A_66 : vector<1x32768xf32> to vector<32768xf32>
    %get3A_68 = arith.constant 0 : index
    %get3A_69 = arith.constant 3 : index
    %get3A_70 = arith.constant 0 : index
    %get3A_71 = vector.load %arg2[%get3A_68, %get3A_69, %get3A_70] : memref<4x4x32xf32, #tpu.memory_space<vmem>>, vector<1x1x32xf32>
    %get3A_72 = vector.shape_cast %get3A_71 : vector<1x1x32xf32> to vector<32xf32>
    %mul3A_73 = arith.mulf %get3A_72, %get3A_2 : vector<32xf32>
    %reduce_sum3A_74 = vector.shape_cast %mul3A_73 : vector<32xf32> to vector<1x32xf32>
    %reduce_sum3A_75 = arith.constant dense<0.000000e+00> : vector<1xf32>
    %reduce_sum3A_76 = vector.multi_reduction <add>, %reduce_sum3A_74, %reduce_sum3A_75 [1] : vector<1x32xf32> to vector<1xf32>
    %reduce_sum3A_77 = vector.shape_cast %reduce_sum3A_76 : vector<1xf32> to vector<1x1xf32>
    %reduce_sum3A_78 = vector.extract %reduce_sum3A_77[0, 0] : f32 from vector<1x1xf32>
    %mul3A_79 = vector.broadcast %reduce_sum3A_78 : f32 to vector<32768xf32>
    %mul3A_80 = arith.mulf %get3A_67, %mul3A_79 : vector<32768xf32>
    %add3A_81 = arith.addf %add3A_63, %mul3A_80 : vector<32768xf32>
    %swap3A = arith.constant 0 : index
    %swap3A_82 = arith.constant 0 : index
    %swap3A_83 = vector.load %arg5[%swap3A, %swap3A_82] : memref<4x32768xf32, #tpu.memory_space<vmem>>, vector<1x32768xf32>
    %swap3A_84 = vector.shape_cast %swap3A_83 : vector<1x32768xf32> to vector<32768xf32>
    %swap3A_85 = vector.shape_cast %add3A_81 : vector<32768xf32> to vector<1x32768xf32>
    tpu.vector_store %arg5[%swap3A, %swap3A_82], %swap3A_85 {strides = array<i32>} : memref<4x32768xf32, #tpu.memory_space<vmem>>, vector<1x32768xf32>,
    %get3A_86 = arith.constant 1 : index
    %get3A_87 = arith.constant 64 : index
    %get3A_88 = vector.load %arg4[%get3A_86, %get3A_87] : memref<4x96xf32, #tpu.memory_space<vmem>>, vector<1x32xf32>
    %get3A_89 = vector.shape_cast %get3A_88 : vector<1x32xf32> to vector<32xf32>
    %get3A_90 = arith.constant 1 : index
    %get3A_91 = arith.constant 0 : index
    %get3A_92 = vector.load %arg3[%get3A_90, %get3A_91] : memref<4x32xf32, #tpu.memory_space<vmem>>, vector<1x32xf32>
    %get3A_93 = vector.shape_cast %get3A_92 : vector<1x32xf32> to vector<32xf32>
    %mul3A_94 = arith.mulf %get3A_93, %get3A_89 : vector<32xf32>
    %reduce_sum3A_95 = vector.shape_cast %mul3A_94 : vector<32xf32> to vector<1x32xf32>
    %reduce_sum3A_96 = arith.constant dense<0.000000e+00> : vector<1xf32>
    %reduce_sum3A_97 = vector.multi_reduction <add>, %reduce_sum3A_95, %reduce_sum3A_96 [1] : vector<1x32xf32> to vector<1xf32>
    %reduce_sum3A_98 = vector.shape_cast %reduce_sum3A_97 : vector<1xf32> to vector<1x1xf32>
    %reduce_sum3A_99 = vector.extract %reduce_sum3A_98[0, 0] : f32 from vector<1x1xf32>
    %broadcast_in_dim3A_100 = vector.broadcast %reduce_sum3A_99 : f32 to vector<32768xf32>
    %get3A_101 = arith.constant 0 : index
    %get3A_102 = arith.constant 0 : index
    %get3A_103 = vector.load %arg1[%get3A_101, %get3A_102] : memref<4x32768xf32, #tpu.memory_space<vmem>>, vector<1x32768xf32>
    %get3A_104 = vector.shape_cast %get3A_103 : vector<1x32768xf32> to vector<32768xf32>
    %get3A_105 = arith.constant 1 : index
    %get3A_106 = arith.constant 0 : index
    %get3A_107 = arith.constant 0 : index
    %get3A_108 = vector.load %arg2[%get3A_105, %get3A_106, %get3A_107] : memref<4x4x32xf32, #tpu.memory_space<vmem>>, vector<1x1x32xf32>
    %get3A_109 = vector.shape_cast %get3A_108 : vector<1x1x32xf32> to vector<32xf32>
    %mul3A_110 = arith.mulf %get3A_109, %get3A_89 : vector<32xf32>
    %reduce_sum3A_111 = vector.shape_cast %mul3A_110 : vector<32xf32> to vector<1x32xf32>
    %reduce_sum3A_112 = arith.constant dense<0.000000e+00> : vector<1xf32>
    %reduce_sum3A_113 = vector.multi_reduction <add>, %reduce_sum3A_111, %reduce_sum3A_112 [1] : vector<1x32xf32> to vector<1xf32>
    %reduce_sum3A_114 = vector.shape_cast %reduce_sum3A_113 : vector<1xf32> to vector<1x1xf32>
    %reduce_sum3A_115 = vector.extract %reduce_sum3A_114[0, 0] : f32 from vector<1x1xf32>
    %mul3A_116 = vector.broadcast %reduce_sum3A_115 : f32 to vector<32768xf32>
    %mul3A_117 = arith.mulf %get3A_104, %mul3A_116 : vector<32768xf32>
    %add3A_118 = arith.addf %broadcast_in_dim3A_100, %mul3A_117 : vector<32768xf32>
    %get3A_119 = arith.constant 1 : index
    %get3A_120 = arith.constant 0 : index
    %get3A_121 = vector.load %arg1[%get3A_119, %get3A_120] : memref<4x32768xf32, #tpu.memory_space<vmem>>, vector<1x32768xf32>
    %get3A_122 = vector.shape_cast %get3A_121 : vector<1x32768xf32> to vector<32768xf32>
    %get3A_123 = arith.constant 1 : index
    %get3A_124 = arith.constant 1 : index
    %get3A_125 = arith.constant 0 : index
    %get3A_126 = vector.load %arg2[%get3A_123, %get3A_124, %get3A_125] : memref<4x4x32xf32, #tpu.memory_space<vmem>>, vector<1x1x32xf32>
    %get3A_127 = vector.shape_cast %get3A_126 : vector<1x1x32xf32> to vector<32xf32>
    %mul3A_128 = arith.mulf %get3A_127, %get3A_89 : vector<32xf32>
    %reduce_sum3A_129 = vector.shape_cast %mul3A_128 : vector<32xf32> to vector<1x32xf32>
    %reduce_sum3A_130 = arith.constant dense<0.000000e+00> : vector<1xf32>
    %reduce_sum3A_131 = vector.multi_reduction <add>, %reduce_sum3A_129, %reduce_sum3A_130 [1] : vector<1x32xf32> to vector<1xf32>
    %reduce_sum3A_132 = vector.shape_cast %reduce_sum3A_131 : vector<1xf32> to vector<1x1xf32>
    %reduce_sum3A_133 = vector.extract %reduce_sum3A_132[0, 0] : f32 from vector<1x1xf32>
    %mul3A_134 = vector.broadcast %reduce_sum3A_133 : f32 to vector<32768xf32>
    %mul3A_135 = arith.mulf %get3A_122, %mul3A_134 : vector<32768xf32>
    %add3A_136 = arith.addf %add3A_118, %mul3A_135 : vector<32768xf32>
    %get3A_137 = arith.constant 2 : index
    %get3A_138 = arith.constant 0 : index
    %get3A_139 = vector.load %arg1[%get3A_137, %get3A_138] : memref<4x32768xf32, #tpu.memory_space<vmem>>, vector<1x32768xf32>
    %get3A_140 = vector.shape_cast %get3A_139 : vector<1x32768xf32> to vector<32768xf32>
    %get3A_141 = arith.constant 1 : index
    %get3A_142 = arith.constant 2 : index
    %get3A_143 = arith.constant 0 : index
    %get3A_144 = vector.load %arg2[%get3A_141, %get3A_142, %get3A_143] : memref<4x4x32xf32, #tpu.memory_space<vmem>>, vector<1x1x32xf32>
    %get3A_145 = vector.shape_cast %get3A_144 : vector<1x1x32xf32> to vector<32xf32>
    %mul3A_146 = arith.mulf %get3A_145, %get3A_89 : vector<32xf32>
    %reduce_sum3A_147 = vector.shape_cast %mul3A_146 : vector<32xf32> to vector<1x32xf32>
    %reduce_sum3A_148 = arith.constant dense<0.000000e+00> : vector<1xf32>
    %reduce_sum3A_149 = vector.multi_reduction <add>, %reduce_sum3A_147, %reduce_sum3A_148 [1] : vector<1x32xf32> to vector<1xf32>
    %reduce_sum3A_150 = vector.shape_cast %reduce_sum3A_149 : vector<1xf32> to vector<1x1xf32>
    %reduce_sum3A_151 = vector.extract %reduce_sum3A_150[0, 0] : f32 from vector<1x1xf32>
    %mul3A_152 = vector.broadcast %reduce_sum3A_151 : f32 to vector<32768xf32>
    %mul3A_153 = arith.mulf %get3A_140, %mul3A_152 : vector<32768xf32>
    %add3A_154 = arith.addf %add3A_136, %mul3A_153 : vector<32768xf32>
    %get3A_155 = arith.constant 3 : index
    %get3A_156 = arith.constant 0 : index
    %get3A_157 = vector.load %arg1[%get3A_155, %get3A_156] : memref<4x32768xf32, #tpu.memory_space<vmem>>, vector<1x32768xf32>
    %get3A_158 = vector.shape_cast %get3A_157 : vector<1x32768xf32> to vector<32768xf32>
    %get3A_159 = arith.constant 1 : index
    %get3A_160 = arith.constant 3 : index
    %get3A_161 = arith.constant 0 : index
    %get3A_162 = vector.load %arg2[%get3A_159, %get3A_160, %get3A_161] : memref<4x4x32xf32, #tpu.memory_space<vmem>>, vector<1x1x32xf32>
    %get3A_163 = vector.shape_cast %get3A_162 : vector<1x1x32xf32> to vector<32xf32>
    %mul3A_164 = arith.mulf %get3A_163, %get3A_89 : vector<32xf32>
    %reduce_sum3A_165 = vector.shape_cast %mul3A_164 : vector<32xf32> to vector<1x32xf32>
    %reduce_sum3A_166 = arith.constant dense<0.000000e+00> : vector<1xf32>
    %reduce_sum3A_167 = vector.multi_reduction <add>, %reduce_sum3A_165, %reduce_sum3A_166 [1] : vector<1x32xf32> to vector<1xf32>
    %reduce_sum3A_168 = vector.shape_cast %reduce_sum3A_167 : vector<1xf32> to vector<1x1xf32>
    %reduce_sum3A_169 = vector.extract %reduce_sum3A_168[0, 0] : f32 from vector<1x1xf32>
    %mul3A_170 = vector.broadcast %reduce_sum3A_169 : f32 to vector<32768xf32>
    %mul3A_171 = arith.mulf %get3A_158, %mul3A_170 : vector<32768xf32>
    %add3A_172 = arith.addf %add3A_154, %mul3A_171 : vector<32768xf32>
    %swap3A_173 = arith.constant 1 : index
    %swap3A_174 = arith.constant 0 : index
    %swap3A_175 = vector.load %arg5[%swap3A_173, %swap3A_174] : memref<4x32768xf32, #tpu.memory_space<vmem>>, vector<1x32768xf32>
    %swap3A_176 = vector.shape_cast %swap3A_175 : vector<1x32768xf32> to vector<32768xf32>
    %swap3A_177 = vector.shape_cast %add3A_172 : vector<32768xf32> to vector<1x32768xf32>
    tpu.vector_store %arg5[%swap3A_173, %swap3A_174], %swap3A_177 {strides = array<i32>} : memref<4x32768xf32, #tpu.memory_space<vmem>>, vector<1x32768xf32>,
    %get3A_178 = arith.constant 2 : index
    %get3A_179 = arith.constant 64 : index
    %get3A_180 = vector.load %arg4[%get3A_178, %get3A_179] : memref<4x96xf32, #tpu.memory_space<vmem>>, vector<1x32xf32>
    %get3A_181 = vector.shape_cast %get3A_180 : vector<1x32xf32> to vector<32xf32>
    %get3A_182 = arith.constant 2 : index
    %get3A_183 = arith.constant 0 : index
    %get3A_184 = vector.load %arg3[%get3A_182, %get3A_183] : memref<4x32xf32, #tpu.memory_space<vmem>>, vector<1x32xf32>
    %get3A_185 = vector.shape_cast %get3A_184 : vector<1x32xf32> to vector<32xf32>
    %mul3A_186 = arith.mulf %get3A_185, %get3A_181 : vector<32xf32>
    %reduce_sum3A_187 = vector.shape_cast %mul3A_186 : vector<32xf32> to vector<1x32xf32>
    %reduce_sum3A_188 = arith.constant dense<0.000000e+00> : vector<1xf32>
    %reduce_sum3A_189 = vector.multi_reduction <add>, %reduce_sum3A_187, %reduce_sum3A_188 [1] : vector<1x32xf32> to vector<1xf32>
    %reduce_sum3A_190 = vector.shape_cast %reduce_sum3A_189 : vector<1xf32> to vector<1x1xf32>
    %reduce_sum3A_191 = vector.extract %reduce_sum3A_190[0, 0] : f32 from vector<1x1xf32>
    %broadcast_in_dim3A_192 = vector.broadcast %reduce_sum3A_191 : f32 to vector<32768xf32>
    %get3A_193 = arith.constant 0 : index
    %get3A_194 = arith.constant 0 : index
    %get3A_195 = vector.load %arg1[%get3A_193, %get3A_194] : memref<4x32768xf32, #tpu.memory_space<vmem>>, vector<1x32768xf32>
    %get3A_196 = vector.shape_cast %get3A_195 : vector<1x32768xf32> to vector<32768xf32>
    %get3A_197 = arith.constant 2 : index
    %get3A_198 = arith.constant 0 : index
    %get3A_199 = arith.constant 0 : index
    %get3A_200 = vector.load %arg2[%get3A_197, %get3A_198, %get3A_199] : memref<4x4x32xf32, #tpu.memory_space<vmem>>, vector<1x1x32xf32>
    %get3A_201 = vector.shape_cast %get3A_200 : vector<1x1x32xf32> to vector<32xf32>
    %mul3A_202 = arith.mulf %get3A_201, %get3A_181 : vector<32xf32>
    %reduce_sum3A_203 = vector.shape_cast %mul3A_202 : vector<32xf32> to vector<1x32xf32>
    %reduce_sum3A_204 = arith.constant dense<0.000000e+00> : vector<1xf32>
    %reduce_sum3A_205 = vector.multi_reduction <add>, %reduce_sum3A_203, %reduce_sum3A_204 [1] : vector<1x32xf32> to vector<1xf32>
    %reduce_sum3A_206 = vector.shape_cast %reduce_sum3A_205 : vector<1xf32> to vector<1x1xf32>
    %reduce_sum3A_207 = vector.extract %reduce_sum3A_206[0, 0] : f32 from vector<1x1xf32>
    %mul3A_208 = vector.broadcast %reduce_sum3A_207 : f32 to vector<32768xf32>
    %mul3A_209 = arith.mulf %get3A_196, %mul3A_208 : vector<32768xf32>
    %add3A_210 = arith.addf %broadcast_in_dim3A_192, %mul3A_209 : vector<32768xf32>
    %get3A_211 = arith.constant 1 : index
    %get3A_212 = arith.constant 0 : index
    %get3A_213 = vector.load %arg1[%get3A_211, %get3A_212] : memref<4x32768xf32, #tpu.memory_space<vmem>>, vector<1x32768xf32>
    %get3A_214 = vector.shape_cast %get3A_213 : vector<1x32768xf32> to vector<32768xf32>
    %get3A_215 = arith.constant 2 : index
    %get3A_216 = arith.constant 1 : index
    %get3A_217 = arith.constant 0 : index
    %get3A_218 = vector.load %arg2[%get3A_215, %get3A_216, %get3A_217] : memref<4x4x32xf32, #tpu.memory_space<vmem>>, vector<1x1x32xf32>
    %get3A_219 = vector.shape_cast %get3A_218 : vector<1x1x32xf32> to vector<32xf32>
    %mul3A_220 = arith.mulf %get3A_219, %get3A_181 : vector<32xf32>
    %reduce_sum3A_221 = vector.shape_cast %mul3A_220 : vector<32xf32> to vector<1x32xf32>
    %reduce_sum3A_222 = arith.constant dense<0.000000e+00> : vector<1xf32>
    %reduce_sum3A_223 = vector.multi_reduction <add>, %reduce_sum3A_221, %reduce_sum3A_222 [1] : vector<1x32xf32> to vector<1xf32>
    %reduce_sum3A_224 = vector.shape_cast %reduce_sum3A_223 : vector<1xf32> to vector<1x1xf32>
    %reduce_sum3A_225 = vector.extract %reduce_sum3A_224[0, 0] : f32 from vector<1x1xf32>
    %mul3A_226 = vector.broadcast %reduce_sum3A_225 : f32 to vector<32768xf32>
    %mul3A_227 = arith.mulf %get3A_214, %mul3A_226 : vector<32768xf32>
    %add3A_228 = arith.addf %add3A_210, %mul3A_227 : vector<32768xf32>
    %get3A_229 = arith.constant 2 : index
    %get3A_230 = arith.constant 0 : index
    %get3A_231 = vector.load %arg1[%get3A_229, %get3A_230] : memref<4x32768xf32, #tpu.memory_space<vmem>>, vector<1x32768xf32>
    %get3A_232 = vector.shape_cast %get3A_231 : vector<1x32768xf32> to vector<32768xf32>
    %get3A_233 = arith.constant 2 : index
    %get3A_234 = arith.constant 2 : index
    %get3A_235 = arith.constant 0 : index
    %get3A_236 = vector.load %arg2[%get3A_233, %get3A_234, %get3A_235] : memref<4x4x32xf32, #tpu.memory_space<vmem>>, vector<1x1x32xf32>
    %get3A_237 = vector.shape_cast %get3A_236 : vector<1x1x32xf32> to vector<32xf32>
    %mul3A_238 = arith.mulf %get3A_237, %get3A_181 : vector<32xf32>
    %reduce_sum3A_239 = vector.shape_cast %mul3A_238 : vector<32xf32> to vector<1x32xf32>
    %reduce_sum3A_240 = arith.constant dense<0.000000e+00> : vector<1xf32>
    %reduce_sum3A_241 = vector.multi_reduction <add>, %reduce_sum3A_239, %reduce_sum3A_240 [1] : vector<1x32xf32> to vector<1xf32>
    %reduce_sum3A_242 = vector.shape_cast %reduce_sum3A_241 : vector<1xf32> to vector<1x1xf32>
    %reduce_sum3A_243 = vector.extract %reduce_sum3A_242[0, 0] : f32 from vector<1x1xf32>
    %mul3A_244 = vector.broadcast %reduce_sum3A_243 : f32 to vector<32768xf32>
    %mul3A_245 = arith.mulf %get3A_232, %mul3A_244 : vector<32768xf32>
    %add3A_246 = arith.addf %add3A_228, %mul3A_245 : vector<32768xf32>
    %get3A_247 = arith.constant 3 : index
    %get3A_248 = arith.constant 0 : index
    %get3A_249 = vector.load %arg1[%get3A_247, %get3A_248] : memref<4x32768xf32, #tpu.memory_space<vmem>>, vector<1x32768xf32>
    %get3A_250 = vector.shape_cast %get3A_249 : vector<1x32768xf32> to vector<32768xf32>
    %get3A_251 = arith.constant 2 : index
    %get3A_252 = arith.constant 3 : index
    %get3A_253 = arith.constant 0 : index
    %get3A_254 = vector.load %arg2[%get3A_251, %get3A_252, %get3A_253] : memref<4x4x32xf32, #tpu.memory_space<vmem>>, vector<1x1x32xf32>
    %get3A_255 = vector.shape_cast %get3A_254 : vector<1x1x32xf32> to vector<32xf32>
    %mul3A_256 = arith.mulf %get3A_255, %get3A_181 : vector<32xf32>
    %reduce_sum3A_257 = vector.shape_cast %mul3A_256 : vector<32xf32> to vector<1x32xf32>
    %reduce_sum3A_258 = arith.constant dense<0.000000e+00> : vector<1xf32>
    %reduce_sum3A_259 = vector.multi_reduction <add>, %reduce_sum3A_257, %reduce_sum3A_258 [1] : vector<1x32xf32> to vector<1xf32>
    %reduce_sum3A_260 = vector.shape_cast %reduce_sum3A_259 : vector<1xf32> to vector<1x1xf32>
    %reduce_sum3A_261 = vector.extract %reduce_sum3A_260[0, 0] : f32 from vector<1x1xf32>
    %mul3A_262 = vector.broadcast %reduce_sum3A_261 : f32 to vector<32768xf32>
    %mul3A_263 = arith.mulf %get3A_250, %mul3A_262 : vector<32768xf32>
    %add3A_264 = arith.addf %add3A_246, %mul3A_263 : vector<32768xf32>
    %swap3A_265 = arith.constant 2 : index
    %swap3A_266 = arith.constant 0 : index
    %swap3A_267 = vector.load %arg5[%swap3A_265, %swap3A_266] : memref<4x32768xf32, #tpu.memory_space<vmem>>, vector<1x32768xf32>
    %swap3A_268 = vector.shape_cast %swap3A_267 : vector<1x32768xf32> to vector<32768xf32>
    %swap3A_269 = vector.shape_cast %add3A_264 : vector<32768xf32> to vector<1x32768xf32>
    tpu.vector_store %arg5[%swap3A_265, %swap3A_266], %swap3A_269 {strides = array<i32>} : memref<4x32768xf32, #tpu.memory_space<vmem>>, vector<1x32768xf32>,
    %get3A_270 = arith.constant 3 : index
    %get3A_271 = arith.constant 64 : index
    %get3A_272 = vector.load %arg4[%get3A_270, %get3A_271] : memref<4x96xf32, #tpu.memory_space<vmem>>, vector<1x32xf32>
    %get3A_273 = vector.shape_cast %get3A_272 : vector<1x32xf32> to vector<32xf32>
    %get3A_274 = arith.constant 3 : index
    %get3A_275 = arith.constant 0 : index
    %get3A_276 = vector.load %arg3[%get3A_274, %get3A_275] : memref<4x32xf32, #tpu.memory_space<vmem>>, vector<1x32xf32>
    %get3A_277 = vector.shape_cast %get3A_276 : vector<1x32xf32> to vector<32xf32>
    %mul3A_278 = arith.mulf %get3A_277, %get3A_273 : vector<32xf32>
    %reduce_sum3A_279 = vector.shape_cast %mul3A_278 : vector<32xf32> to vector<1x32xf32>
    %reduce_sum3A_280 = arith.constant dense<0.000000e+00> : vector<1xf32>
    %reduce_sum3A_281 = vector.multi_reduction <add>, %reduce_sum3A_279, %reduce_sum3A_280 [1] : vector<1x32xf32> to vector<1xf32>
    %reduce_sum3A_282 = vector.shape_cast %reduce_sum3A_281 : vector<1xf32> to vector<1x1xf32>
    %reduce_sum3A_283 = vector.extract %reduce_sum3A_282[0, 0] : f32 from vector<1x1xf32>
    %broadcast_in_dim3A_284 = vector.broadcast %reduce_sum3A_283 : f32 to vector<32768xf32>
    %get3A_285 = arith.constant 0 : index
    %get3A_286 = arith.constant 0 : index
    %get3A_287 = vector.load %arg1[%get3A_285, %get3A_286] : memref<4x32768xf32, #tpu.memory_space<vmem>>, vector<1x32768xf32>
    %get3A_288 = vector.shape_cast %get3A_287 : vector<1x32768xf32> to vector<32768xf32>
    %get3A_289 = arith.constant 3 : index
    %get3A_290 = arith.constant 0 : index
    %get3A_291 = arith.constant 0 : index
    %get3A_292 = vector.load %arg2[%get3A_289, %get3A_290, %get3A_291] : memref<4x4x32xf32, #tpu.memory_space<vmem>>, vector<1x1x32xf32>
    %get3A_293 = vector.shape_cast %get3A_292 : vector<1x1x32xf32> to vector<32xf32>
    %mul3A_294 = arith.mulf %get3A_293, %get3A_273 : vector<32xf32>
    %reduce_sum3A_295 = vector.shape_cast %mul3A_294 : vector<32xf32> to vector<1x32xf32>
    %reduce_sum3A_296 = arith.constant dense<0.000000e+00> : vector<1xf32>
    %reduce_sum3A_297 = vector.multi_reduction <add>, %reduce_sum3A_295, %reduce_sum3A_296 [1] : vector<1x32xf32> to vector<1xf32>
    %reduce_sum3A_298 = vector.shape_cast %reduce_sum3A_297 : vector<1xf32> to vector<1x1xf32>
    %reduce_sum3A_299 = vector.extract %reduce_sum3A_298[0, 0] : f32 from vector<1x1xf32>
    %mul3A_300 = vector.broadcast %reduce_sum3A_299 : f32 to vector<32768xf32>
    %mul3A_301 = arith.mulf %get3A_288, %mul3A_300 : vector<32768xf32>
    %add3A_302 = arith.addf %broadcast_in_dim3A_284, %mul3A_301 : vector<32768xf32>
    %get3A_303 = arith.constant 1 : index
    %get3A_304 = arith.constant 0 : index
    %get3A_305 = vector.load %arg1[%get3A_303, %get3A_304] : memref<4x32768xf32, #tpu.memory_space<vmem>>, vector<1x32768xf32>
    %get3A_306 = vector.shape_cast %get3A_305 : vector<1x32768xf32> to vector<32768xf32>
    %get3A_307 = arith.constant 3 : index
    %get3A_308 = arith.constant 1 : index
    %get3A_309 = arith.constant 0 : index
    %get3A_310 = vector.load %arg2[%get3A_307, %get3A_308, %get3A_309] : memref<4x4x32xf32, #tpu.memory_space<vmem>>, vector<1x1x32xf32>
    %get3A_311 = vector.shape_cast %get3A_310 : vector<1x1x32xf32> to vector<32xf32>
    %mul3A_312 = arith.mulf %get3A_311, %get3A_273 : vector<32xf32>
    %reduce_sum3A_313 = vector.shape_cast %mul3A_312 : vector<32xf32> to vector<1x32xf32>
    %reduce_sum3A_314 = arith.constant dense<0.000000e+00> : vector<1xf32>
    %reduce_sum3A_315 = vector.multi_reduction <add>, %reduce_sum3A_313, %reduce_sum3A_314 [1] : vector<1x32xf32> to vector<1xf32>
    %reduce_sum3A_316 = vector.shape_cast %reduce_sum3A_315 : vector<1xf32> to vector<1x1xf32>
    %reduce_sum3A_317 = vector.extract %reduce_sum3A_316[0, 0] : f32 from vector<1x1xf32>
    %mul3A_318 = vector.broadcast %reduce_sum3A_317 : f32 to vector<32768xf32>
    %mul3A_319 = arith.mulf %get3A_306, %mul3A_318 : vector<32768xf32>
    %add3A_320 = arith.addf %add3A_302, %mul3A_319 : vector<32768xf32>
    %get3A_321 = arith.constant 2 : index
    %get3A_322 = arith.constant 0 : index
    %get3A_323 = vector.load %arg1[%get3A_321, %get3A_322] : memref<4x32768xf32, #tpu.memory_space<vmem>>, vector<1x32768xf32>
    %get3A_324 = vector.shape_cast %get3A_323 : vector<1x32768xf32> to vector<32768xf32>
    %get3A_325 = arith.constant 3 : index
    %get3A_326 = arith.constant 2 : index
    %get3A_327 = arith.constant 0 : index
    %get3A_328 = vector.load %arg2[%get3A_325, %get3A_326, %get3A_327] : memref<4x4x32xf32, #tpu.memory_space<vmem>>, vector<1x1x32xf32>
    %get3A_329 = vector.shape_cast %get3A_328 : vector<1x1x32xf32> to vector<32xf32>
    %mul3A_330 = arith.mulf %get3A_329, %get3A_273 : vector<32xf32>
    %reduce_sum3A_331 = vector.shape_cast %mul3A_330 : vector<32xf32> to vector<1x32xf32>
    %reduce_sum3A_332 = arith.constant dense<0.000000e+00> : vector<1xf32>
    %reduce_sum3A_333 = vector.multi_reduction <add>, %reduce_sum3A_331, %reduce_sum3A_332 [1] : vector<1x32xf32> to vector<1xf32>
    %reduce_sum3A_334 = vector.shape_cast %reduce_sum3A_333 : vector<1xf32> to vector<1x1xf32>
    %reduce_sum3A_335 = vector.extract %reduce_sum3A_334[0, 0] : f32 from vector<1x1xf32>
    %mul3A_336 = vector.broadcast %reduce_sum3A_335 : f32 to vector<32768xf32>
    %mul3A_337 = arith.mulf %get3A_324, %mul3A_336 : vector<32768xf32>
    %add3A_338 = arith.addf %add3A_320, %mul3A_337 : vector<32768xf32>
    %get3A_339 = arith.constant 3 : index
    %get3A_340 = arith.constant 0 : index
    %get3A_341 = vector.load %arg1[%get3A_339, %get3A_340] : memref<4x32768xf32, #tpu.memory_space<vmem>>, vector<1x32768xf32>
    %get3A_342 = vector.shape_cast %get3A_341 : vector<1x32768xf32> to vector<32768xf32>
    %get3A_343 = arith.constant 3 : index
    %get3A_344 = arith.constant 3 : index
    %get3A_345 = arith.constant 0 : index
    %get3A_346 = vector.load %arg2[%get3A_343, %get3A_344, %get3A_345] : memref<4x4x32xf32, #tpu.memory_space<vmem>>, vector<1x1x32xf32>
    %get3A_347 = vector.shape_cast %get3A_346 : vector<1x1x32xf32> to vector<32xf32>
    %mul3A_348 = arith.mulf %get3A_347, %get3A_273 : vector<32xf32>
    %reduce_sum3A_349 = vector.shape_cast %mul3A_348 : vector<32xf32> to vector<1x32xf32>
    %reduce_sum3A_350 = arith.constant dense<0.000000e+00> : vector<1xf32>
    %reduce_sum3A_351 = vector.multi_reduction <add>, %reduce_sum3A_349, %reduce_sum3A_350 [1] : vector<1x32xf32> to vector<1xf32>
    %reduce_sum3A_352 = vector.shape_cast %reduce_sum3A_351 : vector<1xf32> to vector<1x1xf32>
    %reduce_sum3A_353 = vector.extract %reduce_sum3A_352[0, 0] : f32 from vector<1x1xf32>
    %mul3A_354 = vector.broadcast %reduce_sum3A_353 : f32 to vector<32768xf32>
    %mul3A_355 = arith.mulf %get3A_342, %mul3A_354 : vector<32768xf32>
    %add3A_356 = arith.addf %add3A_338, %mul3A_355 : vector<32768xf32>
    %swap3A_357 = arith.constant 3 : index
    %swap3A_358 = arith.constant 0 : index
    %swap3A_359 = vector.load %arg5[%swap3A_357, %swap3A_358] : memref<4x32768xf32, #tpu.memory_space<vmem>>, vector<1x32768xf32>
    %swap3A_360 = vector.shape_cast %swap3A_359 : vector<1x32768xf32> to vector<32768xf32>
    %swap3A_361 = vector.shape_cast %add3A_356 : vector<32768xf32> to vector<1x32768xf32>
    tpu.vector_store %arg5[%swap3A_357, %swap3A_358], %swap3A_361 {strides = array<i32>} : memref<4x32768xf32, #tpu.memory_space<vmem>>, vector<1x32768xf32>,
    return
  }
  func.func @transform_0(%arg0: i32) -> (i32, i32) {
    %c0_i32 = arith.constant 0 : i32
    %c0_i32_0 = arith.constant 0 : i32
    return %c0_i32, %arg0 : i32, i32
  }
  func.func @transform_1(%arg0: i32) -> (i32, i32, i32) {
    %c0_i32 = arith.constant 0 : i32
    %c0_i32_0 = arith.constant 0 : i32
    %c0_i32_1 = arith.constant 0 : i32
    %c0_i32_2 = arith.constant 0 : i32
    return %c0_i32, %c0_i32_0, %c0_i32_1 : i32, i32, i32
  }
  func.func @transform_2(%arg0: i32) -> (i32, i32) {
    %c0_i32 = arith.constant 0 : i32
    %c0_i32_0 = arith.constant 0 : i32
    %c0_i32_1 = arith.constant 0 : i32
    return %c0_i32, %c0_i32_0 : i32, i32
  }
  func.func @transform_3(%arg0: i32) -> (i32, i32) {
    %c0_i32 = arith.constant 0 : i32
    %c0_i32_0 = arith.constant 0 : i32
    %c0_i32_1 = arith.constant 0 : i32
    return %c0_i32, %c0_i32_0 : i32, i32
  }
  func.func @transform_4(%arg0: i32) -> (i32, i32) {
    %c0_i32 = arith.constant 0 : i32
    %c0_i32_0 = arith.constant 0 : i32
    return %c0_i32, %arg0 : i32, i32
  }
}

module attributes {stable_mosaic.version = 14 : i64} {
  func.func @_prep_node_body(%arg0: i32, %arg1: memref<1024x128xf32, #tpu.memory_space<vmem>>, %arg2: memref<4x128x32xf32, #tpu.memory_space<vmem>>, %arg3: memref<4x96xf32, #tpu.memory_space<vmem>>, %arg4: memref<4x1024x32xf32, #tpu.memory_space<vmem>>, %arg5: memref<4x1024xf32, #tpu.memory_space<vmem>>, %arg6: memref<4x1024xf32, #tpu.memory_space<vmem>>) attributes {dimension_semantics = [#tpu.dimension_semantics<arbitrary>], iteration_bounds = array<i64: 10>, scalar_prefetch = 0 : i64, scratch_operands = 0 : i64, tpu.core_type = #tpu.core_type<tc>, window_params = [{transform_indices = @transform_0, window_bounds = array<i64: 1024, 128>}, {pipeline_mode = #tpu.pipeline_mode<synchronous>, transform_indices = @transform_1, window_bounds = array<i64: 4, 128, 32>}, {pipeline_mode = #tpu.pipeline_mode<synchronous>, transform_indices = @transform_2, window_bounds = array<i64: 4, 96>}, {transform_indices = @transform_3, window_bounds = array<i64: 4, 1024, 32>}, {transform_indices = @transform_4, window_bounds = array<i64: 4, 1024>}, {transform_indices = @transform_5, window_bounds = array<i64: 4, 1024>}]} {
    %get3A = arith.constant 0 : index
    %get3A_0 = arith.constant 0 : index
    %get3A_1 = vector.load %arg1[%get3A, %get3A_0] : memref<1024x128xf32, #tpu.memory_space<vmem>>, vector<1024x128xf32>
    %get3A_2 = arith.constant 0 : index
    %get3A_3 = arith.constant 0 : index
    %get3A_4 = arith.constant 0 : index
    %get3A_5 = vector.load %arg2[%get3A_2, %get3A_3, %get3A_4] : memref<4x128x32xf32, #tpu.memory_space<vmem>>, vector<1x128x32xf32>
    %get3A_6 = vector.shape_cast %get3A_5 : vector<1x128x32xf32> to vector<128x32xf32>
    %dot_general3A = arith.constant dense<0.000000e+00> : vector<1024x32xf32>
    %dot_general3A_7 = tpu.matmul %get3A_1, %get3A_6, %dot_general3A {dimension_numbers = #tpu.dot_dimension_numbers<[1], [0], [0], [1], [0, 0, 1, 1], [], []>, transpose_lhs_hint = false} : vector<1024x128xf32>, vector<128x32xf32>, vector<1024x32xf32> -> vector<1024x32xf32>
    %swap3A = arith.constant 0 : index
    %swap3A_8 = arith.constant 0 : index
    %swap3A_9 = arith.constant 0 : index
    %swap3A_10 = vector.load %arg4[%swap3A, %swap3A_8, %swap3A_9] : memref<4x1024x32xf32, #tpu.memory_space<vmem>>, vector<1x1024x32xf32>
    %swap3A_11 = vector.shape_cast %swap3A_10 : vector<1x1024x32xf32> to vector<1024x32xf32>
    %swap3A_12 = vector.shape_cast %dot_general3A_7 : vector<1024x32xf32> to vector<1x1024x32xf32>
    tpu.vector_store %arg4[%swap3A, %swap3A_8, %swap3A_9], %swap3A_12 {strides = array<i32>} : memref<4x1024x32xf32, #tpu.memory_space<vmem>>, vector<1x1024x32xf32>,
    %get3A_13 = arith.constant 0 : index
    %get3A_14 = arith.constant 0 : index
    %get3A_15 = vector.load %arg3[%get3A_13, %get3A_14] : memref<4x96xf32, #tpu.memory_space<vmem>>, vector<1x32xf32>
    %get3A_16 = vector.shape_cast %get3A_15 : vector<1x32xf32> to vector<32xf32>
    %get3A_17 = arith.constant 0 : index
    %get3A_18 = arith.constant 32 : index
    %get3A_19 = vector.load %arg3[%get3A_17, %get3A_18] : memref<4x96xf32, #tpu.memory_space<vmem>>, vector<1x32xf32>
    %get3A_20 = vector.shape_cast %get3A_19 : vector<1x32xf32> to vector<32xf32>
    %broadcast_in_dim3A = vector.shape_cast %get3A_16 : vector<32xf32> to vector<1x32xf32>
    %mul3A = vector.broadcast %broadcast_in_dim3A : vector<1x32xf32> to vector<1024x32xf32>
    %mul3A_21 = arith.mulf %dot_general3A_7, %mul3A : vector<1024x32xf32>
    %reduce_sum3A = arith.constant dense<0.000000e+00> : vector<1024xf32>
    %reduce_sum3A_22 = vector.multi_reduction <add>, %mul3A_21, %reduce_sum3A [1] : vector<1024x32xf32> to vector<1024xf32>
    %swap3A_23 = arith.constant 0 : index
    %swap3A_24 = arith.constant 0 : index
    %swap3A_25 = vector.load %arg5[%swap3A_23, %swap3A_24] : memref<4x1024xf32, #tpu.memory_space<vmem>>, vector<1x1024xf32>
    %swap3A_26 = vector.shape_cast %swap3A_25 : vector<1x1024xf32> to vector<1024xf32>
    %swap3A_27 = vector.shape_cast %reduce_sum3A_22 : vector<1024xf32> to vector<1x1024xf32>
    tpu.vector_store %arg5[%swap3A_23, %swap3A_24], %swap3A_27 {strides = array<i32>} : memref<4x1024xf32, #tpu.memory_space<vmem>>, vector<1x1024xf32>,
    %broadcast_in_dim3A_28 = vector.shape_cast %get3A_20 : vector<32xf32> to vector<1x32xf32>
    %mul3A_29 = vector.broadcast %broadcast_in_dim3A_28 : vector<1x32xf32> to vector<1024x32xf32>
    %mul3A_30 = arith.mulf %dot_general3A_7, %mul3A_29 : vector<1024x32xf32>
    %reduce_sum3A_31 = arith.constant dense<0.000000e+00> : vector<1024xf32>
    %reduce_sum3A_32 = vector.multi_reduction <add>, %mul3A_30, %reduce_sum3A_31 [1] : vector<1024x32xf32> to vector<1024xf32>
    %swap3A_33 = arith.constant 0 : index
    %swap3A_34 = arith.constant 0 : index
    %swap3A_35 = vector.load %arg6[%swap3A_33, %swap3A_34] : memref<4x1024xf32, #tpu.memory_space<vmem>>, vector<1x1024xf32>
    %swap3A_36 = vector.shape_cast %swap3A_35 : vector<1x1024xf32> to vector<1024xf32>
    %swap3A_37 = vector.shape_cast %reduce_sum3A_32 : vector<1024xf32> to vector<1x1024xf32>
    tpu.vector_store %arg6[%swap3A_33, %swap3A_34], %swap3A_37 {strides = array<i32>} : memref<4x1024xf32, #tpu.memory_space<vmem>>, vector<1x1024xf32>,
    %get3A_38 = arith.constant 1 : index
    %get3A_39 = arith.constant 0 : index
    %get3A_40 = arith.constant 0 : index
    %get3A_41 = vector.load %arg2[%get3A_38, %get3A_39, %get3A_40] : memref<4x128x32xf32, #tpu.memory_space<vmem>>, vector<1x128x32xf32>
    %get3A_42 = vector.shape_cast %get3A_41 : vector<1x128x32xf32> to vector<128x32xf32>
    %dot_general3A_43 = arith.constant dense<0.000000e+00> : vector<1024x32xf32>
    %dot_general3A_44 = tpu.matmul %get3A_1, %get3A_42, %dot_general3A_43 {dimension_numbers = #tpu.dot_dimension_numbers<[1], [0], [0], [1], [0, 0, 1, 1], [], []>, transpose_lhs_hint = false} : vector<1024x128xf32>, vector<128x32xf32>, vector<1024x32xf32> -> vector<1024x32xf32>
    %swap3A_45 = arith.constant 1 : index
    %swap3A_46 = arith.constant 0 : index
    %swap3A_47 = arith.constant 0 : index
    %swap3A_48 = vector.load %arg4[%swap3A_45, %swap3A_46, %swap3A_47] : memref<4x1024x32xf32, #tpu.memory_space<vmem>>, vector<1x1024x32xf32>
    %swap3A_49 = vector.shape_cast %swap3A_48 : vector<1x1024x32xf32> to vector<1024x32xf32>
    %swap3A_50 = vector.shape_cast %dot_general3A_44 : vector<1024x32xf32> to vector<1x1024x32xf32>
    tpu.vector_store %arg4[%swap3A_45, %swap3A_46, %swap3A_47], %swap3A_50 {strides = array<i32>} : memref<4x1024x32xf32, #tpu.memory_space<vmem>>, vector<1x1024x32xf32>,
    %get3A_51 = arith.constant 1 : index
    %get3A_52 = arith.constant 0 : index
    %get3A_53 = vector.load %arg3[%get3A_51, %get3A_52] : memref<4x96xf32, #tpu.memory_space<vmem>>, vector<1x32xf32>
    %get3A_54 = vector.shape_cast %get3A_53 : vector<1x32xf32> to vector<32xf32>
    %get3A_55 = arith.constant 1 : index
    %get3A_56 = arith.constant 32 : index
    %get3A_57 = vector.load %arg3[%get3A_55, %get3A_56] : memref<4x96xf32, #tpu.memory_space<vmem>>, vector<1x32xf32>
    %get3A_58 = vector.shape_cast %get3A_57 : vector<1x32xf32> to vector<32xf32>
    %broadcast_in_dim3A_59 = vector.shape_cast %get3A_54 : vector<32xf32> to vector<1x32xf32>
    %mul3A_60 = vector.broadcast %broadcast_in_dim3A_59 : vector<1x32xf32> to vector<1024x32xf32>
    %mul3A_61 = arith.mulf %dot_general3A_44, %mul3A_60 : vector<1024x32xf32>
    %reduce_sum3A_62 = arith.constant dense<0.000000e+00> : vector<1024xf32>
    %reduce_sum3A_63 = vector.multi_reduction <add>, %mul3A_61, %reduce_sum3A_62 [1] : vector<1024x32xf32> to vector<1024xf32>
    %swap3A_64 = arith.constant 1 : index
    %swap3A_65 = arith.constant 0 : index
    %swap3A_66 = vector.load %arg5[%swap3A_64, %swap3A_65] : memref<4x1024xf32, #tpu.memory_space<vmem>>, vector<1x1024xf32>
    %swap3A_67 = vector.shape_cast %swap3A_66 : vector<1x1024xf32> to vector<1024xf32>
    %swap3A_68 = vector.shape_cast %reduce_sum3A_63 : vector<1024xf32> to vector<1x1024xf32>
    tpu.vector_store %arg5[%swap3A_64, %swap3A_65], %swap3A_68 {strides = array<i32>} : memref<4x1024xf32, #tpu.memory_space<vmem>>, vector<1x1024xf32>,
    %broadcast_in_dim3A_69 = vector.shape_cast %get3A_58 : vector<32xf32> to vector<1x32xf32>
    %mul3A_70 = vector.broadcast %broadcast_in_dim3A_69 : vector<1x32xf32> to vector<1024x32xf32>
    %mul3A_71 = arith.mulf %dot_general3A_44, %mul3A_70 : vector<1024x32xf32>
    %reduce_sum3A_72 = arith.constant dense<0.000000e+00> : vector<1024xf32>
    %reduce_sum3A_73 = vector.multi_reduction <add>, %mul3A_71, %reduce_sum3A_72 [1] : vector<1024x32xf32> to vector<1024xf32>
    %swap3A_74 = arith.constant 1 : index
    %swap3A_75 = arith.constant 0 : index
    %swap3A_76 = vector.load %arg6[%swap3A_74, %swap3A_75] : memref<4x1024xf32, #tpu.memory_space<vmem>>, vector<1x1024xf32>
    %swap3A_77 = vector.shape_cast %swap3A_76 : vector<1x1024xf32> to vector<1024xf32>
    %swap3A_78 = vector.shape_cast %reduce_sum3A_73 : vector<1024xf32> to vector<1x1024xf32>
    tpu.vector_store %arg6[%swap3A_74, %swap3A_75], %swap3A_78 {strides = array<i32>} : memref<4x1024xf32, #tpu.memory_space<vmem>>, vector<1x1024xf32>,
    %get3A_79 = arith.constant 2 : index
    %get3A_80 = arith.constant 0 : index
    %get3A_81 = arith.constant 0 : index
    %get3A_82 = vector.load %arg2[%get3A_79, %get3A_80, %get3A_81] : memref<4x128x32xf32, #tpu.memory_space<vmem>>, vector<1x128x32xf32>
    %get3A_83 = vector.shape_cast %get3A_82 : vector<1x128x32xf32> to vector<128x32xf32>
    %dot_general3A_84 = arith.constant dense<0.000000e+00> : vector<1024x32xf32>
    %dot_general3A_85 = tpu.matmul %get3A_1, %get3A_83, %dot_general3A_84 {dimension_numbers = #tpu.dot_dimension_numbers<[1], [0], [0], [1], [0, 0, 1, 1], [], []>, transpose_lhs_hint = false} : vector<1024x128xf32>, vector<128x32xf32>, vector<1024x32xf32> -> vector<1024x32xf32>
    %swap3A_86 = arith.constant 2 : index
    %swap3A_87 = arith.constant 0 : index
    %swap3A_88 = arith.constant 0 : index
    %swap3A_89 = vector.load %arg4[%swap3A_86, %swap3A_87, %swap3A_88] : memref<4x1024x32xf32, #tpu.memory_space<vmem>>, vector<1x1024x32xf32>
    %swap3A_90 = vector.shape_cast %swap3A_89 : vector<1x1024x32xf32> to vector<1024x32xf32>
    %swap3A_91 = vector.shape_cast %dot_general3A_85 : vector<1024x32xf32> to vector<1x1024x32xf32>
    tpu.vector_store %arg4[%swap3A_86, %swap3A_87, %swap3A_88], %swap3A_91 {strides = array<i32>} : memref<4x1024x32xf32, #tpu.memory_space<vmem>>, vector<1x1024x32xf32>,
    %get3A_92 = arith.constant 2 : index
    %get3A_93 = arith.constant 0 : index
    %get3A_94 = vector.load %arg3[%get3A_92, %get3A_93] : memref<4x96xf32, #tpu.memory_space<vmem>>, vector<1x32xf32>
    %get3A_95 = vector.shape_cast %get3A_94 : vector<1x32xf32> to vector<32xf32>
    %get3A_96 = arith.constant 2 : index
    %get3A_97 = arith.constant 32 : index
    %get3A_98 = vector.load %arg3[%get3A_96, %get3A_97] : memref<4x96xf32, #tpu.memory_space<vmem>>, vector<1x32xf32>
    %get3A_99 = vector.shape_cast %get3A_98 : vector<1x32xf32> to vector<32xf32>
    %broadcast_in_dim3A_100 = vector.shape_cast %get3A_95 : vector<32xf32> to vector<1x32xf32>
    %mul3A_101 = vector.broadcast %broadcast_in_dim3A_100 : vector<1x32xf32> to vector<1024x32xf32>
    %mul3A_102 = arith.mulf %dot_general3A_85, %mul3A_101 : vector<1024x32xf32>
    %reduce_sum3A_103 = arith.constant dense<0.000000e+00> : vector<1024xf32>
    %reduce_sum3A_104 = vector.multi_reduction <add>, %mul3A_102, %reduce_sum3A_103 [1] : vector<1024x32xf32> to vector<1024xf32>
    %swap3A_105 = arith.constant 2 : index
    %swap3A_106 = arith.constant 0 : index
    %swap3A_107 = vector.load %arg5[%swap3A_105, %swap3A_106] : memref<4x1024xf32, #tpu.memory_space<vmem>>, vector<1x1024xf32>
    %swap3A_108 = vector.shape_cast %swap3A_107 : vector<1x1024xf32> to vector<1024xf32>
    %swap3A_109 = vector.shape_cast %reduce_sum3A_104 : vector<1024xf32> to vector<1x1024xf32>
    tpu.vector_store %arg5[%swap3A_105, %swap3A_106], %swap3A_109 {strides = array<i32>} : memref<4x1024xf32, #tpu.memory_space<vmem>>, vector<1x1024xf32>,
    %broadcast_in_dim3A_110 = vector.shape_cast %get3A_99 : vector<32xf32> to vector<1x32xf32>
    %mul3A_111 = vector.broadcast %broadcast_in_dim3A_110 : vector<1x32xf32> to vector<1024x32xf32>
    %mul3A_112 = arith.mulf %dot_general3A_85, %mul3A_111 : vector<1024x32xf32>
    %reduce_sum3A_113 = arith.constant dense<0.000000e+00> : vector<1024xf32>
    %reduce_sum3A_114 = vector.multi_reduction <add>, %mul3A_112, %reduce_sum3A_113 [1] : vector<1024x32xf32> to vector<1024xf32>
    %swap3A_115 = arith.constant 2 : index
    %swap3A_116 = arith.constant 0 : index
    %swap3A_117 = vector.load %arg6[%swap3A_115, %swap3A_116] : memref<4x1024xf32, #tpu.memory_space<vmem>>, vector<1x1024xf32>
    %swap3A_118 = vector.shape_cast %swap3A_117 : vector<1x1024xf32> to vector<1024xf32>
    %swap3A_119 = vector.shape_cast %reduce_sum3A_114 : vector<1024xf32> to vector<1x1024xf32>
    tpu.vector_store %arg6[%swap3A_115, %swap3A_116], %swap3A_119 {strides = array<i32>} : memref<4x1024xf32, #tpu.memory_space<vmem>>, vector<1x1024xf32>,
    %get3A_120 = arith.constant 3 : index
    %get3A_121 = arith.constant 0 : index
    %get3A_122 = arith.constant 0 : index
    %get3A_123 = vector.load %arg2[%get3A_120, %get3A_121, %get3A_122] : memref<4x128x32xf32, #tpu.memory_space<vmem>>, vector<1x128x32xf32>
    %get3A_124 = vector.shape_cast %get3A_123 : vector<1x128x32xf32> to vector<128x32xf32>
    %dot_general3A_125 = arith.constant dense<0.000000e+00> : vector<1024x32xf32>
    %dot_general3A_126 = tpu.matmul %get3A_1, %get3A_124, %dot_general3A_125 {dimension_numbers = #tpu.dot_dimension_numbers<[1], [0], [0], [1], [0, 0, 1, 1], [], []>, transpose_lhs_hint = false} : vector<1024x128xf32>, vector<128x32xf32>, vector<1024x32xf32> -> vector<1024x32xf32>
    %swap3A_127 = arith.constant 3 : index
    %swap3A_128 = arith.constant 0 : index
    %swap3A_129 = arith.constant 0 : index
    %swap3A_130 = vector.load %arg4[%swap3A_127, %swap3A_128, %swap3A_129] : memref<4x1024x32xf32, #tpu.memory_space<vmem>>, vector<1x1024x32xf32>
    %swap3A_131 = vector.shape_cast %swap3A_130 : vector<1x1024x32xf32> to vector<1024x32xf32>
    %swap3A_132 = vector.shape_cast %dot_general3A_126 : vector<1024x32xf32> to vector<1x1024x32xf32>
    tpu.vector_store %arg4[%swap3A_127, %swap3A_128, %swap3A_129], %swap3A_132 {strides = array<i32>} : memref<4x1024x32xf32, #tpu.memory_space<vmem>>, vector<1x1024x32xf32>,
    %get3A_133 = arith.constant 3 : index
    %get3A_134 = arith.constant 0 : index
    %get3A_135 = vector.load %arg3[%get3A_133, %get3A_134] : memref<4x96xf32, #tpu.memory_space<vmem>>, vector<1x32xf32>
    %get3A_136 = vector.shape_cast %get3A_135 : vector<1x32xf32> to vector<32xf32>
    %get3A_137 = arith.constant 3 : index
    %get3A_138 = arith.constant 32 : index
    %get3A_139 = vector.load %arg3[%get3A_137, %get3A_138] : memref<4x96xf32, #tpu.memory_space<vmem>>, vector<1x32xf32>
    %get3A_140 = vector.shape_cast %get3A_139 : vector<1x32xf32> to vector<32xf32>
    %broadcast_in_dim3A_141 = vector.shape_cast %get3A_136 : vector<32xf32> to vector<1x32xf32>
    %mul3A_142 = vector.broadcast %broadcast_in_dim3A_141 : vector<1x32xf32> to vector<1024x32xf32>
    %mul3A_143 = arith.mulf %dot_general3A_126, %mul3A_142 : vector<1024x32xf32>
    %reduce_sum3A_144 = arith.constant dense<0.000000e+00> : vector<1024xf32>
    %reduce_sum3A_145 = vector.multi_reduction <add>, %mul3A_143, %reduce_sum3A_144 [1] : vector<1024x32xf32> to vector<1024xf32>
    %swap3A_146 = arith.constant 3 : index
    %swap3A_147 = arith.constant 0 : index
    %swap3A_148 = vector.load %arg5[%swap3A_146, %swap3A_147] : memref<4x1024xf32, #tpu.memory_space<vmem>>, vector<1x1024xf32>
    %swap3A_149 = vector.shape_cast %swap3A_148 : vector<1x1024xf32> to vector<1024xf32>
    %swap3A_150 = vector.shape_cast %reduce_sum3A_145 : vector<1024xf32> to vector<1x1024xf32>
    tpu.vector_store %arg5[%swap3A_146, %swap3A_147], %swap3A_150 {strides = array<i32>} : memref<4x1024xf32, #tpu.memory_space<vmem>>, vector<1x1024xf32>,
    %broadcast_in_dim3A_151 = vector.shape_cast %get3A_140 : vector<32xf32> to vector<1x32xf32>
    %mul3A_152 = vector.broadcast %broadcast_in_dim3A_151 : vector<1x32xf32> to vector<1024x32xf32>
    %mul3A_153 = arith.mulf %dot_general3A_126, %mul3A_152 : vector<1024x32xf32>
    %reduce_sum3A_154 = arith.constant dense<0.000000e+00> : vector<1024xf32>
    %reduce_sum3A_155 = vector.multi_reduction <add>, %mul3A_153, %reduce_sum3A_154 [1] : vector<1024x32xf32> to vector<1024xf32>
    %swap3A_156 = arith.constant 3 : index
    %swap3A_157 = arith.constant 0 : index
    %swap3A_158 = vector.load %arg6[%swap3A_156, %swap3A_157] : memref<4x1024xf32, #tpu.memory_space<vmem>>, vector<1x1024xf32>
    %swap3A_159 = vector.shape_cast %swap3A_158 : vector<1x1024xf32> to vector<1024xf32>
    %swap3A_160 = vector.shape_cast %reduce_sum3A_155 : vector<1024xf32> to vector<1x1024xf32>
    tpu.vector_store %arg6[%swap3A_156, %swap3A_157], %swap3A_160 {strides = array<i32>} : memref<4x1024xf32, #tpu.memory_space<vmem>>, vector<1x1024xf32>,
    return
  }
  func.func @transform_0(%arg0: i32) -> (i32, i32) {
    %c0_i32 = arith.constant 0 : i32
    %c0_i32_0 = arith.constant 0 : i32
    return %arg0, %c0_i32 : i32, i32
  }
  func.func @transform_1(%arg0: i32) -> (i32, i32, i32) {
    %c0_i32 = arith.constant 0 : i32
    %c0_i32_0 = arith.constant 0 : i32
    %c0_i32_1 = arith.constant 0 : i32
    %c0_i32_2 = arith.constant 0 : i32
    return %c0_i32, %c0_i32_0, %c0_i32_1 : i32, i32, i32
  }
  func.func @transform_2(%arg0: i32) -> (i32, i32) {
    %c0_i32 = arith.constant 0 : i32
    %c0_i32_0 = arith.constant 0 : i32
    %c0_i32_1 = arith.constant 0 : i32
    return %c0_i32, %c0_i32_0 : i32, i32
  }
  func.func @transform_3(%arg0: i32) -> (i32, i32, i32) {
    %c0_i32 = arith.constant 0 : i32
    %c0_i32_0 = arith.constant 0 : i32
    %c0_i32_1 = arith.constant 0 : i32
    return %c0_i32, %arg0, %c0_i32_0 : i32, i32, i32
  }
  func.func @transform_4(%arg0: i32) -> (i32, i32) {
    %c0_i32 = arith.constant 0 : i32
    %c0_i32_0 = arith.constant 0 : i32
    return %c0_i32, %arg0 : i32, i32
  }
  func.func @transform_5(%arg0: i32) -> (i32, i32) {
    %c0_i32 = arith.constant 0 : i32
    %c0_i32_0 = arith.constant 0 : i32
    return %c0_i32, %arg0 : i32, i32
  }
}

module attributes {stable_mosaic.version = 14 : i64} {
  func.func @_finish_body(%arg0: i32, %arg1: memref<2x4x1024x32xf32, #tpu.memory_space<vmem>>, %arg2: memref<2x4x1024xf32, #tpu.memory_space<vmem>>, %arg3: memref<1024x128xf32, #tpu.memory_space<vmem>>) attributes {dimension_semantics = [#tpu.dimension_semantics<arbitrary>], iteration_bounds = array<i64: 10>, scalar_prefetch = 0 : i64, scratch_operands = 0 : i64, tpu.core_type = #tpu.core_type<tc>, window_params = [{transform_indices = @transform_0, window_bounds = array<i64: 2, 4, 1024, 32>}, {transform_indices = @transform_1, window_bounds = array<i64: 2, 4, 1024>}, {transform_indices = @transform_2, window_bounds = array<i64: 1024, 128>}]} {
    %get3A = arith.constant 0 : index
    %get3A_0 = arith.constant 0 : index
    %get3A_1 = arith.constant 0 : index
    %get3A_2 = arith.constant 0 : index
    %get3A_3 = vector.load %arg1[%get3A, %get3A_0, %get3A_1, %get3A_2] : memref<2x4x1024x32xf32, #tpu.memory_space<vmem>>, vector<1x1x1024x32xf32>
    %get3A_4 = vector.shape_cast %get3A_3 : vector<1x1x1024x32xf32> to vector<1024x32xf32>
    %get3A_5 = arith.constant 1 : index
    %get3A_6 = arith.constant 0 : index
    %get3A_7 = arith.constant 0 : index
    %get3A_8 = arith.constant 0 : index
    %get3A_9 = vector.load %arg1[%get3A_5, %get3A_6, %get3A_7, %get3A_8] : memref<2x4x1024x32xf32, #tpu.memory_space<vmem>>, vector<1x1x1024x32xf32>
    %get3A_10 = vector.shape_cast %get3A_9 : vector<1x1x1024x32xf32> to vector<1024x32xf32>
    %add3A = arith.addf %get3A_4, %get3A_10 : vector<1024x32xf32>
    %get3A_11 = arith.constant 0 : index
    %get3A_12 = arith.constant 0 : index
    %get3A_13 = arith.constant 0 : index
    %get3A_14 = vector.load %arg2[%get3A_11, %get3A_12, %get3A_13] : memref<2x4x1024xf32, #tpu.memory_space<vmem>>, vector<1x1x1024xf32>
    %get3A_15 = vector.shape_cast %get3A_14 : vector<1x1x1024xf32> to vector<1024xf32>
    %get3A_16 = arith.constant 1 : index
    %get3A_17 = arith.constant 0 : index
    %get3A_18 = arith.constant 0 : index
    %get3A_19 = vector.load %arg2[%get3A_16, %get3A_17, %get3A_18] : memref<2x4x1024xf32, #tpu.memory_space<vmem>>, vector<1x1x1024xf32>
    %get3A_20 = vector.shape_cast %get3A_19 : vector<1x1x1024xf32> to vector<1024xf32>
    %add3A_21 = arith.addf %get3A_15, %get3A_20 : vector<1024xf32>
    %add3A_22 = arith.constant 9.99999971E-10 : f32
    %add3A_23 = vector.broadcast %add3A_22 : f32 to vector<1024xf32>
    %add3A_24 = arith.addf %add3A_21, %add3A_23 : vector<1024xf32>
    %broadcast_in_dim3A = vector.shape_cast %add3A_24 : vector<1024xf32> to vector<1024x1xf32>
    %div3A = vector.broadcast %broadcast_in_dim3A : vector<1024x1xf32> to vector<1024x32xf32>
    %div3A_25 = arith.divf %add3A, %div3A : vector<1024x32xf32>
    %swap3A = arith.constant 0 : index
    %swap3A_26 = arith.constant 0 : index
    %swap3A_27 = vector.load %arg3[%swap3A, %swap3A_26] : memref<1024x128xf32, #tpu.memory_space<vmem>>, vector<1024x32xf32>
    tpu.vector_store %arg3[%swap3A, %swap3A_26], %div3A_25 {strides = array<i32>} : memref<1024x128xf32, #tpu.memory_space<vmem>>, vector<1024x32xf32>,
    %get3A_28 = arith.constant 0 : index
    %get3A_29 = arith.constant 1 : index
    %get3A_30 = arith.constant 0 : index
    %get3A_31 = arith.constant 0 : index
    %get3A_32 = vector.load %arg1[%get3A_28, %get3A_29, %get3A_30, %get3A_31] : memref<2x4x1024x32xf32, #tpu.memory_space<vmem>>, vector<1x1x1024x32xf32>
    %get3A_33 = vector.shape_cast %get3A_32 : vector<1x1x1024x32xf32> to vector<1024x32xf32>
    %get3A_34 = arith.constant 1 : index
    %get3A_35 = arith.constant 1 : index
    %get3A_36 = arith.constant 0 : index
    %get3A_37 = arith.constant 0 : index
    %get3A_38 = vector.load %arg1[%get3A_34, %get3A_35, %get3A_36, %get3A_37] : memref<2x4x1024x32xf32, #tpu.memory_space<vmem>>, vector<1x1x1024x32xf32>
    %get3A_39 = vector.shape_cast %get3A_38 : vector<1x1x1024x32xf32> to vector<1024x32xf32>
    %add3A_40 = arith.addf %get3A_33, %get3A_39 : vector<1024x32xf32>
    %get3A_41 = arith.constant 0 : index
    %get3A_42 = arith.constant 1 : index
    %get3A_43 = arith.constant 0 : index
    %get3A_44 = vector.load %arg2[%get3A_41, %get3A_42, %get3A_43] : memref<2x4x1024xf32, #tpu.memory_space<vmem>>, vector<1x1x1024xf32>
    %get3A_45 = vector.shape_cast %get3A_44 : vector<1x1x1024xf32> to vector<1024xf32>
    %get3A_46 = arith.constant 1 : index
    %get3A_47 = arith.constant 1 : index
    %get3A_48 = arith.constant 0 : index
    %get3A_49 = vector.load %arg2[%get3A_46, %get3A_47, %get3A_48] : memref<2x4x1024xf32, #tpu.memory_space<vmem>>, vector<1x1x1024xf32>
    %get3A_50 = vector.shape_cast %get3A_49 : vector<1x1x1024xf32> to vector<1024xf32>
    %add3A_51 = arith.addf %get3A_45, %get3A_50 : vector<1024xf32>
    %add3A_52 = arith.constant 9.99999971E-10 : f32
    %add3A_53 = vector.broadcast %add3A_52 : f32 to vector<1024xf32>
    %add3A_54 = arith.addf %add3A_51, %add3A_53 : vector<1024xf32>
    %broadcast_in_dim3A_55 = vector.shape_cast %add3A_54 : vector<1024xf32> to vector<1024x1xf32>
    %div3A_56 = vector.broadcast %broadcast_in_dim3A_55 : vector<1024x1xf32> to vector<1024x32xf32>
    %div3A_57 = arith.divf %add3A_40, %div3A_56 : vector<1024x32xf32>
    %swap3A_58 = arith.constant 0 : index
    %swap3A_59 = arith.constant 32 : index
    %swap3A_60 = vector.load %arg3[%swap3A_58, %swap3A_59] : memref<1024x128xf32, #tpu.memory_space<vmem>>, vector<1024x32xf32>
    tpu.vector_store %arg3[%swap3A_58, %swap3A_59], %div3A_57 {strides = array<i32>} : memref<1024x128xf32, #tpu.memory_space<vmem>>, vector<1024x32xf32>,
    %get3A_61 = arith.constant 0 : index
    %get3A_62 = arith.constant 2 : index
    %get3A_63 = arith.constant 0 : index
    %get3A_64 = arith.constant 0 : index
    %get3A_65 = vector.load %arg1[%get3A_61, %get3A_62, %get3A_63, %get3A_64] : memref<2x4x1024x32xf32, #tpu.memory_space<vmem>>, vector<1x1x1024x32xf32>
    %get3A_66 = vector.shape_cast %get3A_65 : vector<1x1x1024x32xf32> to vector<1024x32xf32>
    %get3A_67 = arith.constant 1 : index
    %get3A_68 = arith.constant 2 : index
    %get3A_69 = arith.constant 0 : index
    %get3A_70 = arith.constant 0 : index
    %get3A_71 = vector.load %arg1[%get3A_67, %get3A_68, %get3A_69, %get3A_70] : memref<2x4x1024x32xf32, #tpu.memory_space<vmem>>, vector<1x1x1024x32xf32>
    %get3A_72 = vector.shape_cast %get3A_71 : vector<1x1x1024x32xf32> to vector<1024x32xf32>
    %add3A_73 = arith.addf %get3A_66, %get3A_72 : vector<1024x32xf32>
    %get3A_74 = arith.constant 0 : index
    %get3A_75 = arith.constant 2 : index
    %get3A_76 = arith.constant 0 : index
    %get3A_77 = vector.load %arg2[%get3A_74, %get3A_75, %get3A_76] : memref<2x4x1024xf32, #tpu.memory_space<vmem>>, vector<1x1x1024xf32>
    %get3A_78 = vector.shape_cast %get3A_77 : vector<1x1x1024xf32> to vector<1024xf32>
    %get3A_79 = arith.constant 1 : index
    %get3A_80 = arith.constant 2 : index
    %get3A_81 = arith.constant 0 : index
    %get3A_82 = vector.load %arg2[%get3A_79, %get3A_80, %get3A_81] : memref<2x4x1024xf32, #tpu.memory_space<vmem>>, vector<1x1x1024xf32>
    %get3A_83 = vector.shape_cast %get3A_82 : vector<1x1x1024xf32> to vector<1024xf32>
    %add3A_84 = arith.addf %get3A_78, %get3A_83 : vector<1024xf32>
    %add3A_85 = arith.constant 9.99999971E-10 : f32
    %add3A_86 = vector.broadcast %add3A_85 : f32 to vector<1024xf32>
    %add3A_87 = arith.addf %add3A_84, %add3A_86 : vector<1024xf32>
    %broadcast_in_dim3A_88 = vector.shape_cast %add3A_87 : vector<1024xf32> to vector<1024x1xf32>
    %div3A_89 = vector.broadcast %broadcast_in_dim3A_88 : vector<1024x1xf32> to vector<1024x32xf32>
    %div3A_90 = arith.divf %add3A_73, %div3A_89 : vector<1024x32xf32>
    %swap3A_91 = arith.constant 0 : index
    %swap3A_92 = arith.constant 64 : index
    %swap3A_93 = vector.load %arg3[%swap3A_91, %swap3A_92] : memref<1024x128xf32, #tpu.memory_space<vmem>>, vector<1024x32xf32>
    tpu.vector_store %arg3[%swap3A_91, %swap3A_92], %div3A_90 {strides = array<i32>} : memref<1024x128xf32, #tpu.memory_space<vmem>>, vector<1024x32xf32>,
    %get3A_94 = arith.constant 0 : index
    %get3A_95 = arith.constant 3 : index
    %get3A_96 = arith.constant 0 : index
    %get3A_97 = arith.constant 0 : index
    %get3A_98 = vector.load %arg1[%get3A_94, %get3A_95, %get3A_96, %get3A_97] : memref<2x4x1024x32xf32, #tpu.memory_space<vmem>>, vector<1x1x1024x32xf32>
    %get3A_99 = vector.shape_cast %get3A_98 : vector<1x1x1024x32xf32> to vector<1024x32xf32>
    %get3A_100 = arith.constant 1 : index
    %get3A_101 = arith.constant 3 : index
    %get3A_102 = arith.constant 0 : index
    %get3A_103 = arith.constant 0 : index
    %get3A_104 = vector.load %arg1[%get3A_100, %get3A_101, %get3A_102, %get3A_103] : memref<2x4x1024x32xf32, #tpu.memory_space<vmem>>, vector<1x1x1024x32xf32>
    %get3A_105 = vector.shape_cast %get3A_104 : vector<1x1x1024x32xf32> to vector<1024x32xf32>
    %add3A_106 = arith.addf %get3A_99, %get3A_105 : vector<1024x32xf32>
    %get3A_107 = arith.constant 0 : index
    %get3A_108 = arith.constant 3 : index
    %get3A_109 = arith.constant 0 : index
    %get3A_110 = vector.load %arg2[%get3A_107, %get3A_108, %get3A_109] : memref<2x4x1024xf32, #tpu.memory_space<vmem>>, vector<1x1x1024xf32>
    %get3A_111 = vector.shape_cast %get3A_110 : vector<1x1x1024xf32> to vector<1024xf32>
    %get3A_112 = arith.constant 1 : index
    %get3A_113 = arith.constant 3 : index
    %get3A_114 = arith.constant 0 : index
    %get3A_115 = vector.load %arg2[%get3A_112, %get3A_113, %get3A_114] : memref<2x4x1024xf32, #tpu.memory_space<vmem>>, vector<1x1x1024xf32>
    %get3A_116 = vector.shape_cast %get3A_115 : vector<1x1x1024xf32> to vector<1024xf32>
    %add3A_117 = arith.addf %get3A_111, %get3A_116 : vector<1024xf32>
    %add3A_118 = arith.constant 9.99999971E-10 : f32
    %add3A_119 = vector.broadcast %add3A_118 : f32 to vector<1024xf32>
    %add3A_120 = arith.addf %add3A_117, %add3A_119 : vector<1024xf32>
    %broadcast_in_dim3A_121 = vector.shape_cast %add3A_120 : vector<1024xf32> to vector<1024x1xf32>
    %div3A_122 = vector.broadcast %broadcast_in_dim3A_121 : vector<1024x1xf32> to vector<1024x32xf32>
    %div3A_123 = arith.divf %add3A_106, %div3A_122 : vector<1024x32xf32>
    %swap3A_124 = arith.constant 0 : index
    %swap3A_125 = arith.constant 96 : index
    %swap3A_126 = vector.load %arg3[%swap3A_124, %swap3A_125] : memref<1024x128xf32, #tpu.memory_space<vmem>>, vector<1024x32xf32>
    tpu.vector_store %arg3[%swap3A_124, %swap3A_125], %div3A_123 {strides = array<i32>} : memref<1024x128xf32, #tpu.memory_space<vmem>>, vector<1024x32xf32>,
    return
  }
  func.func @transform_0(%arg0: i32) -> (i32, i32, i32, i32) {
    %c0_i32 = arith.constant 0 : i32
    %c0_i32_0 = arith.constant 0 : i32
    %c0_i32_1 = arith.constant 0 : i32
    %c0_i32_2 = arith.constant 0 : i32
    return %c0_i32, %c0_i32_0, %arg0, %c0_i32_1 : i32, i32, i32, i32
  }
  func.func @transform_1(%arg0: i32) -> (i32, i32, i32) {
    %c0_i32 = arith.constant 0 : i32
    %c0_i32_0 = arith.constant 0 : i32
    %c0_i32_1 = arith.constant 0 : i32
    return %c0_i32, %c0_i32_0, %arg0 : i32, i32, i32
  }
  func.func @transform_2(%arg0: i32) -> (i32, i32) {
    %c0_i32 = arith.constant 0 : i32
    %c0_i32_0 = arith.constant 0 : i32
    return %arg0, %c0_i32 : i32, i32
  }
}

</mosaic_0001>

<sc_bundles>
// kernel: kernel.6.cloned.1.call-start
scs
__scs_entry_jumppad:
0x0: {  	(pc) =	sbr.rel $0x88, $3  }
0x1: {  	(tag) =	ssettag $0x0;
	lr =	simm.s32 $0x1  }
0x2: {  	[smem:$0x3F9A] =	sst lr;
	_ =	strace $0xD0000000  }
0x3: {  	_ = 	snop  }
0x4: {  	_ = 	snop  }
0x5: {  	_ = 	snop  }
0x6: {  	_ = 	snop  }
0x7: {  	_ = 	snop  }
__scs_overlays_trampoline_lowered:
0x8: {  	[smem:$0x3FA9] =	sst s0  }
0x9: {  	[smem:$0x3FAA] =	sst s1  }
0xa: {  	[smem:$0x3FAB] =	sst s2  }
0xb: {  	[smem:$0x3FAC] =	sst s3  }
0xc: {  	[smem:$0x3FAD] =	sst s4  }
0xd: {  	[smem:$0x3FAE] =	sst s5  }
0xe: {  	[smem:$0x3FAF] =	sst s6  }
0xf: {  	[smem:$0x3FB0] =	sst s7  }
0x10: {  	[smem:$0x3FB1] =	sst s8  }
0x11: {  	[smem:$0x3FB2] =	sst s9;
	s0 =	simm.s32 @!p0 $0x0  }
0x12: {  	s1 =	sld [smem:$0x3F98];
	s0 =	simm.s32 @p0 $0x1  }
0x13: {  	[smem:$0x3FB3] =	sst s0;
	s0 =	simm.s32 @!p1 $0x0  }
0x14: {  	s2 =	sld [smem:$0x3F97];
	s0 =	simm.s32 @p1 $0x1  }
0x15: {  	[smem:$0x3FB4] =	sst s0;
	s0 =	simm.s32 @!p2 $0x0  }
0x16: {  	s3 =	sld [smem:$0x3FDB];
	s0 =	simm.s32 @p2 $0x1  }
0x17: {  	s4 =	simm.s32 $0x1BF5;
	[smem:$0x3FB6] =	sst s0  }
0x18: {  	s0 =	sld [smem:$0x3F99];
	_ =	swait.ge [sflag:s4], $0x0  }
0x19: {  	s7 =	sld [smem:$0x3F9A]  }
0x1a: {  	s8 =	sadd.s32 $0xFFFFE003, lr  }
0x1b: {  	s9 =	sadd.s32 $0xFFFFFEF7, lr;
	s5 =	simm.s32 $0xFFFFFFFF;
	p2 =	slt.u32 s8, $0xFFFFF086  }
0x1c: {  	p1 =	slt.u32 s9, $0xF7A;
	s5 =	simm.s32 @!p2 $0x0  }
0x1d: {  	s5 =	simm.s32 @p1 $0x1;
	p0 =	seq.s32 s7, s2  }
0x1e: {  	s7 =	smul.u32 @!p0 $0xF7A, s2;
	p2 =	seq.s32 @!p0 s5, $0x0  }
0x1f: {  	s9 =	smul.u32 $0xF7A, s1;
	s8 =	simm.s32 @!p0 $0x1BF5;
	p2 =	por !p2, p0  }
0x20: {  	[sflag:s8] =	ssyncset.s32 @!p0 $0xFFFFF086;
	s6 =	sadd.s32 @!p0 s3, s7;
	s7 =	simm.s32 @!p0 $0x108  }
0x21: {  	s3 =	sadd.s32 s3, s9;
	s6 =	sadd.s32 @!p0 $0x88, s6;
	s7 =	simm.s32 @p2 $0x1082  }
0x22: {  	[simem:s7], [sflag:s8] =	dma.local @!p0 [hbm:s6], $0xF7A  }
0x23: {  	s9 =	sor.u32 $0xD0000000, s2;
	s6 =	simm.s32 $0x108;
	_ =	swait.ge @!p0 [sflag:s8], $0x0  }
0x24: {  	s3 =	sadd.s32 $0x88, s3;
	s6 =	simm.s32 @!p1 $0x1082;
	[sflag:s4] =	ssyncset.s32 $0xFFFFF086  }
0x25: {  	[simem:s6], [sflag:s4] =	dma.local [hbm:s3], $0xF7A  }
0x26: {  	[smem:$0x3F9A] =	sst s1;
	(tag) =	ssettag s2;
	_ =	strace s9  }
0x27: {  	s1 =	sld [smem:$0x3FAA]  }
0x28: {  	s2 =	sld [smem:$0x3FAB]  }
0x29: {  	s4 =	sld [smem:$0x3FAD]  }
0x2a: {  	p0 =	seq.s32 s5, $0x0;
	s5 =	sld [smem:$0x3FAE]  }
0x2b: {  	s6 =	sld [smem:$0x3FAF]  }
0x2c: {  	s7 =	sld [smem:$0x3FB0]  }
0x2d: {  	s3 =	simm.s32 $0x108;
	s8 =	sld [smem:$0x3FB1]  }
0x2e: {  	s3 =	simm.s32 @!p0 $0x1082;
	s9 =	sld [smem:$0x3FB2]  }
0x2f: {  	lr =	sadd.s32 s0, s3;
	s0 =	sld [smem:$0x3FA9]  }
0x30: {  	s3 =	sld [smem:$0x3FAC]  }
0x31: {  	[smem:$0x3FB5] =	sst s10  }
0x32: {  	s10 =	sld [smem:$0x3FB3];
	_ =	sdelay $0x3  }
0x33: {  	p0 =	seq.s32 s10, $0x1;
	s10 =	sld [smem:$0x3FB5];
	_ =	sdelay $0x3  }
0x34: {  	[smem:$0x3FB5] =	sst s10  }
0x35: {  	s10 =	sld [smem:$0x3FB4];
	_ =	sdelay $0x3  }
0x36: {  	p1 =	seq.s32 s10, $0x1;
	s10 =	sld [smem:$0x3FB5];
	_ =	sdelay $0x3  }
0x37: {  	[smem:$0x3FB5] =	sst s10  }
0x38: {  	s10 =	sld [smem:$0x3FB6]  }
0x39: {  	_ = 	snop;
	(pc) =	sbr.ind lr, $3  }
0x3a: {  	_ = 	snop  }
0x3b: {  	_ = 	snop  }
0x3c: {  	p2 =	seq.s32 s10, $0x1;
	s10 =	sld [smem:$0x3FB5]  }
0x3d: {  	_ =	shalt  }
0x3e: {  	_ =	shalt  }
0x3f: {  	_ =	shalt  }
0x40: {  	_ =	shalt  }
0x41: {  	_ =	shalt  }
0x42: {  	_ =	shalt  }
0x43: {  	_ =	shalt  }
0x44: {  	_ =	shalt  }
0x45: {  	_ =	shalt  }
0x46: {  	_ =	shalt  }
0x47: {  	_ =	shalt  }
0x48: {  	_ =	shalt  }
0x49: {  	_ =	shalt  }
0x4a: {  	_ =	shalt  }
0x4b: {  	_ =	shalt  }
0x4c: {  	_ =	shalt  }
0x4d: {  	_ =	shalt  }
0x4e: {  	_ =	shalt  }
0x4f: {  	_ =	shalt  }
0x50: {  	_ =	shalt  }
0x51: {  	_ =	shalt  }
0x52: {  	_ =	shalt  }
0x53: {  	_ =	shalt  }
0x54: {  	_ =	shalt  }
0x55: {  	_ =	shalt  }
0x56: {  	_ =	shalt  }
0x57: {  	_ =	shalt  }
0x58: {  	_ =	shalt  }
0x59: {  	_ =	shalt  }
0x5a: {  	_ =	shalt  }
0x5b: {  	_ =	shalt  }
0x5c: {  	_ =	shalt  }
0x5d: {  	_ =	shalt  }
0x5e: {  	_ =	shalt  }
0x5f: {  	_ =	shalt  }
0x60: {  	_ =	shalt  }
0x61: {  	_ =	shalt  }
0x62: {  	_ =	shalt  }
0x63: {  	_ =	shalt  }
0x64: {  	_ =	shalt  }
0x65: {  	_ =	shalt  }
0x66: {  	_ =	shalt  }
0x67: {  	_ =	shalt  }
0x68: {  	_ =	shalt  }
0x69: {  	_ =	shalt  }
0x6a: {  	_ =	shalt  }
0x6b: {  	_ =	shalt  }
0x6c: {  	_ =	shalt  }
0x6d: {  	_ =	shalt  }
0x6e: {  	_ =	shalt  }
0x6f: {  	_ =	shalt  }
0x70: {  	_ =	shalt  }
0x71: {  	_ =	shalt  }
0x72: {  	_ =	shalt  }
0x73: {  	_ =	shalt  }
0x74: {  	_ =	shalt  }
0x75: {  	_ =	shalt  }
0x76: {  	_ =	shalt  }
0x77: {  	_ =	shalt  }
0x78: {  	_ =	shalt  }
0x79: {  	_ =	shalt  }
0x7a: {  	_ =	shalt  }
0x7b: {  	_ =	shalt  }
0x7c: {  	_ =	shalt  }
0x7d: {  	_ =	shalt  }
0x7e: {  	_ =	shalt  }
0x7f: {  	_ =	shalt  }
0x80: {  	_ =	shalt  }
0x81: {  	_ =	shalt  }
0x82: {  	_ =	shalt  }
0x83: {  	_ =	shalt  }
0x84: {  	_ =	shalt  }
0x85: {  	_ =	shalt  }
0x86: {  	_ =	shalt  }
0x87: {  	_ =	shalt  }
.Lfunc_end0:
.L_simem_size_0:
called_computation_lowered:
.L_overlay_start_0:
0x88: {  	s2 =	sld [smem:$0x3FD9]  }
0x89: {  	s3 =	sld [smem:$0x3FFE];
	_ =	sdelay $0x1  }
0x8a: {  	s1 =	srdreg.scid  }
0x8b: {  	s0 =	sand.u32 $0x1, s1  }
0x8c: {  	s17 =	sshll.u32 s0, $0xA;
	s2 =	sadd.s32 s3, s2  }
0x8d: {  	s2 =	sadd.s32 s2, s17  }
0x8e: {  	[smem:$0x3FC1] =	sst s2  }
0x8f: {  	_ = 	snop  }
0x90: {  	s2 =	sld [smem:$0x3FD0];
	(tm) =	ssettm $0x1  }
0x91: {  	s18 =	sld [smem:$0x3FFB];
	_ =	sdelay $0x3  }
0x92: {  	_ =	strace s18  }
0x93: {  	s3 =	sld [smem:$0x3FFC];
	_ =	sdelay $0x3  }
0x94: {  	_ =	strace s3  }
0x95: {  	s3 =	sld [smem:$0x3FFD];
	_ =	sdelay $0x3  }
0x96: {  	_ =	strace s3  }
0x97: {  	_ =	strace $0x8FFFFFFF  }
0x98: {  	s19 =	sld [smem:$0x3FDB];
	_ =	sdelay $0x1  }
0x99: {  	s4 =	simm.s32 $_scs_section_size  }
0x9a: {  	s5 =	simm.s32 $_size__tile_overlayer_lowered;
	s6 =	simm.s32 $_tile_overlayer_lowered  }
0x9b: {  	s22 =	simm.s32 $0x1BFF;
	s21 =	sshll.u32 s6, $0x1;
	s3 =	sadd.s32 s4, s19  }
0x9c: {  	s7 =	simm.s32 $0x0;
	s20 =	sshll.u32 s5, $0x1;
	s5 =	sadd.s32 s21, s3  }
0x9d: {  	[timem:s7], [sflag:s22] =	dma.local [hbm:s5], s20  }
0x9e: {  	_ =	swait.ge [sflag:s22], s20  }
0x9f: {  	s4 =	ssub.s32 $0x0, s20;
	[sflag:s22] =	ssyncset.done $0x0  }
0xa0: {  	[sflag:s22] =	ssyncadd.s32 s4;
	_ =	sdelay $0x1  }
0xa1: {  	s23 =	simm.s32 $0x1B8B  }
0xa2: {  	_ =	swait.ge [sflag:s23], $0x1  }
0xa3: {  	[sflag:s23] =	ssyncset.done $0x0  }
0xa4: {  	s25 =	simm.s32 $0x1B8E;
	s24 =	sld [smem:$0x3FFE];
	[sflag:s23] =	ssyncadd.s32 $0xFFFFFFFF  }
0xa5: {  	s26 =	simm.s32 $execute0_lowered;
	[smem:$0x3FD2] =	sst s25  }
0xa6: {  	s5 =	sshll.u32 s26, $0x1;
	_ =	strace $0x80000046;
	[dreg:$0x1] =	wrdreg $0xFFFFFFFF  }
0xa7: {  	s28 =	simm.s32 $_size_execute0_lowered;
	s3 =	sadd.s32 s3, s5;
	[dreg:$0x0] =	wrdreg $0x0  }
0xa8: {  	s5 =	sshll.u32 s28, $0x1;
	[dreg:$0x2] =	wrdreg s3  }
0xa9: {  	[dreg:$0x3] =	wrdreg s5  }
0xaa: {  	[dreg:$0x4] =	wrdreg $0xC0  }
0xab: {  	_ =	task [dreg:s7], $0x5FFFF  }
0xac: {  	[dreg:$0x1] =	wrdreg $0xFFFFFFFF  }
0xad: {  	[dreg:$0x0] =	wrdreg $0x60  }
0xae: {  	[dreg:$0x2] =	wrdreg s2  }
0xaf: {  	[dreg:$0x3] =	wrdreg s24  }
0xb0: {  	[dreg:$0x4] =	wrdreg $0x9F000  }
0xb1: {  	[dreg:$0x5] =	wrdreg $0x1DF000  }
0xb2: {  	[dreg:$0x6] =	wrdreg $0x9  }
0xb3: {  	_ =	task.clear_ibuf [dreg:s7], $0x7FFFF;
	_ =	strace $0x90000046  }
0xb4: {  	s29 =	simm.s32 $0x9;
	_ =	strace $0x80000048  }
0xb5: {  	_ =	swait.ge [sflag:s29], $0x1  }
0xb6: {  	[sflag:s29] =	ssyncadd.s32 $0xFFFFFFFF  }
0xb7: {  	_ =	strace $0x90000048  }
0xb8: {  	_ =	sfence  }
0xb9: {  	s30 =	sld [smem:$0x0];
	_ =	sdelay $0x2  }
0xba: {  	s31 =	sshll.u32 s1, $0xD;
	s1 =	sshrl.u32 s1, $0x2  }
0xbb: {  	s3 =	sand.u32 $0x4000, s31;
	s1 =	sadd.s32 s1, s30  }
0xbc: {  	s0 =	sor.u32 s3, s0;
	s1 =	sshll.u32 s1, $0x11  }
0xbd: {  	s0 =	sor.u32 s1, s0  }
0xbe: {  	s0 =	sadd.s32 $0x8F2B, s0  }
0xbf: {  	[sflag:s0] =	ssyncadd.remote.s32 $0x1  }
0xc0: {  	_ =	sfence.sel $0xFFFF  }
0xc1: {  	[dreg:$0x0] =	wrdreg $0xFFFFFFFF;
	(pc) =	sbr.abs _section_cstart, $3  }
0xc2: {  	[dreg:$0x1] =	wrdreg $0xFFFFFFFF  }
0xc3: {  	_ =	task.clear_ibuf [dreg:s7], $0x2FFFF;
	_ =	strace $0x9FFFFFFF  }
0xc4: {  	(tm) =	ssettm $0x7FFFFFFF  }
0xc5: {  	_ =	shalt  }
tec
execute0_lowered:
.L_overlay_start_1:
0x0: {  	(tag) =	ssettag $0x1  }
0x1: {  	s0 =	rddreg [dreg:$0x1]  }
0x2: {  	s2 =	rddreg [dreg:$0x2]  }
0x3: {  	s3 =	rddreg [dreg:$0x3];
	s4 =	simm.s32 $0x0;
	s1 =	srdreg.scid  }
0x4: {  	s9 =	stileid.u32;
	s17 =	simm.s32 $0x7;
	s18 =	simm.s32 $0x2800  }
0x5: {  	s28 =	simm.s32 $0x9E00;
	s29 =	simm.s32 $0x7D00;
	s30 =	simm.s32 $0x5C00  }
0x6: {  	s31 =	simm.s32 $0x2;
	[smem:$0x7FF] =	sst s4;
	s5 =	sadd.s32 $0x1A00, s0  }
0x7: {  	s6 =	sadd.s32 $0xC9A00, s0;
	s20 =	sadd.s32 $0xCAE00, s0;
	s1 =	sand.u32 $0x1, s1  }
0x8: {  	s8 =	sadd.s32 $0xCC200, s0;
	_ =	strace $0x80000047;
	[dreg:$0x5] =	wrdreg s6  }
0x9: {  	s21 =	sadd.s32 $0x2AE00, s0;
	s7 =	sadd.s32 $0x29A00, s0;
	[dreg:$0x6] =	wrdreg s20  }
0xa: {  	s11 =	sshll.u32 s9, $0x1;
	p0 =	sne.s32 s9, $0x0;
	[dreg:$0x7] =	wrdreg s21  }
0xb: {  	s9 =	simm.s32 $0x8D00;
	s22 =	smul.u32 $0x28000, s1;
	[dreg:$0x8] =	wrdreg s7  }
0xc: {  	s23 =	smul.u32 $0x1400, s1;
	s10 =	ssub.s32 $0x2, s1;
	s1 =	sor.u32 s1, s11  }
0xd: {  	s12 =	sshrl.u32 @!p0 s2, $0x3;
	s13 =	sshrl.u32 @!p0 s3, $0x3;
	s21 =	simm.s32 $0x80  }
0xe: {  	s24 =	sshrl.u32 s10, $0x1;
	s11 =	smul.u32 $0x2800, s1;
	[dreg:$0xc] =	wrdreg s12  }
0xf: {  	v0 =	vimm.s32 $0x0;
	[dreg:$0xd] =	wrdreg s13;
	s6 =	sadd.s32 s22, s0;
	s0 =	sadd.s32 s23, s0  }
0x10: {  	v1 =	vimm.s32 $0x1;
	v2 =	vimm.s32 $0x2;
	v3 =	vimm.s32 $0x3;
	s7 =	ssub.s32 s10, s24;
	s22 =	simm.s32 $0x9D00;
	s25 =	sadd.s32 $0x55600, s6  }
0x11: {  	v4 =	vimm.s32 $0x4;
	v5 =	vimm.s32 $0x5;
	v6 =	vimm.s32 $0x6;
	s23 =	simm.s32 $0x5D00;
	s0 =	sadd.s32 $0x52E00, s0;
	[dreg:$0x9] =	wrdreg s25  }
0x12: {  	v7 =	vimm.s32 $0x7;
	v8 =	vimm.s32 $0x8;
	v9 =	vimm.s32 $0x9;
	s24 =	simm.s32 $0x9D80;
	s26 =	smax.u32 s7, $0x1;
	[dreg:$0xa] =	wrdreg s0  }
0x13: {  	v10 =	vimm.s32 $0xA;
	v11 =	vimm.s32 $0xB;
	v12 =	vimm.s32 $0xC;
	s10 =	simm.s32 $0x5C80;
	s7 =	simm.s32 $0x0;
	[dreg:$0xb] =	wrdreg s26  }
0x14: {  	v13 =	vimm.s32 $0xD;
	v14 =	vimm.s32 $0xE;
	v15 =	vimm.s32 $0xF;
	s25 =	simm.s32 $0x6D00;
	s26 =	simm.s32 $0x1;
	s0 =	simm.s32 $0x9E80  }
.LBB2_1:
0x15: {  	[dreg:$0xe] =	wrdreg s7  }
0x16: {  	s1 =	simm.s32 @!p0 $0x1C07;
	s6 =	rddreg [dreg:$0x7]  }
0x17: {  	[spmem:s12], [sflag:s1] =	dma.local @!p0 [hbm:s6], $0x28000  }
0x18: {  	s6 =	simm.s32 @!p0 $0x7  }
0x19: {  	_ =	swait.ge @!p0 [sflag:s6], $0x28000  }
0x1a: {  	[sflag:s6] =	ssyncset.done @!p0 $0x0  }
0x1b: {  	s7 =	rddreg [dreg:$0x8];
	[sflag:s6] =	ssyncadd.s32 @!p0 $0xFFFD8000  }
0x1c: {  	[spmem:s13], [sflag:s1] =	dma.local @!p0 [hbm:s7], $0x1400  }
0x1d: {  	_ =	swait.ge @!p0 [sflag:s6], $0x1400  }
0x1e: {  	[sflag:s6] =	ssyncset.done @!p0 $0x0  }
0x1f: {  	[sflag:s6] =	ssyncadd.s32 @!p0 $0xFFFFEC00  }
0x20: {  	s14 =	simm.s32 $0x0;
	[bflag:$0x0] =	sbarrier.arrive $0xFFFF  }
.LBB2_2:
0x21: {  	s1 =	smul.u32 $0x2800, s14;
	_ =	sdelay $0x1  }
0x22: {  	s7 =	rddreg [dreg:$0x5];
	s6 =	sshrl.u32 s1, $0x3  }
0x23: {  	s12 =	simm.s32 $0x0;
	s7 =	sadd.s32 s7, s6  }
0x24: {  	[tilespmem:s12], [sflag:$0x7] =	stream.linear.gather [hbm4b:s7+s12], $0x2800, $0x38;
	[tilespmem:$0x1E900] =	vst v63  }
0x25: {  	_ =	swait.ge [sflag:s17], $0x2800  }
0x26: {  	[sflag:s17] =	ssyncset.done $0x0;
	s20 =	rddreg [dreg:$0x6]  }
0x27: {  	[sflag:s17] =	ssyncadd.s32 $0xFFFFD800;
	s6 =	sadd.s32 s20, s6  }
0x28: {  	[tilespmem:s18], [sflag:$0x7] =	stream.linear.gather [hbm4b:s6+s12], $0x2800, $0x38;
	[tilespmem:$0x1E900] =	vst v63  }
0x29: {  	_ =	swait.ge [sflag:s17], $0x2800  }
0x2a: {  	[sflag:s17] =	ssyncset.done $0x0  }
0x2b: {  	s15 =	smul.u32 $0x50000, s14;
	s16 =	simm.s32 $0x0;
	v16 =	vmov s1;
	[sflag:s17] =	ssyncadd.s32 $0xFFFFD800  }
.LBB2_3:
0x2c: {  	s1 =	sshll.u32 s16, $0xA  }
0x2d: {  	s1 =	sadd.s32 s11, s1  }
0x2e: {  	s7 =	rddreg [dreg:$0x0];
	s6 =	sshrl.u32 s1, $0x2  }
0x2f: {  	s19 =	simm.s32 $0x5000;
	s6 =	sadd.s32 s7, s6  }
0x30: {  	[tilespmem:s19], [sflag:$0x7] =	stream.linear.gather [hbm4b:s6+s12], $0x800, $0x38;
	[tilespmem:$0x1E900] =	vst v63  }
0x31: {  	s1 =	sadd.s32 s15, s1;
	_ =	swait.ge [sflag:s17], $0x800  }
0x32: {  	s1 =	sshrl.u32 s1, $0x3;
	[sflag:s17] =	ssyncset.done $0x0  }
0x33: {  	s20 =	simm.s32 $0x5800;
	s1 =	sadd.s32 s5, s1;
	[sflag:s17] =	ssyncadd.s32 $0xFFFFF800  }
0x34: {  	[tilespmem:s20], [sflag:$0x7] =	stream.linear.gather [hbm4b:s1+s12], $0x400, $0x38;
	[tilespmem:$0x1E900] =	vst v63  }
0x35: {  	_ =	swait.ge [sflag:s17], $0x400  }
0x36: {  	[sflag:s17] =	ssyncset.done $0x0  }
0x37: {  	s13 =	sor.u32 s14, s16;
	s6 =	simm.s32 $0x0;
	[sflag:s17] =	ssyncadd.s32 $0xFFFFFC00  }
.LBB2_4:
0x38: {  	s1 =	sor.u32 s6, s13  }
0x39: {  	p1 =	seq.s32 s1, $0x0  }
0x3a: {  	s1 =	simm.s32 @!p1 $0x3  }
0x3b: {  	_ =	swait.ge @!p1 [sflag:s1], $0x1000  }
0x3c: {  	[sflag:s1] =	ssyncset.done @!p1 $0x0  }
0x3d: {  	[sflag:s1] =	ssyncadd.s32 @!p1 $0xFFFFF000;
	s1 =	simm.s32 @!p1 $0x5  }
0x3e: {  	_ =	swait.ge @!p1 [sflag:s1], $0x80  }
0x3f: {  	[sflag:s1] =	ssyncset.done @!p1 $0x0  }
0x40: {  	s7 =	sshll.u32 s6, $0x8;
	[sflag:s1] =	ssyncadd.s32 @!p1 $0xFFFFFF80  }
0x41: {  	v17 =	vld [tilespmem:s7+$0x5000]  }
0x42: {  	v18 =	vld [tilespmem:s7+$0x5400]  }
0x43: {  	v19 =	vld [tilespmem:s7+$0x5010]  }
0x44: {  	v20 =	vld [tilespmem:s7+$0x5020]  }
0x45: {  	v21 =	vld [tilespmem:s7+$0x5410]  }
0x46: {  	v22 =	vld [tilespmem:s7+$0x5030]  }
0x47: {  	v23 =	vld [tilespmem:s7+$0x5420]  }
0x48: {  	v24 =	vld [tilespmem:s7+$0x5430]  }
0x49: {  	v25 =	vld.idx.msk [tilespmem:v17+s4+$0x0], $0xffff  }
0x4a: {  	v26 =	vld.idx.msk [tilespmem:v18+s18+$0x0], $0xffff  }
0x4b: {  	v28 =	vld [tilespmem:s7+$0x5800]  }
0x4c: {  	v27 =	vld.idx.msk [tilespmem:v19+s4+$0x0], $0xffff  }
0x4d: {  	v29 =	vld.idx.msk [tilespmem:v21+s18+$0x0], $0xffff  }
0x4e: {  	v31 =	vld [tilespmem:s7+$0x5810]  }
0x4f: {  	v30 =	vld.idx.msk [tilespmem:v20+s4+$0x0], $0xffff;
	v25 =	vadd.f32 v26, v25  }
0x50: {  	v26 =	vld.idx.msk [tilespmem:v23+s18+$0x0], $0xffff  }
0x51: {  	v54 =	vld [tilespmem:s7+$0x5820];
	v25 =	vadd.f32 v28, v25  }
0x52: {  	v32 =	vld.idx.msk [tilespmem:v22+s4+$0x0], $0xffff;
	v27 =	vadd.f32 v29, v27  }
0x53: {  	v55 =	vld.idx.msk [tilespmem:v24+s18+$0x0], $0xffff;
	v33 =	vmul.f32 $2.000000030e-01, v25  }
0x54: {  	v27 =	vadd.f32 v31, v27;
	vm0 =	vlt.f32 v25, $0.0e+00  }
0x55: {  	v56 =	vld [tilespmem:s7+$0x5830];
	v26 =	vadd.f32 v26, v30;
	v25 =	vsel vm0, v33, v25  }
0x56: {  	v57 =	vmul.f32 $2.000000030e-01, v27;
	v25 =	vmul.f32 $1.442695020e+00, v25  }
0x57: {  	vm13 =	vlt.f32 v27, $0.0e+00;
	v26 =	vadd.f32 v54, v26  }
0x58: {  	v58 =	vadd.f32 v55, v32;
	(erf) = vpow2.f32 v25;
	v25 =	vsel vm13, v57, v27  }
0x59: {  	v27 =	vmul.f32 $2.000000030e-01, v26;
	v25 =	vmul.f32 $1.442695020e+00, v25  }
0x5a: {  	v28 =	vadd.f32 v56, v58;
	vm14 =	vlt.f32 v26, $0.0e+00  }
0x5b: {  	(erf) = vpow2.f32 v25;
	v25 =	vsel vm14, v27, v26  }
0x5c: {  	v26 =	vmul.f32 $2.000000030e-01, v28;
	v25 =	vmul.f32 $1.442695020e+00, v25  }
0x5d: {  	vm15 =	vlt.f32 v28, $0.0e+00  }
0x5e: {  	(erf) = vpow2.f32 v25;
	v25 =	vsel vm15, v26, v28  }
0x5f: {  	v17 =	vadd.s32 v16, v17;
	v25 =	vmul.f32 $1.442695020e+00, v25  }
0x60: {  	[tilespmem:$0x9D00] =	vst v17;
	v17 =	vadd.s32 v16, v18  }
0x61: {  	[tilespmem:$0x9E00] =	vst v17;
	v17 =	vadd.s32 v16, v19;
	v26 =	vpop (erf);
	(erf) = vpow2.f32 v25  }
0x62: {  	[tilespmem:$0x9D10] =	vst v17;
	v17 =	vadd.s32 v16, v21  }
0x63: {  	[tilespmem:$0x9E10] =	vst v17;
	v17 =	vadd.s32 v16, v20  }
0x64: {  	[tilespmem:$0x9D20] =	vst v17;
	v17 =	vadd.s32 v16, v23  }
0x65: {  	[tilespmem:$0x9E20] =	vst v17;
	v17 =	vadd.s32 v16, v22  }
0x66: {  	[tilespmem:$0x9D30] =	vst v17;
	v17 =	vadd.s32 v16, v24  }
0x67: {  	[tilespmem:$0x9E30] =	vst v17  }
0x68: {  	[tilespmem:$0x5C00] =	vst v26;
	v18 =	vpop (erf)  }
0x69: {  	[tilespmem:$0x5C10] =	vst v18;
	v18 =	vpop (erf)  }
0x6a: {  	[tilespmem:$0x5C20] =	vst v18;
	v18 =	vpop (erf)  }
0x6b: {  	[tilespmem:$0x5C30] =	vst v18  }
0x6c: {  	v17 =	vld [tilespmem:s7+$0x5040]  }
0x6d: {  	v18 =	vld [tilespmem:s7+$0x5440]  }
0x6e: {  	v19 =	vld [tilespmem:s7+$0x5050]  }
0x6f: {  	v20 =	vld [tilespmem:s7+$0x5060]  }
0x70: {  	v21 =	vld [tilespmem:s7+$0x5450]  }
0x71: {  	v22 =	vld [tilespmem:s7+$0x5070]  }
0x72: {  	v23 =	vld [tilespmem:s7+$0x5460]  }
0x73: {  	v24 =	vld [tilespmem:s7+$0x5470]  }
0x74: {  	v25 =	vld.idx.msk [tilespmem:v17+s4+$0x0], $0xffff  }
0x75: {  	v26 =	vld.idx.msk [tilespmem:v18+s18+$0x0], $0xffff  }
0x76: {  	v59 =	vld [tilespmem:s7+$0x5840]  }
0x77: {  	v27 =	vld.idx.msk [tilespmem:v19+s4+$0x0], $0xffff  }
0x78: {  	v60 =	vld.idx.msk [tilespmem:v21+s18+$0x0], $0xffff  }
0x79: {  	v62 =	vld [tilespmem:s7+$0x5850]  }
0x7a: {  	v61 =	vld.idx.msk [tilespmem:v20+s4+$0x0], $0xffff;
	v25 =	vadd.f32 v26, v25  }
0x7b: {  	v26 =	vld.idx.msk [tilespmem:v23+s18+$0x0], $0xffff  }
0x7c: {  	v36 =	vld [tilespmem:s7+$0x5860];
	v25 =	vadd.f32 v59, v25  }
0x7d: {  	v63 =	vld.idx.msk [tilespmem:v22+s4+$0x0], $0xffff;
	v27 =	vadd.f32 v60, v27  }
0x7e: {  	v37 =	vld.idx.msk [tilespmem:v24+s18+$0x0], $0xffff;
	v38 =	vmul.f32 $2.000000030e-01, v25  }
0x7f: {  	v27 =	vadd.f32 v62, v27;
	vm4 =	vlt.f32 v25, $0.0e+00  }
0x80: {  	v39 =	vld [tilespmem:s7+$0x5870];
	v26 =	vadd.f32 v26, v61;
	v25 =	vsel vm4, v38, v25  }
0x81: {  	v40 =	vmul.f32 $2.000000030e-01, v27;
	v25 =	vmul.f32 $1.442695020e+00, v25  }
0x82: {  	vm5 =	vlt.f32 v27, $0.0e+00;
	v26 =	vadd.f32 v36, v26  }
0x83: {  	v41 =	vadd.f32 v37, v63;
	(erf) = vpow2.f32 v25;
	v25 =	vsel vm5, v40, v27  }
0x84: {  	v27 =	vmul.f32 $2.000000030e-01, v26;
	v25 =	vmul.f32 $1.442695020e+00, v25  }
0x85: {  	v28 =	vadd.f32 v39, v41;
	vm6 =	vlt.f32 v26, $0.0e+00  }
0x86: {  	(erf) = vpow2.f32 v25;
	v25 =	vsel vm6, v27, v26  }
0x87: {  	v26 =	vmul.f32 $2.000000030e-01, v28;
	v25 =	vmul.f32 $1.442695020e+00, v25  }
0x88: {  	vm7 =	vlt.f32 v28, $0.0e+00  }
0x89: {  	(erf) = vpow2.f32 v25;
	v25 =	vsel vm7, v26, v28  }
0x8a: {  	v17 =	vadd.s32 v16, v17;
	v25 =	vmul.f32 $1.442695020e+00, v25  }
0x8b: {  	[tilespmem:$0x9D40] =	vst v17;
	v17 =	vadd.s32 v16, v18  }
0x8c: {  	[tilespmem:$0x9E40] =	vst v17;
	v17 =	vadd.s32 v16, v19;
	v26 =	vpop (erf);
	(erf) = vpow2.f32 v25  }
0x8d: {  	[tilespmem:$0x9D50] =	vst v17;
	v17 =	vadd.s32 v16, v21  }
0x8e: {  	[tilespmem:$0x9E50] =	vst v17;
	v17 =	vadd.s32 v16, v20  }
0x8f: {  	[tilespmem:$0x9D60] =	vst v17;
	v17 =	vadd.s32 v16, v23  }
0x90: {  	[tilespmem:$0x9E60] =	vst v17;
	v17 =	vadd.s32 v16, v22  }
0x91: {  	[tilespmem:$0x9D70] =	vst v17;
	v17 =	vadd.s32 v16, v24  }
0x92: {  	[tilespmem:$0x9E70] =	vst v17  }
0x93: {  	[tilespmem:$0x5C40] =	vst v26;
	v18 =	vpop (erf)  }
0x94: {  	[tilespmem:$0x5C50] =	vst v18;
	v18 =	vpop (erf)  }
0x95: {  	[tilespmem:$0x5C60] =	vst v18;
	v18 =	vpop (erf)  }
0x96: {  	s1 =	simm.s32 @!p1 $0x4;
	[tilespmem:$0x5C70] =	vst v18  }
0x97: {  	[tilespmem:s23], [sflag:$0x1] =	stream.indirect.gather [hbm4b:s8+s21], $0x20, s22, s21, $0xb8;
	[tilespmem:$0x1E900] =	vst v63  }
0x98: {  	_ =	swait.ge @!p1 [sflag:s1], $0x1000  }
0x99: {  	[sflag:s1] =	ssyncset.done @!p1 $0x0  }
0x9a: {  	[sflag:s1] =	ssyncadd.s32 @!p1 $0xFFFFF000;
	s1 =	simm.s32 @!p1 $0x6  }
0x9b: {  	_ =	swait.ge @!p1 [sflag:s1], $0x80  }
0x9c: {  	[sflag:s1] =	ssyncset.done @!p1 $0x0  }
0x9d: {  	[sflag:s1] =	ssyncadd.s32 @!p1 $0xFFFFFF80  }
0x9e: {  	v17 =	vld [tilespmem:s7+$0x5080]  }
0x9f: {  	v18 =	vld [tilespmem:s7+$0x5480]  }
0xa0: {  	v19 =	vld [tilespmem:s7+$0x5090]  }
0xa1: {  	v20 =	vld [tilespmem:s7+$0x50A0]  }
0xa2: {  	v21 =	vld [tilespmem:s7+$0x5490]  }
0xa3: {  	v22 =	vld [tilespmem:s7+$0x50B0]  }
0xa4: {  	v23 =	vld [tilespmem:s7+$0x54A0]  }
0xa5: {  	s20 =	simm.s32 $0x0;
	v24 =	vld [tilespmem:s7+$0x54B0]  }
0xa6: {  	v25 =	vld.idx.msk [tilespmem:v17+s20+$0x0], $0xffff  }
0xa7: {  	v26 =	vld.idx.msk [tilespmem:v18+s18+$0x0], $0xffff  }
0xa8: {  	v42 =	vld [tilespmem:s7+$0x5880]  }
0xa9: {  	v27 =	vld.idx.msk [tilespmem:v19+s20+$0x0], $0xffff  }
0xaa: {  	v43 =	vld.idx.msk [tilespmem:v21+s18+$0x0], $0xffff  }
0xab: {  	v45 =	vld [tilespmem:s7+$0x5890]  }
0xac: {  	v44 =	vld.idx.msk [tilespmem:v20+s20+$0x0], $0xffff;
	v25 =	vadd.f32 v26, v25  }
0xad: {  	v26 =	vld.idx.msk [tilespmem:v23+s18+$0x0], $0xffff  }
0xae: {  	v47 =	vld [tilespmem:s7+$0x58A0];
	v25 =	vadd.f32 v42, v25  }
0xaf: {  	v46 =	vld.idx.msk [tilespmem:v22+s20+$0x0], $0xffff;
	v27 =	vadd.f32 v43, v27  }
0xb0: {  	v48 =	vld.idx.msk [tilespmem:v24+s18+$0x0], $0xffff;
	v49 =	vmul.f32 $2.000000030e-01, v25  }
0xb1: {  	v27 =	vadd.f32 v45, v27;
	vm8 =	vlt.f32 v25, $0.0e+00  }
0xb2: {  	v50 =	vld [tilespmem:s7+$0x58B0];
	v26 =	vadd.f32 v26, v44;
	v25 =	vsel vm8, v49, v25  }
0xb3: {  	v51 =	vmul.f32 $2.000000030e-01, v27;
	v25 =	vmul.f32 $1.442695020e+00, v25  }
0xb4: {  	vm9 =	vlt.f32 v27, $0.0e+00;
	v26 =	vadd.f32 v47, v26  }
0xb5: {  	v52 =	vadd.f32 v48, v46;
	(erf) = vpow2.f32 v25;
	v25 =	vsel vm9, v51, v27  }
0xb6: {  	v27 =	vmul.f32 $2.000000030e-01, v26;
	v25 =	vmul.f32 $1.442695020e+00, v25  }
0xb7: {  	v28 =	vadd.f32 v50, v52;
	vm10 =	vlt.f32 v26, $0.0e+00  }
0xb8: {  	(erf) = vpow2.f32 v25;
	v25 =	vsel vm10, v27, v26  }
0xb9: {  	v26 =	vmul.f32 $2.000000030e-01, v28;
	v25 =	vmul.f32 $1.442695020e+00, v25  }
0xba: {  	vm11 =	vlt.f32 v28, $0.0e+00  }
0xbb: {  	(erf) = vpow2.f32 v25;
	v25 =	vsel vm11, v26, v28  }
0xbc: {  	v17 =	vadd.s32 v16, v17;
	v25 =	vmul.f32 $1.442695020e+00, v25  }
0xbd: {  	[tilespmem:$0x9D80] =	vst v17;
	v17 =	vadd.s32 v16, v18  }
0xbe: {  	[tilespmem:$0x9E80] =	vst v17;
	v17 =	vadd.s32 v16, v19;
	v26 =	vpop (erf);
	(erf) = vpow2.f32 v25  }
0xbf: {  	[tilespmem:$0x9D90] =	vst v17;
	v17 =	vadd.s32 v16, v21  }
0xc0: {  	[tilespmem:$0x9E90] =	vst v17;
	v17 =	vadd.s32 v16, v20  }
0xc1: {  	[tilespmem:$0x9DA0] =	vst v17;
	v17 =	vadd.s32 v16, v23  }
0xc2: {  	[tilespmem:$0x9EA0] =	vst v17;
	v17 =	vadd.s32 v16, v22  }
0xc3: {  	[tilespmem:$0x9DB0] =	vst v17;
	v17 =	vadd.s32 v16, v24  }
0xc4: {  	[tilespmem:$0x9EB0] =	vst v17  }
0xc5: {  	[tilespmem:$0x5C80] =	vst v26;
	v18 =	vpop (erf)  }
0xc6: {  	[tilespmem:$0x5C90] =	vst v18;
	v18 =	vpop (erf)  }
0xc7: {  	[tilespmem:$0x5CA0] =	vst v18;
	v18 =	vpop (erf)  }
0xc8: {  	[tilespmem:$0x5CB0] =	vst v18  }
0xc9: {  	v17 =	vld [tilespmem:s7+$0x50C0]  }
0xca: {  	v18 =	vld [tilespmem:s7+$0x54C0]  }
0xcb: {  	v19 =	vld [tilespmem:s7+$0x50D0]  }
0xcc: {  	v20 =	vld [tilespmem:s7+$0x50E0]  }
0xcd: {  	v21 =	vld [tilespmem:s7+$0x54D0]  }
0xce: {  	v22 =	vld [tilespmem:s7+$0x50F0]  }
0xcf: {  	v23 =	vld [tilespmem:s7+$0x54E0]  }
0xd0: {  	v24 =	vld [tilespmem:s7+$0x54F0]  }
0xd1: {  	v25 =	vld.idx.msk [tilespmem:v17+s20+$0x0], $0xffff  }
0xd2: {  	v26 =	vld.idx.msk [tilespmem:v18+s18+$0x0], $0xffff  }
0xd3: {  	v53 =	vld [tilespmem:s7+$0x58C0]  }
0xd4: {  	v27 =	vld.idx.msk [tilespmem:v19+s20+$0x0], $0xffff  }
0xd5: {  	v54 =	vld.idx.msk [tilespmem:v21+s18+$0x0], $0xffff  }
0xd6: {  	v56 =	vld [tilespmem:s7+$0x58D0]  }
0xd7: {  	v55 =	vld.idx.msk [tilespmem:v20+s20+$0x0], $0xffff;
	v25 =	vadd.f32 v26, v25  }
0xd8: {  	v26 =	vld.idx.msk [tilespmem:v23+s18+$0x0], $0xffff  }
0xd9: {  	v58 =	vld [tilespmem:s7+$0x58E0];
	v25 =	vadd.f32 v53, v25  }
0xda: {  	v57 =	vld.idx.msk [tilespmem:v22+s20+$0x0], $0xffff;
	v27 =	vadd.f32 v54, v27  }
0xdb: {  	v59 =	vld.idx.msk [tilespmem:v24+s18+$0x0], $0xffff;
	v60 =	vmul.f32 $2.000000030e-01, v25  }
0xdc: {  	v27 =	vadd.f32 v56, v27;
	vm12 =	vlt.f32 v25, $0.0e+00  }
0xdd: {  	v61 =	vld [tilespmem:s7+$0x58F0];
	v26 =	vadd.f32 v26, v55;
	v25 =	vsel vm12, v60, v25  }
0xde: {  	v62 =	vmul.f32 $2.000000030e-01, v27;
	v25 =	vmul.f32 $1.442695020e+00, v25  }
0xdf: {  	vm13 =	vlt.f32 v27, $0.0e+00;
	v26 =	vadd.f32 v58, v26  }
0xe0: {  	v63 =	vadd.f32 v59, v57;
	(erf) = vpow2.f32 v25;
	v25 =	vsel vm13, v62, v27  }
0xe1: {  	v27 =	vmul.f32 $2.000000030e-01, v26;
	v25 =	vmul.f32 $1.442695020e+00, v25  }
0xe2: {  	v28 =	vadd.f32 v61, v63;
	vm14 =	vlt.f32 v26, $0.0e+00  }
0xe3: {  	(erf) = vpow2.f32 v25;
	v25 =	vsel vm14, v27, v26  }
0xe4: {  	v26 =	vmul.f32 $2.000000030e-01, v28;
	v25 =	vmul.f32 $1.442695020e+00, v25  }
0xe5: {  	vm15 =	vlt.f32 v28, $0.0e+00  }
0xe6: {  	(erf) = vpow2.f32 v25;
	v25 =	vsel vm15, v26, v28  }
0xe7: {  	v17 =	vadd.s32 v16, v17;
	v25 =	vmul.f32 $1.442695020e+00, v25  }
0xe8: {  	[tilespmem:$0x9DC0] =	vst v17;
	v17 =	vadd.s32 v16, v18  }
0xe9: {  	[tilespmem:$0x9EC0] =	vst v17;
	v17 =	vadd.s32 v16, v19;
	v26 =	vpop (erf);
	(erf) = vpow2.f32 v25  }
0xea: {  	[tilespmem:$0x9DD0] =	vst v17;
	v17 =	vadd.s32 v16, v21  }
0xeb: {  	[tilespmem:$0x9ED0] =	vst v17;
	v17 =	vadd.s32 v16, v20  }
0xec: {  	[tilespmem:$0x9DE0] =	vst v17;
	v17 =	vadd.s32 v16, v23  }
0xed: {  	[tilespmem:$0x9EE0] =	vst v17;
	v17 =	vadd.s32 v16, v22  }
0xee: {  	[tilespmem:$0x9DF0] =	vst v17;
	v17 =	vadd.s32 v16, v24  }
0xef: {  	[tilespmem:$0x9EF0] =	vst v17  }
0xf0: {  	[tilespmem:$0x5CC0] =	vst v26;
	v18 =	vpop (erf)  }
0xf1: {  	[tilespmem:$0x5CD0] =	vst v18;
	v18 =	vpop (erf)  }
0xf2: {  	[tilespmem:$0x5CE0] =	vst v18;
	v18 =	vpop (erf)  }
0xf3: {  	[tilespmem:$0x5CF0] =	vst v18  }
0xf4: {  	[tilespmem:s25], [sflag:$0x2] =	stream.indirect.gather [hbm4b:s8+s21], $0x20, s24, s21, $0xb8;
	[tilespmem:$0x1E900] =	vst v63  }
0xf5: {  	_ =	swait.ge [sflag:s26], $0x1000  }
0xf6: {  	[sflag:s26] =	ssyncset.done $0x0  }
0xf7: {  	s7 =	simm.s32 $0x0;
	[sflag:s26] =	ssyncadd.s32 $0xFFFFF000  }
0xf8: {  	v26 =	vld [tilespmem:s7+$0x5D00]  }
0xf9: {  	v25 =	vld [tilespmem:s7+$0x5D10]  }
0xfa: {  	v24 =	vld [tilespmem:s7+$0x5D20]  }
0xfb: {  	v23 =	vld [tilespmem:s7+$0x5D30]  }
0xfc: {  	v22 =	vld [tilespmem:s7+$0x5D40]  }
0xfd: {  	v21 =	vld [tilespmem:s7+$0x5D50]  }
0xfe: {  	v19 =	vld [tilespmem:s7+$0x5D60]  }
0xff: {  	v20 =	vld [tilespmem:s7+$0x5D70]  }
0x100: {  	s1 =	simm.s32 $0x5C00;
	v18 =	vld [tilespmem:s7+$0x5D80]  }
0x101: {  	s19 =	simm.s32 $0x800;
	v17 =	vld [tilespmem:s1+$0x0]  }
.LBB2_5:
0x102: {  	p1 =	sne.s32 s19, $0x3800;
	v27 =	vld [tilespmem:s7+$0x5D90]  }
0x103: {  	v28 =	vld [tilespmem:s7+$0x5DA0]  }
0x104: {  	v29 =	vld [tilespmem:s7+$0x5DB0]  }
0x105: {  	v30 =	vld [tilespmem:s7+$0x5DC0]  }
0x106: {  	v31 =	vperm.xlane v17, v0;
	v32 =	vperm.xlane v17, v1;
	v33 =	vld [tilespmem:s7+$0x5DD0]  }
0x107: {  	v34 =	vperm.xlane v17, v2;
	v35 =	vperm.xlane v17, v3;
	v36 =	vld [tilespmem:s7+$0x5DE0]  }
0x108: {  	v26 =	vmul.f32 v26, v31;
	v25 =	vmul.f32 v25, v31;
	v31 =	vld [tilespmem:s7+$0x5DF0]  }
0x109: {  	v24 =	vmul.f32 v24, v32;
	v23 =	vmul.f32 v23, v32;
	v32 =	vld [tilespmem:s7+$0x5E00]  }
0x10a: {  	v22 =	vmul.f32 v22, v34;
	v21 =	vmul.f32 v21, v34;
	[tilespmem:s7+$0x7D00] =	vst v26;
	v26 =	vld [tilespmem:s7+$0x5E10]  }
0x10b: {  	v19 =	vmul.f32 v19, v35;
	v20 =	vmul.f32 v20, v35;
	[tilespmem:s7+$0x7D10] =	vst v25;
	v25 =	vld [tilespmem:s7+$0x5E20]  }
0x10c: {  	v34 =	vperm.xlane v17, v5;
	[tilespmem:s7+$0x7D20] =	vst v24;
	v24 =	vperm.xlane v17, v4;
	v35 =	vld [tilespmem:s7+$0x5E30]  }
0x10d: {  	v37 =	vperm.xlane v17, v7;
	[tilespmem:s7+$0x7D30] =	vst v23;
	v23 =	vperm.xlane v17, v6;
	v38 =	vld [tilespmem:s7+$0x5E40]  }
0x10e: {  	[tilespmem:s7+$0x7D40] =	vst v22;
	v18 =	vmul.f32 v18, v24;
	v22 =	vmul.f32 v27, v24;
	v24 =	vld [tilespmem:s7+$0x5E50]  }
0x10f: {  	v27 =	vmul.f32 v29, v34;
	[tilespmem:s7+$0x7D50] =	vst v21;
	v21 =	vmul.f32 v28, v34;
	v28 =	vld [tilespmem:s7+$0x5E60]  }
0x110: {  	[tilespmem:s7+$0x7D60] =	vst v19;
	v19 =	vmul.f32 v30, v23;
	v23 =	vmul.f32 v33, v23;
	v29 =	vld [tilespmem:s7+$0x5E70]  }
0x111: {  	v30 =	vmul.f32 v31, v37;
	[tilespmem:s7+$0x7D70] =	vst v20;
	v20 =	vmul.f32 v36, v37;
	v31 =	vld [tilespmem:s7+$0x5E80]  }
0x112: {  	v33 =	vperm.xlane v17, v9;
	[tilespmem:s7+$0x7D80] =	vst v18;
	v18 =	vperm.xlane v17, v8;
	v34 =	vld [tilespmem:s7+$0x5E90]  }
0x113: {  	v36 =	vperm.xlane v17, v11;
	[tilespmem:s7+$0x7D90] =	vst v22;
	v22 =	vperm.xlane v17, v10;
	v37 =	vld [tilespmem:s7+$0x5EA0]  }
0x114: {  	[tilespmem:s7+$0x7DA0] =	vst v21;
	v21 =	vmul.f32 v32, v18;
	v18 =	vmul.f32 v26, v18;
	v26 =	vld [tilespmem:s7+$0x5EB0]  }
0x115: {  	v25 =	vmul.f32 v25, v33;
	[tilespmem:s7+$0x7DB0] =	vst v27;
	v27 =	vmul.f32 v35, v33;
	v32 =	vld [tilespmem:s7+$0x5EC0]  }
0x116: {  	[tilespmem:s7+$0x7DC0] =	vst v19;
	v19 =	vmul.f32 v38, v22;
	v22 =	vmul.f32 v24, v22;
	v24 =	vld [tilespmem:s7+$0x5ED0]  }
0x117: {  	[tilespmem:s7+$0x7DD0] =	vst v23;
	v23 =	vmul.f32 v28, v36;
	v28 =	vmul.f32 v29, v36;
	v29 =	vld [tilespmem:s7+$0x5EE0]  }
0x118: {  	v33 =	vperm.xlane v17, v13;
	[tilespmem:s7+$0x7DE0] =	vst v20;
	v20 =	vperm.xlane v17, v12;
	v35 =	vld [tilespmem:s7+$0x5EF0]  }
0x119: {  	[tilespmem:s7+$0x7DF0] =	vst v30;
	v30 =	vperm.xlane v17, v14;
	v17 =	vperm.xlane v17, v15  }
0x11a: {  	[tilespmem:s7+$0x7E00] =	vst v21;
	v21 =	vmul.f32 v31, v20;
	v20 =	vmul.f32 v34, v20  }
0x11b: {  	v31 =	vmul.f32 v26, v33;
	[tilespmem:s7+$0x7E10] =	vst v18;
	v18 =	vmul.f32 v37, v33  }
0x11c: {  	v32 =	vmul.f32 v32, v30;
	v30 =	vmul.f32 v24, v30;
	[tilespmem:s7+$0x7E20] =	vst v25  }
0x11d: {  	[tilespmem:s7+$0x7E30] =	vst v27;
	v27 =	vmul.f32 v29, v17;
	v17 =	vmul.f32 v35, v17  }
0x11e: {  	[tilespmem:s7+$0x7E40] =	vst v19  }
0x11f: {  	[tilespmem:s7+$0x7E50] =	vst v22  }
0x120: {  	s20 =	sshra.s32 s19, $0x2;
	[tilespmem:s7+$0x7E60] =	vst v23  }
0x121: {  	v26 =	vld [tilespmem:s20+$0x5D00];
	[tilespmem:s7+$0x7E70] =	vst v28  }
0x122: {  	v25 =	vld [tilespmem:s20+$0x5D10];
	[tilespmem:s7+$0x7E80] =	vst v21  }
0x123: {  	v24 =	vld [tilespmem:s20+$0x5D20];
	[tilespmem:s7+$0x7E90] =	vst v20  }
0x124: {  	v23 =	vld [tilespmem:s20+$0x5D30];
	[tilespmem:s7+$0x7EA0] =	vst v18  }
0x125: {  	v22 =	vld [tilespmem:s20+$0x5D40];
	[tilespmem:s7+$0x7EB0] =	vst v31  }
.Ltmp0:
0x126: {  	v21 =	vld [tilespmem:s20+$0x5D50];
	[tilespmem:s7+$0x7EC0] =	vst v32;
	(pc) =	sbr.rel @p1 .LBB2_5-.Ltmp0, $4  }
0x127: {  	v19 =	vld [tilespmem:s20+$0x5D60];
	[tilespmem:s7+$0x7ED0] =	vst v30  }
0x128: {  	v20 =	vld [tilespmem:s20+$0x5D70];
	[tilespmem:s7+$0x7EE0] =	vst v27  }
0x129: {  	s1 =	sadd.s32 $0x10, s1;
	v18 =	vld [tilespmem:s20+$0x5D80];
	[tilespmem:s7+$0x7EF0] =	vst v17;
	s7 =	smov.u32 s20  }
0x12a: {  	s19 =	sadd.s32 $0x800, s19;
	v17 =	vld [tilespmem:s1+$0x0]  }
0x12b: {  	_ =	sdelay $0x3  }
0x12c: {  	v31 =	vperm.xlane v17, v0;
	_ =	sdelay $0x1  }
0x12d: {  	v36 =	vperm.xlane v17, v1;
	v26 =	vmul.f32 v26, v31  }
0x12e: {  	v25 =	vmul.f32 v25, v31  }
0x12f: {  	v49 =	vperm.xlane v17, v2;
	v24 =	vmul.f32 v24, v36;
	[tilespmem:s7+$0x7D00] =	vst v26  }
0x130: {  	v23 =	vmul.f32 v23, v36;
	[tilespmem:s7+$0x7D10] =	vst v25  }
0x131: {  	v27 =	vld [tilespmem:s7+$0x5D90];
	v50 =	vperm.xlane v17, v3;
	v22 =	vmul.f32 v22, v49;
	[tilespmem:s7+$0x7D20] =	vst v24  }
0x132: {  	v28 =	vld [tilespmem:s7+$0x5DA0];
	v21 =	vmul.f32 v21, v49;
	[tilespmem:s7+$0x7D30] =	vst v23  }
0x133: {  	v29 =	vld [tilespmem:s7+$0x5DB0];
	v51 =	vperm.xlane v17, v4;
	v19 =	vmul.f32 v19, v50;
	[tilespmem:s7+$0x7D40] =	vst v22  }
0x134: {  	v30 =	vld [tilespmem:s7+$0x5DC0];
	v20 =	vmul.f32 v20, v50;
	[tilespmem:s7+$0x7D50] =	vst v21  }
0x135: {  	v32 =	vld [tilespmem:s7+$0x5DD0];
	v52 =	vperm.xlane v17, v5;
	v18 =	vmul.f32 v18, v51;
	[tilespmem:s7+$0x7D60] =	vst v19  }
0x136: {  	v33 =	vld [tilespmem:s7+$0x5DE0];
	v27 =	vmul.f32 v27, v51;
	[tilespmem:s7+$0x7D70] =	vst v20  }
0x137: {  	v34 =	vld [tilespmem:s7+$0x5DF0];
	v53 =	vperm.xlane v17, v6;
	v28 =	vmul.f32 v28, v52;
	[tilespmem:s7+$0x7D80] =	vst v18  }
0x138: {  	v35 =	vld [tilespmem:s7+$0x5E00];
	v29 =	vmul.f32 v29, v52;
	[tilespmem:s7+$0x7D90] =	vst v27  }
0x139: {  	v56 =	vperm.xlane v17, v7;
	v30 =	vmul.f32 v30, v53;
	v26 =	vld [tilespmem:s7+$0x5E10];
	[tilespmem:s7+$0x7DA0] =	vst v28  }
0x13a: {  	v31 =	vmul.f32 v32, v53;
	v25 =	vld [tilespmem:s7+$0x5E20];
	[tilespmem:s7+$0x7DB0] =	vst v29  }
0x13b: {  	v59 =	vperm.xlane v17, v8;
	v58 =	vmul.f32 v33, v56;
	v24 =	vld [tilespmem:s7+$0x5E30];
	[tilespmem:s7+$0x7DC0] =	vst v30  }
0x13c: {  	v34 =	vmul.f32 v34, v56;
	v23 =	vld [tilespmem:s7+$0x5E40];
	[tilespmem:s7+$0x7DD0] =	vst v31  }
0x13d: {  	v61 =	vperm.xlane v17, v9;
	v35 =	vmul.f32 v35, v59;
	v22 =	vld [tilespmem:s7+$0x5E50];
	[tilespmem:s7+$0x7DE0] =	vst v58  }
0x13e: {  	v21 =	vld [tilespmem:s7+$0x5E60];
	[tilespmem:s7+$0x7DF0] =	vst v34;
	v26 =	vmul.f32 v26, v59  }
0x13f: {  	v63 =	vperm.xlane v17, v10;
	v19 =	vld [tilespmem:s7+$0x5E70];
	[tilespmem:s7+$0x7E00] =	vst v35;
	v25 =	vmul.f32 v25, v61  }
0x140: {  	v20 =	vld [tilespmem:s7+$0x5E80];
	v24 =	vmul.f32 v24, v61;
	[tilespmem:s7+$0x7E10] =	vst v26  }
0x141: {  	v18 =	vld [tilespmem:s7+$0x5E90];
	v23 =	vmul.f32 v23, v63;
	v26 =	vperm.xlane v17, v11;
	[tilespmem:s7+$0x7E20] =	vst v25  }
0x142: {  	v27 =	vld [tilespmem:s7+$0x5EA0];
	v22 =	vmul.f32 v22, v63;
	[tilespmem:s7+$0x7E30] =	vst v24  }
0x143: {  	v54 =	vld [tilespmem:s7+$0x5EB0];
	v24 =	vperm.xlane v17, v12;
	[tilespmem:s7+$0x7E40] =	vst v23;
	v21 =	vmul.f32 v21, v26  }
0x144: {  	v55 =	vld [tilespmem:s7+$0x5EC0];
	[tilespmem:s7+$0x7E50] =	vst v22;
	v19 =	vmul.f32 v19, v26  }
0x145: {  	v57 =	vld [tilespmem:s7+$0x5ED0];
	v22 =	vperm.xlane v17, v13;
	v20 =	vmul.f32 v20, v24;
	[tilespmem:s7+$0x7E60] =	vst v21  }
0x146: {  	v60 =	vld [tilespmem:s7+$0x5EE0];
	v18 =	vmul.f32 v18, v24;
	[tilespmem:s7+$0x7E70] =	vst v19  }
0x147: {  	v62 =	vld [tilespmem:s7+$0x5EF0];
	v19 =	vperm.xlane v17, v14;
	v21 =	vmul.f32 v27, v22;
	[tilespmem:s7+$0x7E80] =	vst v20  }
0x148: {  	v20 =	vmul.f32 v54, v22;
	[tilespmem:s7+$0x7E90] =	vst v18  }
0x149: {  	v17 =	vperm.xlane v17, v15;
	v18 =	vmul.f32 v55, v19;
	[tilespmem:s7+$0x7EA0] =	vst v21  }
0x14a: {  	v19 =	vmul.f32 v57, v19;
	[tilespmem:s7+$0x7EB0] =	vst v20  }
0x14b: {  	v20 =	vmul.f32 v60, v17;
	[tilespmem:s7+$0x7EC0] =	vst v18  }
0x14c: {  	v17 =	vmul.f32 v62, v17;
	[tilespmem:s7+$0x7ED0] =	vst v19  }
0x14d: {  	[tilespmem:s7+$0x7EE0] =	vst v20  }
0x14e: {  	[tilespmem:s7+$0x7EF0] =	vst v17  }
0x14f: {  	[spmem:s2] =	stream.indirect.scatter.add.f32 [tilespmem:s29], [sflag:$0x3], $0x20, s28, s21, $0xb8;
	[tilespmem:$0x1E900] =	vst v63  }
0x150: {  	_ = 	snop  }
0x151: {  	[spmem:s3] =	stream.indirect.scatter.add.f32 [tilespmem:s30], [sflag:$0x5], $0x1, s28, s21, $0xb8;
	[tilespmem:$0x1E900] =	vst v63  }
0x152: {  	_ =	swait.ge [sflag:s31], $0x1000  }
0x153: {  	[sflag:s31] =	ssyncset.done $0x0  }
0x154: {  	s7 =	simm.s32 $0x0;
	[sflag:s31] =	ssyncadd.s32 $0xFFFFF000  }
0x155: {  	v26 =	vld [tilespmem:s7+$0x6D00]  }
0x156: {  	v25 =	vld [tilespmem:s7+$0x6D10]  }
0x157: {  	v24 =	vld [tilespmem:s7+$0x6D20]  }
0x158: {  	v23 =	vld [tilespmem:s7+$0x6D30]  }
0x159: {  	v22 =	vld [tilespmem:s7+$0x6D40]  }
0x15a: {  	v21 =	vld [tilespmem:s7+$0x6D50]  }
0x15b: {  	v19 =	vld [tilespmem:s7+$0x6D60]  }
0x15c: {  	v20 =	vld [tilespmem:s7+$0x6D70]  }
0x15d: {  	s1 =	simm.s32 $0x5C80;
	v18 =	vld [tilespmem:s7+$0x6D80]  }
0x15e: {  	s19 =	simm.s32 $0x800;
	v17 =	vld [tilespmem:s1+$0x0]  }
.LBB2_7:
0x15f: {  	p1 =	sne.s32 s19, $0x3800;
	v27 =	vld [tilespmem:s7+$0x6D90]  }
0x160: {  	v28 =	vld [tilespmem:s7+$0x6DA0]  }
0x161: {  	v29 =	vld [tilespmem:s7+$0x6DB0]  }
0x162: {  	v30 =	vld [tilespmem:s7+$0x6DC0]  }
0x163: {  	v31 =	vperm.xlane v17, v0;
	v32 =	vperm.xlane v17, v1;
	v33 =	vld [tilespmem:s7+$0x6DD0]  }
0x164: {  	v34 =	vperm.xlane v17, v2;
	v35 =	vperm.xlane v17, v3;
	v36 =	vld [tilespmem:s7+$0x6DE0]  }
0x165: {  	v26 =	vmul.f32 v26, v31;
	v25 =	vmul.f32 v25, v31;
	v31 =	vld [tilespmem:s7+$0x6DF0]  }
0x166: {  	v24 =	vmul.f32 v24, v32;
	v23 =	vmul.f32 v23, v32;
	v32 =	vld [tilespmem:s7+$0x6E00]  }
0x167: {  	v22 =	vmul.f32 v22, v34;
	v21 =	vmul.f32 v21, v34;
	[tilespmem:s7+$0x8D00] =	vst v26;
	v26 =	vld [tilespmem:s7+$0x6E10]  }
0x168: {  	v19 =	vmul.f32 v19, v35;
	v20 =	vmul.f32 v20, v35;
	[tilespmem:s7+$0x8D10] =	vst v25;
	v25 =	vld [tilespmem:s7+$0x6E20]  }
0x169: {  	v34 =	vperm.xlane v17, v5;
	[tilespmem:s7+$0x8D20] =	vst v24;
	v24 =	vperm.xlane v17, v4;
	v35 =	vld [tilespmem:s7+$0x6E30]  }
0x16a: {  	v37 =	vperm.xlane v17, v7;
	[tilespmem:s7+$0x8D30] =	vst v23;
	v23 =	vperm.xlane v17, v6;
	v38 =	vld [tilespmem:s7+$0x6E40]  }
0x16b: {  	[tilespmem:s7+$0x8D40] =	vst v22;
	v18 =	vmul.f32 v18, v24;
	v22 =	vmul.f32 v27, v24;
	v24 =	vld [tilespmem:s7+$0x6E50]  }
0x16c: {  	v27 =	vmul.f32 v29, v34;
	[tilespmem:s7+$0x8D50] =	vst v21;
	v21 =	vmul.f32 v28, v34;
	v28 =	vld [tilespmem:s7+$0x6E60]  }
0x16d: {  	[tilespmem:s7+$0x8D60] =	vst v19;
	v19 =	vmul.f32 v30, v23;
	v23 =	vmul.f32 v33, v23;
	v29 =	vld [tilespmem:s7+$0x6E70]  }
0x16e: {  	v30 =	vmul.f32 v31, v37;
	[tilespmem:s7+$0x8D70] =	vst v20;
	v20 =	vmul.f32 v36, v37;
	v31 =	vld [tilespmem:s7+$0x6E80]  }
0x16f: {  	v33 =	vperm.xlane v17, v9;
	[tilespmem:s7+$0x8D80] =	vst v18;
	v18 =	vperm.xlane v17, v8;
	v34 =	vld [tilespmem:s7+$0x6E90]  }
0x170: {  	v36 =	vperm.xlane v17, v11;
	[tilespmem:s7+$0x8D90] =	vst v22;
	v22 =	vperm.xlane v17, v10;
	v37 =	vld [tilespmem:s7+$0x6EA0]  }
0x171: {  	[tilespmem:s7+$0x8DA0] =	vst v21;
	v21 =	vmul.f32 v32, v18;
	v18 =	vmul.f32 v26, v18;
	v26 =	vld [tilespmem:s7+$0x6EB0]  }
0x172: {  	v25 =	vmul.f32 v25, v33;
	[tilespmem:s7+$0x8DB0] =	vst v27;
	v27 =	vmul.f32 v35, v33;
	v32 =	vld [tilespmem:s7+$0x6EC0]  }
0x173: {  	[tilespmem:s7+$0x8DC0] =	vst v19;
	v19 =	vmul.f32 v38, v22;
	v22 =	vmul.f32 v24, v22;
	v24 =	vld [tilespmem:s7+$0x6ED0]  }
0x174: {  	[tilespmem:s7+$0x8DD0] =	vst v23;
	v23 =	vmul.f32 v28, v36;
	v28 =	vmul.f32 v29, v36;
	v29 =	vld [tilespmem:s7+$0x6EE0]  }
0x175: {  	v33 =	vperm.xlane v17, v13;
	[tilespmem:s7+$0x8DE0] =	vst v20;
	v20 =	vperm.xlane v17, v12;
	v35 =	vld [tilespmem:s7+$0x6EF0]  }
0x176: {  	[tilespmem:s7+$0x8DF0] =	vst v30;
	v30 =	vperm.xlane v17, v14;
	v17 =	vperm.xlane v17, v15  }
0x177: {  	[tilespmem:s7+$0x8E00] =	vst v21;
	v21 =	vmul.f32 v31, v20;
	v20 =	vmul.f32 v34, v20  }
0x178: {  	v31 =	vmul.f32 v26, v33;
	[tilespmem:s7+$0x8E10] =	vst v18;
	v18 =	vmul.f32 v37, v33  }
0x179: {  	v32 =	vmul.f32 v32, v30;
	v30 =	vmul.f32 v24, v30;
	[tilespmem:s7+$0x8E20] =	vst v25  }
0x17a: {  	[tilespmem:s7+$0x8E30] =	vst v27;
	v27 =	vmul.f32 v29, v17;
	v17 =	vmul.f32 v35, v17  }
0x17b: {  	[tilespmem:s7+$0x8E40] =	vst v19  }
0x17c: {  	[tilespmem:s7+$0x8E50] =	vst v22  }
0x17d: {  	s20 =	sshra.s32 s19, $0x2;
	[tilespmem:s7+$0x8E60] =	vst v23  }
0x17e: {  	v26 =	vld [tilespmem:s20+$0x6D00];
	[tilespmem:s7+$0x8E70] =	vst v28  }
0x17f: {  	v25 =	vld [tilespmem:s20+$0x6D10];
	[tilespmem:s7+$0x8E80] =	vst v21  }
0x180: {  	v24 =	vld [tilespmem:s20+$0x6D20];
	[tilespmem:s7+$0x8E90] =	vst v20  }
0x181: {  	v23 =	vld [tilespmem:s20+$0x6D30];
	[tilespmem:s7+$0x8EA0] =	vst v18  }
0x182: {  	v22 =	vld [tilespmem:s20+$0x6D40];
	[tilespmem:s7+$0x8EB0] =	vst v31  }
.Ltmp1:
0x183: {  	v21 =	vld [tilespmem:s20+$0x6D50];
	[tilespmem:s7+$0x8EC0] =	vst v32;
	(pc) =	sbr.rel @p1 .LBB2_7-.Ltmp1, $4  }
0x184: {  	v19 =	vld [tilespmem:s20+$0x6D60];
	[tilespmem:s7+$0x8ED0] =	vst v30  }
0x185: {  	v20 =	vld [tilespmem:s20+$0x6D70];
	[tilespmem:s7+$0x8EE0] =	vst v27  }
0x186: {  	s1 =	sadd.s32 $0x10, s1;
	v18 =	vld [tilespmem:s20+$0x6D80];
	[tilespmem:s7+$0x8EF0] =	vst v17;
	s7 =	smov.u32 s20  }
0x187: {  	s19 =	sadd.s32 $0x800, s19;
	v17 =	vld [tilespmem:s1+$0x0]  }
0x188: {  	_ =	sdelay $0x3  }
0x189: {  	v31 =	vperm.xlane v17, v0;
	_ =	sdelay $0x1  }
0x18a: {  	v36 =	vperm.xlane v17, v1;
	v26 =	vmul.f32 v26, v31  }
0x18b: {  	v25 =	vmul.f32 v25, v31  }
0x18c: {  	v61 =	vperm.xlane v17, v2;
	v24 =	vmul.f32 v24, v36;
	[tilespmem:s7+$0x8D00] =	vst v26  }
0x18d: {  	v23 =	vmul.f32 v23, v36;
	[tilespmem:s7+$0x8D10] =	vst v25  }
0x18e: {  	v27 =	vld [tilespmem:s7+$0x6D90];
	v40 =	vperm.xlane v17, v3;
	v22 =	vmul.f32 v22, v61;
	[tilespmem:s7+$0x8D20] =	vst v24  }
0x18f: {  	v28 =	vld [tilespmem:s7+$0x6DA0];
	v21 =	vmul.f32 v21, v61;
	[tilespmem:s7+$0x8D30] =	vst v23  }
0x190: {  	v29 =	vld [tilespmem:s7+$0x6DB0];
	v43 =	vperm.xlane v17, v4;
	v19 =	vmul.f32 v19, v40;
	[tilespmem:s7+$0x8D40] =	vst v22  }
0x191: {  	v30 =	vld [tilespmem:s7+$0x6DC0];
	v20 =	vmul.f32 v20, v40;
	[tilespmem:s7+$0x8D50] =	vst v21  }
0x192: {  	v32 =	vld [tilespmem:s7+$0x6DD0];
	v45 =	vperm.xlane v17, v5;
	v18 =	vmul.f32 v18, v43;
	[tilespmem:s7+$0x8D60] =	vst v19  }
0x193: {  	v33 =	vld [tilespmem:s7+$0x6DE0];
	v27 =	vmul.f32 v27, v43;
	[tilespmem:s7+$0x8D70] =	vst v20  }
0x194: {  	v34 =	vld [tilespmem:s7+$0x6DF0];
	v47 =	vperm.xlane v17, v6;
	v28 =	vmul.f32 v28, v45;
	[tilespmem:s7+$0x8D80] =	vst v18  }
0x195: {  	v35 =	vld [tilespmem:s7+$0x6E00];
	v29 =	vmul.f32 v29, v45;
	[tilespmem:s7+$0x8D90] =	vst v27  }
0x196: {  	v59 =	vld [tilespmem:s7+$0x6E10];
	v50 =	vperm.xlane v17, v7;
	v30 =	vmul.f32 v30, v47;
	[tilespmem:s7+$0x8DA0] =	vst v28  }
0x197: {  	v60 =	vld [tilespmem:s7+$0x6E20];
	v31 =	vmul.f32 v32, v47;
	[tilespmem:s7+$0x8DB0] =	vst v29  }
0x198: {  	v62 =	vld [tilespmem:s7+$0x6E30];
	v53 =	vperm.xlane v17, v8;
	v52 =	vmul.f32 v33, v50;
	[tilespmem:s7+$0x8DC0] =	vst v30  }
0x199: {  	v63 =	vld [tilespmem:s7+$0x6E40];
	v34 =	vmul.f32 v34, v50;
	[tilespmem:s7+$0x8DD0] =	vst v31  }
0x19a: {  	v41 =	vld [tilespmem:s7+$0x6E50];
	v55 =	vperm.xlane v17, v9;
	v35 =	vmul.f32 v35, v53;
	[tilespmem:s7+$0x8DE0] =	vst v52  }
0x19b: {  	v42 =	vld [tilespmem:s7+$0x6E60];
	v26 =	vmul.f32 v59, v53;
	[tilespmem:s7+$0x8DF0] =	vst v34  }
0x19c: {  	v44 =	vld [tilespmem:s7+$0x6E80];
	v57 =	vperm.xlane v17, v10;
	v25 =	vmul.f32 v60, v55;
	[tilespmem:s7+$0x8E00] =	vst v35  }
0x19d: {  	v19 =	vld [tilespmem:s7+$0x6E70];
	v24 =	vmul.f32 v62, v55;
	[tilespmem:s7+$0x8E10] =	vst v26  }
0x19e: {  	v46 =	vld [tilespmem:s7+$0x6EA0];
	v58 =	vperm.xlane v17, v11;
	v23 =	vmul.f32 v63, v57;
	[tilespmem:s7+$0x8E20] =	vst v25  }
0x19f: {  	v18 =	vld [tilespmem:s7+$0x6E90];
	v22 =	vmul.f32 v41, v57;
	v59 =	vperm.xlane v17, v12;
	[tilespmem:s7+$0x8E30] =	vst v24  }
0x1a0: {  	v48 =	vld [tilespmem:s7+$0x6EB0];
	v21 =	vmul.f32 v42, v58;
	[tilespmem:s7+$0x8E40] =	vst v23  }
0x1a1: {  	v49 =	vld [tilespmem:s7+$0x6EC0];
	v60 =	vperm.xlane v17, v13;
	[tilespmem:s7+$0x8E50] =	vst v22;
	v20 =	vmul.f32 v44, v59  }
0x1a2: {  	v51 =	vld [tilespmem:s7+$0x6ED0];
	[tilespmem:s7+$0x8E60] =	vst v21;
	v19 =	vmul.f32 v19, v58  }
0x1a3: {  	v54 =	vld [tilespmem:s7+$0x6EE0];
	v61 =	vmul.f32 v46, v60;
	[tilespmem:s7+$0x8E80] =	vst v20  }
0x1a4: {  	v56 =	vld [tilespmem:s7+$0x6EF0];
	v18 =	vmul.f32 v18, v59;
	[tilespmem:s7+$0x8E70] =	vst v19;
	v19 =	vperm.xlane v17, v14  }
0x1a5: {  	v62 =	vmul.f32 v48, v60;
	[tilespmem:s7+$0x8EA0] =	vst v61  }
0x1a6: {  	[tilespmem:s7+$0x8E90] =	vst v18;
	v17 =	vperm.xlane v17, v15;
	v18 =	vmul.f32 v49, v19  }
0x1a7: {  	[tilespmem:s7+$0x8EB0] =	vst v62;
	v19 =	vmul.f32 v51, v19  }
0x1a8: {  	s6 =	sadd.s32 $0x1, s6;
	v63 =	vmul.f32 v54, v17;
	[tilespmem:s7+$0x8EC0] =	vst v18  }
0x1a9: {  	p1 =	sne.s32 s6, $0x4;
	v17 =	vmul.f32 v56, v17;
	[tilespmem:s7+$0x8ED0] =	vst v19  }
.Ltmp2:
0x1aa: {  	[tilespmem:s7+$0x8EE0] =	vst v63;
	(pc) =	sbr.rel @p1 .LBB2_4-.Ltmp2, $4  }
0x1ab: {  	[tilespmem:s7+$0x8EF0] =	vst v17  }
0x1ac: {  	[spmem:s2] =	stream.indirect.scatter.add.f32 [tilespmem:s9], [sflag:$0x4], $0x20, s0, s21, $0xb8;
	[tilespmem:$0x1E900] =	vst v63  }
0x1ad: {  	_ = 	snop  }
0x1ae: {  	[spmem:s3] =	stream.indirect.scatter.add.f32 [tilespmem:s10], [sflag:$0x6], $0x1, s0, s21, $0xb8;
	[tilespmem:$0x1E900] =	vst v63  }
0x1af: {  	s16 =	sadd.s32 $0x1, s16  }
0x1b0: {  	p1 =	sne.s32 s16, $0xA  }
.Ltmp3:
0x1b1: {  	_ = 	snop;
	(pc) =	sbr.rel @p1 .LBB2_3-.Ltmp3, $1  }
0x1b2: {  	_ =	sdelay $0x3  }
0x1b3: {  	s14 =	sadd.s32 $0x1, s14  }
0x1b4: {  	p1 =	sne.s32 s14, $0x4  }
.Ltmp4:
0x1b5: {  	_ = 	snop;
	(pc) =	sbr.rel @p1 .LBB2_2-.Ltmp4, $1  }
0x1b6: {  	_ =	sdelay $0x3  }
0x1b7: {  	s1 =	simm.s32 $0x3  }
0x1b8: {  	_ =	swait.ge [sflag:s1], $0x1000  }
0x1b9: {  	[sflag:s1] =	ssyncset.done $0x0  }
0x1ba: {  	s14 =	simm.s32 $0x5;
	[sflag:s1] =	ssyncadd.s32 $0xFFFFF000  }
0x1bb: {  	_ =	swait.ge [sflag:s14], $0x80  }
0x1bc: {  	[sflag:s14] =	ssyncset.done $0x0  }
0x1bd: {  	s15 =	simm.s32 $0x4;
	[sflag:s14] =	ssyncadd.s32 $0xFFFFFF80  }
0x1be: {  	_ =	swait.ge [sflag:s15], $0x1000  }
0x1bf: {  	[sflag:s15] =	ssyncset.done $0x0  }
0x1c0: {  	s16 =	simm.s32 $0x6;
	[sflag:s15] =	ssyncadd.s32 $0xFFFFF000  }
0x1c1: {  	_ =	swait.ge [sflag:s16], $0x80  }
0x1c2: {  	[sflag:s16] =	ssyncset.done $0x0  }
0x1c3: {  	[sflag:s16] =	ssyncadd.s32 $0xFFFFFF80  }
0x1c4: {  	[bflag:$0x0] =	sbarrier.arrive $0xFFFF  }
0x1c5: {  	s6 =	rddreg [dreg:$0x9]  }
0x1c6: {  	s1 =	simm.s32 @!p0 $0x1C07;
	s12 =	rddreg [dreg:$0xc]  }
0x1c7: {  	[hbm:s6], [sflag:s1] =	dma.local @!p0 [spmem:s12], $0x28000  }
0x1c8: {  	s6 =	simm.s32 @!p0 $0x7  }
0x1c9: {  	_ =	swait.ge @!p0 [sflag:s6], $0x28000  }
0x1ca: {  	[sflag:s6] =	ssyncset.done @!p0 $0x0;
	s7 =	rddreg [dreg:$0xa]  }
0x1cb: {  	s13 =	rddreg [dreg:$0xd];
	[sflag:s6] =	ssyncadd.s32 @!p0 $0xFFFD8000  }
0x1cc: {  	[hbm:s7], [sflag:s1] =	dma.local @!p0 [spmem:s13], $0x1400  }
0x1cd: {  	_ =	swait.ge @!p0 [sflag:s6], $0x1400  }
0x1ce: {  	s19 =	rddreg [dreg:$0xe]  }
0x1cf: {  	s20 =	rddreg [dreg:$0xb];
	s7 =	sadd.s32 $0x1, s19  }
0x1d0: {  	p1 =	sne.s32 s7, s20  }
.Ltmp5:
0x1d1: {  	_ = 	snop;
	(pc) =	sbr.rel @p1 .LBB2_1-.Ltmp5, $3  }
0x1d2: {  	_ =	sdelay $0x1  }
0x1d3: {  	[sflag:s6] =	ssyncset.done @!p0 $0x0  }
0x1d4: {  	[sflag:s6] =	ssyncadd.s32 @!p0 $0xFFFFEC00  }
0x1d5: {  	_ =	sfence.sel $0x180000  }
0x1d6: {  	[bflag:$0x0] =	sbarrier.arrive $0xFFFF  }
0x1d7: {  	_ =	strace $0x90000047  }
0x1d8: {  	[bflag:$0x2] =	sbarrier.arrive $0xFFFF  }
0x1d9: {  	s0 =	rddreg [dreg:$0x4]  }
0x1da: {  	s0 =	sadd.s32 @!p0 $0x100000, s0  }
0x1db: {  	[sflag:s0] =	ssyncadd.tile.s32 @!p0 $0x1;
	_ =	shalt  }
.Lfunc_end2:
_tile_overlayer_lowered:
.L_overlay_start_2:
0x1dc: {  	(tag) =	ssettag $0x2  }
0x1dd: {  	s0 =	rddreg [dreg:$0x0];
	s2 =	stileid.u32  }
0x1de: {  	s1 =	rddreg [dreg:$0x1];
	p0 =	sne.s32 s2, $0x0  }
0x1df: {  	s3 =	rddreg [dreg:$0x2];
	[bflag:$0x3] =	sbarrier.arrive $0xFFFF;
	s2 =	simm.s32 @!p0 $0x1C07  }
0x1e0: {  	[timem:s3], [sflag:s2] =	dma.local @!p0 [hbm:s0], s1  }
0x1e1: {  	s0 =	simm.s32 @!p0 $0x7  }
0x1e2: {  	_ =	swait.ge @!p0 [sflag:s0], s1  }
0x1e3: {  	s1 =	ssub.s32 @!p0 $0x0, s1;
	[sflag:s0] =	ssyncset.done @!p0 $0x0  }
0x1e4: {  	[sflag:s0] =	ssyncadd.s32 @!p0 s1  }
0x1e5: {  	[bflag:$0x3] =	sbarrier.arrive $0xFFFF  }
0x1e6: {  	_ =	shalt  }

</sc_bundles>
